<compile_context>
chip_gen: v7x
topology: tpu7x:2x2x1
jax: 0.10.2.dev20260603
libtpu: 0.0.44.dev20260713+nightly
codegen_flags: <defaults>
</compile_context>

<pallas_src>
import functools

import jax
import jax.numpy as jnp
from jax import lax
from jax.experimental import pallas as pl
from jax.experimental.pallas import tpu as pltpu
from jax.experimental.pallas import tpu_sc as plsc

B, N1, N2 = 2, 1024, 1024
IN1, IN2, DIM = 256, 512, 256
POS_HID, ATTN_HID, KNN = 64, 64, 16
NPC = N1 + N2
TW = DIM + ATTN_HID + POS_HID
NW = 32
F32 = jnp.float32


def _dot(a, b):
    return jax.lax.dot_general(a, b, (((a.ndim - 1,), (0,)), ((), ())),
                               preferred_element_type=F32)


def _table_body(dec_x_ref, enc_x_ref, pc_ref, p1w, p1b, p2w, p2b, vw, vb,
                kw2, kb2, t_ref):
    j = pl.program_id(1)

    def emit(x):
        tv = _dot(x, vw[...]) + vb[...]
        tk = _dot(x, kw2[...]) + kb2[...]
        pad = jnp.zeros((tv.shape[0], 48), F32)
        t_ref[0] = jnp.concatenate([tv, tk, pc_ref[0], pad], axis=-1)

    @pl.when(j < 4)
    def _():
        emit(_dot(dec_x_ref[0], p1w[...]) + p1b[...])

    @pl.when(j >= 4)
    def _():
        emit(_dot(enc_x_ref[0], p2w[...]) + p2b[...])


def _build_table(dec_x, enc_x, pc16, p):
    blk = 256
    return pl.pallas_call(
        _table_body,
        grid=(B, NPC // blk),
        in_specs=[
            pl.BlockSpec((1, blk, IN1), lambda b, j: (b, jnp.minimum(j, 3), 0)),
            pl.BlockSpec((1, blk, IN2), lambda b, j: (b, jnp.maximum(j - 4, 0), 0)),
            pl.BlockSpec((1, blk, 16), lambda b, j: (b, j, 0)),
            pl.BlockSpec((IN1, DIM), lambda b, j: (0, 0)),
            pl.BlockSpec((1, DIM), lambda b, j: (0, 0)),
            pl.BlockSpec((IN2, DIM), lambda b, j: (0, 0)),
            pl.BlockSpec((1, DIM), lambda b, j: (0, 0)),
            pl.BlockSpec((DIM, DIM), lambda b, j: (0, 0)),
            pl.BlockSpec((1, DIM), lambda b, j: (0, 0)),
            pl.BlockSpec((DIM, ATTN_HID), lambda b, j: (0, 0)),
            pl.BlockSpec((1, ATTN_HID), lambda b, j: (0, 0)),
        ],
        out_specs=pl.BlockSpec((1, blk, TW), lambda b, j: (b, j, 0)),
        out_shape=jax.ShapeDtypeStruct((B, NPC, TW), F32),
    )(dec_x, enc_x, pc16, *p)


def _fps_body(pcp_ref, out_ref):
    pcp = pcp_ref[...]
    gidx = (lax.broadcasted_iota(jnp.int32, (B, 8, 256), 1) * 256
            + lax.broadcasted_iota(jnp.int32, (B, 8, 256), 2))
    BIGI = jnp.int32(1 << 30)

    def red2(x, fn):
        return fn(fn(x, axis=2, keepdims=True), axis=1, keepdims=True)

    def step(t, carry):
        dist, far = carry
        out_ref[pl.ds(t, 1), :] = jnp.reshape(far, (1, B))
        eq = gidx == far
        d = None
        for c in range(3):
            cc = red2(jnp.where(eq, pcp[:, c], 0.0), jnp.sum)
            dc = (pcp[:, c] - cc) ** 2
            d = dc if d is None else d + dc
        dist = jnp.minimum(dist, d)
        mx = red2(dist, jnp.max)
        far = red2(jnp.where(dist == mx, gidx, BIGI), jnp.min)
        return dist, far

    init = (jnp.full((B, 8, 256), 1e10, F32), jnp.zeros((B, 1, 1), jnp.int32))
    lax.fori_loop(0, N1, step, init)


def _fps(pc_fps):
    return pl.pallas_call(
        _fps_body,
        in_specs=[pl.BlockSpec((B, 3, 8, 256), lambda: (0, 0, 0, 0))],
        out_specs=pl.BlockSpec((N1, B), lambda: (0, 0)),
        out_shape=jax.ShapeDtypeStruct((N1, B), jnp.int32),
    )(pc_fps)


def _sc_mesh():
    return dict(mesh=plsc.VectorSubcoreMesh(core_axis_name="c",
                                            subcore_axis_name="s"))


def _wid():
    return lax.axis_index("s") * 2 + lax.axis_index("c")


def _gather_fps(t_flat, pc128_flat, fidx_flat):
    rpw = (B * N1) // NW

    @functools.partial(
        pl.kernel, **_sc_mesh(),
        out_type=[jax.ShapeDtypeStruct((B * N1, TW), F32),
                  jax.ShapeDtypeStruct((B * N1, 128), F32)],
        scratch_types=[pltpu.VMEM((rpw,), jnp.int32),
                       pltpu.VMEM((rpw, TW), F32),
                       pltpu.VMEM((rpw, 128), F32),
                       pltpu.SemaphoreType.DMA,
                       pltpu.SemaphoreType.DMA],
    )
    def k(t_hbm, pc_hbm, fidx_hbm, tf_hbm, pcf_hbm, idx_v, buft, bufp,
          semt, semp):
        w = _wid()
        b = w // 16
        base = w * rpw
        pltpu.sync_copy(fidx_hbm.at[pl.ds(base, rpw)], idx_v)
        for i in range(rpw // 16):
            idx_v[pl.ds(i * 16, 16)] = idx_v[pl.ds(i * 16, 16)] + b * NPC
        cpt = pltpu.async_copy(t_hbm.at[idx_v], buft, semt)
        cpp = pltpu.async_copy(pc_hbm.at[idx_v], bufp, semp)
        cpt.wait()
        pltpu.sync_copy(buft, tf_hbm.at[pl.ds(base, rpw)])
        cpp.wait()
        pltpu.sync_copy(bufp, pcf_hbm.at[pl.ds(base, rpw)])

    return k(t_flat, pc128_flat, fidx_flat)


def _gather_table(tf_flat, knn_flat):
    rpw = (B * N1 * KNN) // NW
    chunk = 128
    nch = rpw // chunk

    @functools.partial(
        pl.kernel, **_sc_mesh(),
        out_type=jax.ShapeDtypeStruct((B * N1 * KNN, TW), F32),
        scratch_types=[pltpu.VMEM((rpw,), jnp.int32),
                       pltpu.VMEM((chunk, TW), F32),
                       pltpu.VMEM((chunk, TW), F32),
                       pltpu.SemaphoreType.DMA,
                       pltpu.SemaphoreType.DMA],
    )
    def k(tf_hbm, knn_hbm, out_hbm, aidx_v, buf0, buf1, sem0, sem1):
        w = _wid()
        b = w // 16
        base = w * rpw
        pltpu.sync_copy(knn_hbm.at[pl.ds(base, rpw)], aidx_v)

        def shift(i, carry):
            aidx_v[pl.ds(i * 16, 16)] = aidx_v[pl.ds(i * 16, 16)] + b * N1
            return carry

        lax.fori_loop(0, rpw // 16, shift, 0)

        bufs, sems = (buf0, buf1), (sem0, sem1)
        prev = pltpu.async_copy(tf_hbm.at[aidx_v.at[pl.ds(0, chunk)]], buf0, sem0)
        for c in range(1, nch):
            cur = pltpu.async_copy(tf_hbm.at[aidx_v.at[pl.ds(c * chunk, chunk)]],
                                   bufs[c % 2], sems[c % 2])
            prev.wait()
            pltpu.sync_copy(bufs[(c - 1) % 2],
                            out_hbm.at[pl.ds(base + (c - 1) * chunk, chunk)])
            prev = cur
        prev.wait()
        pltpu.sync_copy(bufs[(nch - 1) % 2],
                        out_hbm.at[pl.ds(base + (nch - 1) * chunk, chunk)])

    return k(tf_flat, knn_flat)


def _knn_body(pc1_ref, pcfT_ref, knn_ref):
    pc1 = pc1_ref[0]
    pcfT = pcfT_ref[0]
    aa = ((pc1[:, 0:1] * pc1[:, 0:1] + pc1[:, 1:2] * pc1[:, 1:2])
          + pc1[:, 2:3] * pc1[:, 2:3])
    bb = ((pcfT[0:1, :] * pcfT[0:1, :] + pcfT[1:2, :] * pcfT[1:2, :])
          + pcfT[2:3, :] * pcfT[2:3, :])
    mat = aa - 2.0 * _dot(pc1, pcfT) + bb
    lane = lax.broadcasted_iota(jnp.int32, (N1, N1), 1)
    BIGI = jnp.int32(1 << 30)
    for t in range(KNN):
        mn = jnp.min(mat, axis=-1, keepdims=True)
        idx = jnp.min(jnp.where(mat == mn, lane, BIGI), axis=-1, keepdims=True)
        knn_ref[0, :, t:t + 1] = idx
        mat = jnp.where(lane == idx, jnp.inf, mat)


def _knn(dec_pc16, pcfT):
    return pl.pallas_call(
        _knn_body,
        grid=(B,),
        in_specs=[pl.BlockSpec((1, N1, 16), lambda b: (b, 0, 0)),
                  pl.BlockSpec((1, 16, N1), lambda b: (b, 0, 0))],
        out_specs=pl.BlockSpec((1, N1, KNN), lambda b: (b, 0, 0)),
        out_shape=jax.ShapeDtypeStruct((B, N1, KNN), jnp.int32),
    )(dec_pc16, pcfT)


def _stats1_body(gp_ref, pc_ref, w1p, b1, ssum_ref, ssq_ref):
    first = (pl.program_id(0) == 0) & (pl.program_id(1) == 0)
    pc1 = jnp.reshape(jnp.broadcast_to(pc_ref[0][:, None, :], (128, KNN, 16)),
                      (128 * KNN, 16))
    h = _dot(gp_ref[0][:, POS_HID:POS_HID + 16] - pc1, w1p[...]) + b1[...]
    ones = jnp.ones((1, h.shape[0]), F32)
    s = _dot(ones, h)
    q = _dot(ones, h * h)

    @pl.when(first)
    def _():
        ssum_ref[...] = s
        ssq_ref[...] = q

    @pl.when(jnp.logical_not(first))
    def _():
        ssum_ref[...] += s
        ssq_ref[...] += q


def _stats1(g, dec_pc16, w1p, b1r):
    return pl.pallas_call(
        _stats1_body,
        grid=(B, 8),
        in_specs=[
            pl.BlockSpec((1, 2048, 128), lambda b, i: (b, i, 2)),
            pl.BlockSpec((1, 128, 16), lambda b, i: (b, i, 0)),
            pl.BlockSpec((16, POS_HID), lambda b, i: (0, 0)),
            pl.BlockSpec((1, POS_HID), lambda b, i: (0, 0)),
        ],
        out_specs=[pl.BlockSpec((1, POS_HID), lambda b, i: (0, 0)),
                   pl.BlockSpec((1, POS_HID), lambda b, i: (0, 0))],
        out_shape=[jax.ShapeDtypeStruct((1, POS_HID), F32),
                   jax.ShapeDtypeStruct((1, POS_HID), F32)],
    )(g, dec_pc16, w1p, b1r)


def _mid_body(g_ref, dx_ref, pc_ref, wq3, bq3, w1p, b1, a1, c1, w2, b2, wpa,
              cpa, vp_ref, h2_ref, ssum_ref, ssq_ref):
    first = (pl.program_id(0) == 0) & (pl.program_id(1) == 0)
    g = g_ref[0]

    def rep16(x):
        h = x.shape[-1]
        return jnp.reshape(jnp.broadcast_to(x[:, None, :], (128, KNN, h)),
                           (128 * KNN, h))

    knn_pc = g[:, DIM + ATTN_HID:DIM + ATTN_HID + 16] - rep16(pc_ref[0])
    h1pre = _dot(knn_pc, w1p[...]) + b1[...]
    h1 = jnp.maximum(h1pre * a1[...] + c1[...], 0.0)
    pos = _dot(h1, w2[...]) + b2[...]
    vp_ref[0] = g[:, :DIM] + pos
    q3 = rep16(_dot(dx_ref[0], wq3[...]) + bq3[...])
    h2 = g[:, DIM:DIM + ATTN_HID] - q3 + _dot(h1, wpa[...]) + cpa[...]
    h2_ref[0] = h2
    ones = jnp.ones((1, h2.shape[0]), F32)
    s = _dot(ones, h2)
    q = _dot(ones, h2 * h2)

    @pl.when(first)
    def _():
        ssum_ref[...] = s
        ssq_ref[...] = q

    @pl.when(jnp.logical_not(first))
    def _():
        ssum_ref[...] += s
        ssq_ref[...] += q


def _mid(g, dec_x, dec_pc16, consts):
    return pl.pallas_call(
        _mid_body,
        grid=(B, 8),
        in_specs=[
            pl.BlockSpec((1, 2048, TW), lambda b, i: (b, i, 0)),
            pl.BlockSpec((1, 128, IN1), lambda b, i: (b, i, 0)),
            pl.BlockSpec((1, 128, 16), lambda b, i: (b, i, 0)),
            pl.BlockSpec((IN1, ATTN_HID), lambda b, i: (0, 0)),
            pl.BlockSpec((1, ATTN_HID), lambda b, i: (0, 0)),
            pl.BlockSpec((16, POS_HID), lambda b, i: (0, 0)),
            pl.BlockSpec((1, POS_HID), lambda b, i: (0, 0)),
            pl.BlockSpec((1, POS_HID), lambda b, i: (0, 0)),
            pl.BlockSpec((1, POS_HID), lambda b, i: (0, 0)),
            pl.BlockSpec((POS_HID, DIM), lambda b, i: (0, 0)),
            pl.BlockSpec((1, DIM), lambda b, i: (0, 0)),
            pl.BlockSpec((POS_HID, ATTN_HID), lambda b, i: (0, 0)),
            pl.BlockSpec((1, ATTN_HID), lambda b, i: (0, 0)),
        ],
        out_specs=[pl.BlockSpec((1, 2048, DIM), lambda b, i: (b, i, 0)),
                   pl.BlockSpec((1, 2048, ATTN_HID), lambda b, i: (b, i, 0)),
                   pl.BlockSpec((1, ATTN_HID), lambda b, i: (0, 0)),
                   pl.BlockSpec((1, ATTN_HID), lambda b, i: (0, 0))],
        out_shape=[jax.ShapeDtypeStruct((B, N1 * KNN, DIM), F32),
                   jax.ShapeDtypeStruct((B, N1 * KNN, ATTN_HID), F32),
                   jax.ShapeDtypeStruct((1, ATTN_HID), F32),
                   jax.ShapeDtypeStruct((1, ATTN_HID), F32)],
    )(g, dec_x, dec_pc16, *consts)


def _fin_body(vp_ref, h2_ref, dx_ref, a2, c2k, aw2, ab2, p1w, p1b, p2w, p2b,
              dec_ref, enc_ref):
    h2 = jnp.maximum(h2_ref[0] * a2[...] + c2k[...], 0.0)
    attn = _dot(h2, aw2[...]) + ab2[...]
    a3 = jnp.reshape(attn, (128, KNN, DIM))
    m = jnp.max(a3, axis=1, keepdims=True)
    e = jnp.exp(a3 - m)
    p = e / jnp.sum(e, axis=1, keepdims=True)
    vp3 = jnp.reshape(vp_ref[0], (128, KNN, DIM))
    out = jnp.sum(vp3 * p, axis=1)
    dec_ref[0] = _dot(out, p1w[...]) + p1b[...] + dx_ref[0]
    enc_ref[0] = _dot(out, p2w[...]) + p2b[...]


def _fin(vp, h2, dec_x, consts):
    return pl.pallas_call(
        _fin_body,
        grid=(B, 8),
        in_specs=[
            pl.BlockSpec((1, 2048, DIM), lambda b, i: (b, i, 0)),
            pl.BlockSpec((1, 2048, ATTN_HID), lambda b, i: (b, i, 0)),
            pl.BlockSpec((1, 128, IN1), lambda b, i: (b, i, 0)),
            pl.BlockSpec((1, ATTN_HID), lambda b, i: (0, 0)),
            pl.BlockSpec((1, ATTN_HID), lambda b, i: (0, 0)),
            pl.BlockSpec((ATTN_HID, DIM), lambda b, i: (0, 0)),
            pl.BlockSpec((1, DIM), lambda b, i: (0, 0)),
            pl.BlockSpec((DIM, IN1), lambda b, i: (0, 0)),
            pl.BlockSpec((1, IN1), lambda b, i: (0, 0)),
            pl.BlockSpec((DIM, IN2), lambda b, i: (0, 0)),
            pl.BlockSpec((1, IN2), lambda b, i: (0, 0)),
        ],
        out_specs=[pl.BlockSpec((1, 128, IN1), lambda b, i: (b, i, 0)),
                   pl.BlockSpec((1, 128, IN2), lambda b, i: (b, i, 0))],
        out_shape=[jax.ShapeDtypeStruct((B, N1, IN1), F32),
                   jax.ShapeDtypeStruct((B, N1, IN2), F32)],
    )(vp, h2, dec_x, *consts)


def kernel(dec_x, dec_pc, enc_x, enc_pc, params):
    p = params
    A1 = p['attn_W1']
    kw2 = p['k_W'] @ A1
    kb2 = p['k_b'] @ A1
    qa = p['q_W'] @ A1
    wq3 = p['pre1_W'] @ qa
    bq3 = p['pre1_b'] @ qa + p['q_b'] @ A1
    wpa = p['pos_W2'] @ A1
    cpa = p['pos_b2'] @ A1 + p['attn_b1']
    w1p = jnp.zeros((16, POS_HID), F32).at[:3].set(p['pos_W1'])

    pc = jnp.concatenate([dec_pc, enc_pc], axis=1)
    pc16 = jnp.pad(pc, ((0, 0), (0, 0), (0, 13)))
    dec_pc16 = jnp.pad(dec_pc, ((0, 0), (0, 0), (0, 13)))
    pc_fps = jnp.transpose(pc, (0, 2, 1)).reshape(B, 3, 8, 256)

    def r2(v):
        return v[None, :]

    t = _build_table(dec_x, enc_x, pc16,
                     (p['pre1_W'], r2(p['pre1_b']), p['pre2_W'], r2(p['pre2_b']),
                      p['v_W'], r2(p['v_b']), kw2, r2(kb2)))

    fidx_t = _fps(pc_fps)
    fidx_flat = jnp.transpose(fidx_t).reshape(-1)

    pc128 = jnp.pad(pc, ((0, 0), (0, 0), (0, 125)))
    tf, pcf = _gather_fps(t.reshape(B * NPC, TW), pc128.reshape(B * NPC, 128),
                          fidx_flat)
    pcfT = jnp.transpose(pcf[:, :16].reshape(B, N1, 16), (0, 2, 1))

    knn = _knn(dec_pc16, pcfT)

    g = _gather_table(tf, knn.reshape(-1)).reshape(B, N1 * KNN, TW)

    s1, q1 = _stats1(g, dec_pc16, w1p, r2(p['pos_b1']))
    n = float(B * N1 * KNN)
    mu1 = s1 / n
    var1 = q1 / n - mu1 * mu1
    a1 = p['pos_g'][None, :] * lax.rsqrt(var1 + 1e-5)
    c1 = p['pos_be'][None, :] - mu1 * a1

    vp, h2, s2, q2 = _mid(g, dec_x, dec_pc16,
                          (wq3, r2(bq3), w1p, r2(p['pos_b1']), a1, c1,
                           p['pos_W2'], r2(p['pos_b2']), wpa, r2(cpa)))
    mu2 = s2 / n
    var2 = q2 / n - mu2 * mu2
    a2 = p['attn_g'][None, :] * lax.rsqrt(var2 + 1e-5)
    c2k = p['attn_be'][None, :] - mu2 * a2

    dec_out, enc_out = _fin(vp, h2, dec_x,
                            (a2, c2k, p['attn_W2'], r2(p['attn_b2']),
                             p['post1_W'], r2(p['post1_b']),
                             p['post2_W'], r2(p['post2_b'])))
    return (dec_out, dec_pc, enc_out, enc_pc)

# --- scband reference (transcript-rebuilt; emitter-appended) ---
"""Pipeline reference for scband-decoder-30382598652307 (READ-ONLY COPY).

The authoritative reference and input builder live on the scoring server;
editing this copy changes nothing except your own understanding.
"""

import jax, jax.numpy as jnp
import numpy as np
from jax import lax

B, N1, N2 = 2, 1024, 1024
IN1, IN2, DIM = 256, 512, 256
POS_HID, ATTN_HID, KNN = 64, 64, 16


def dist_mat(a, b):
    aa = jnp.sum(a * a, axis=-1, keepdims=True)
    bb = jnp.sum(b * b, axis=-1, keepdims=True)
    return aa - 2.0 * jnp.einsum('bnc,bmc->bnm', a, b) + jnp.swapaxes(bb, 1, 2)


def gather_idx(x, idx):
    b = x.shape[0]
    flat = idx.reshape(b, -1)
    g = jnp.take_along_axis(x, flat[:, :, None], axis=1)
    return g.reshape(idx.shape + (x.shape[-1],))


def fps(pc, n):
    b, n_pts, _ = pc.shape
    def step(carry, _):
        dist, far = carry
        centroid = jnp.take_along_axis(pc, far[:, None, None], axis=1)[:, 0, :]
        d = jnp.sum((pc - centroid[:, None, :]) ** 2, axis=-1)
        dist = jnp.minimum(dist, d)
        nxt = jnp.argmax(dist, axis=-1).astype(jnp.int32)
        return (dist, nxt), far
    init = (jnp.full((b, n_pts), 1e10, jnp.float32), jnp.zeros((b,), jnp.int32))
    _, idxs = lax.scan(step, init, None, length=n)
    return jnp.transpose(idxs)


def bn(x, g, be, eps=1e-5):
    m = jnp.mean(x, axis=(0, 1, 2), keepdims=True)
    v = jnp.var(x, axis=(0, 1, 2), keepdims=True)
    return (x - m) / jnp.sqrt(v + eps) * g + be


def query_group(x, pc1, pc2, grp_size, cat_pc=False):
    mat = dist_mat(pc1, pc2)
    _, knn_indx = lax.top_k(lax.stop_gradient(-mat), grp_size)
    knn_pc = gather_idx(pc2, knn_indx) - pc1[:, :, None, :]
    knn_x = gather_idx(x, knn_indx)
    if cat_pc:
        return jnp.concatenate([knn_pc, knn_x], axis=-1)
    return knn_x


def forward(dec_x, dec_pc, enc_x, enc_pc, p):
    residue = dec_x
    dx = dec_x @ p['pre1_W'] + p['pre1_b']
    ex = enc_x @ p['pre2_W'] + p['pre2_b']
    pc = jnp.concatenate([dec_pc, enc_pc], axis=1)
    x = jnp.concatenate([dx, ex], axis=1)
    fidx = fps(lax.stop_gradient(pc), dec_pc.shape[1])
    pc_f = gather_idx(pc, fidx)
    x_f = gather_idx(x, fidx)
    q = dx @ p['q_W'] + p['q_b']
    k = x_f @ p['k_W'] + p['k_b']
    v = x_f @ p['v_W'] + p['v_b']
    k = query_group(k, dec_pc, pc_f, KNN, cat_pc=True)
    v = query_group(v, dec_pc, pc_f, KNN, cat_pc=False)
    pos, kf = k[..., :3], k[..., 3:]
    h = jax.nn.relu(bn(pos @ p['pos_W1'] + p['pos_b1'], p['pos_g'], p['pos_be']))
    pos = h @ p['pos_W2'] + p['pos_b2']
    attn = kf - q[:, :, None, :] + pos
    h = jax.nn.relu(bn(attn @ p['attn_W1'] + p['attn_b1'], p['attn_g'], p['attn_be']))
    attn = h @ p['attn_W2'] + p['attn_b2']
    attn = jax.nn.softmax(attn, axis=-2)
    out = jnp.sum((v + pos) * attn, axis=2)
    dec_out = out @ p['post1_W'] + p['post1_b'] + residue
    enc_out = out @ p['post2_W'] + p['post2_b']
    return (dec_out, dec_pc, enc_out, enc_pc)


def setup_inputs(seed: int = 0):
    key = jax.random.key(seed)
    ks = jax.random.split(key, 30)
    def w(i, shape):
        return jax.random.normal(ks[i], shape, jnp.float32) * 0.05
    params = {
        'pre1_W': w(4, (IN1, DIM)), 'pre1_b': jnp.zeros((DIM,), jnp.float32),
        'pre2_W': w(5, (IN2, DIM)), 'pre2_b': jnp.zeros((DIM,), jnp.float32),
        'q_W': w(6, (DIM, DIM)), 'q_b': jnp.zeros((DIM,), jnp.float32),
        'k_W': w(7, (DIM, DIM)), 'k_b': jnp.zeros((DIM,), jnp.float32),
        'v_W': w(8, (DIM, DIM)), 'v_b': jnp.zeros((DIM,), jnp.float32),
        'pos_W1': w(9, (3, POS_HID)), 'pos_b1': jnp.zeros((POS_HID,), jnp.float32),
        'pos_g': jnp.ones((POS_HID,), jnp.float32), 'pos_be': jnp.zeros((POS_HID,), jnp.float32),
        'pos_W2': w(10, (POS_HID, DIM)), 'pos_b2': jnp.zeros((DIM,), jnp.float32),
        'attn_W1': w(11, (DIM, ATTN_HID)), 'attn_b1': jnp.zeros((ATTN_HID,), jnp.float32),
        'attn_g': jnp.ones((ATTN_HID,), jnp.float32), 'attn_be': jnp.zeros((ATTN_HID,), jnp.float32),
        'attn_W2': w(12, (ATTN_HID, DIM)), 'attn_b2': jnp.zeros((DIM,), jnp.float32),
        'post1_W': w(13, (DIM, IN1)), 'post1_b': jnp.zeros((IN1,), jnp.float32),
        'post2_W': w(14, (DIM, IN2)), 'post2_b': jnp.zeros((IN2,), jnp.float32),
    }
    return {
        'dec_x': jax.random.normal(ks[0], (B, N1, IN1), jnp.float32),
        'dec_pc': jax.random.uniform(ks[1], (B, N1, 3), dtype=jnp.float32),
        'enc_x': jax.random.normal(ks[2], (B, N2, IN2), jnp.float32),
        'enc_pc': jax.random.uniform(ks[3], (B, N2, 3), dtype=jnp.float32),
        'params': params,
    }


def reference(dec_x, dec_pc, enc_x, enc_pc, params):
    return forward(dec_x, dec_pc, enc_x, enc_pc, params)

if __name__ == "__main__":
    import jax
    _d = setup_inputs()
    print(jax.jit(kernel)(*tuple(_d.values())))

</pallas_src>

<mosaic_0001>
#map = affine_map<(d0, d1) -> (0, 0)>
#map1 = affine_map<(d0, d1) -> (0)>
module attributes {stable_mosaic.version = 14 : i64} {
  func.func @k(%arg0: i32, %arg1: i32, %arg2: memref<2048x384xf32, #tpu.memory_space<hbm>>, %arg3: memref<32768xi32, #tpu.memory_space<hbm>>, %arg4: memref<32768x384xf32, #tpu.memory_space<hbm>>, %arg5: memref<1024xi32, #tpu.memory_space<vmem>>, %arg6: memref<128x384xf32, #tpu.memory_space<vmem>>, %arg7: memref<128x384xf32, #tpu.memory_space<vmem>>, %arg8: memref<!tpu.dma_semaphore, #tpu.memory_space<semaphore_mem>>, %arg9: memref<!tpu.dma_semaphore, #tpu.memory_space<semaphore_mem>>) attributes {dimension_semantics = [#tpu.dimension_semantics<core_parallel>, #tpu.dimension_semantics<subcore_parallel>], iteration_bounds = array<i64: 2, 16>, scalar_prefetch = 0 : i64, scratch_operands = 5 : i64, tpu.core_type = #tpu.core_type<sc_vector_subcore>, window_params = [{transform_indices = #map}, {transform_indices = #map1}, {transform_indices = #map}]} {
    %mul3A = arith.constant 2 : i32
    %mul3A_0 = arith.muli %arg1, %mul3A : i32
    %add3A = arith.addi %mul3A_0, %arg0 : i32
    %jit3A = arith.constant 16 : i32
    %div3A = arith.divsi %add3A, %jit3A : i32
    %sign3A = arith.constant 0 : i32
    %sign3A_1 = arith.cmpi sgt, %add3A, %sign3A : i32
    %sign3A_2 = arith.extui %sign3A_1 : i1 to i32
    %sign3A_3 = arith.constant 0 : i32
    %sign3A_4 = arith.cmpi slt, %add3A, %sign3A_3 : i32
    %sign3A_5 = arith.extui %sign3A_4 : i1 to i32
    %sign3A_6 = arith.subi %sign3A_2, %sign3A_5 : i32
    %sign3A_7 = arith.constant 0 : i32
    %sign3A_8 = arith.cmpi sgt, %jit3A, %sign3A_7 : i32
    %sign3A_9 = arith.extui %sign3A_8 : i1 to i32
    %sign3A_10 = arith.constant 0 : i32
    %sign3A_11 = arith.cmpi slt, %jit3A, %sign3A_10 : i32
    %sign3A_12 = arith.extui %sign3A_11 : i1 to i32
    %sign3A_13 = arith.subi %sign3A_9, %sign3A_12 : i32
    %ne3A = arith.cmpi ne, %sign3A_6, %sign3A_13 : i32
    %rem3A = arith.remsi %add3A, %jit3A : i32
    %ne3A_14 = arith.constant 0 : i32
    %ne3A_15 = arith.cmpi ne, %rem3A, %ne3A_14 : i32
    %and3A = arith.andi %ne3A, %ne3A_15 : i1
    %sub3A = arith.constant 1 : i32
    %sub3A_16 = arith.subi %div3A, %sub3A : i32
    %select_n3A = arith.select %and3A, %sub3A_16, %div3A : i32
    %mul3A_17 = arith.constant 1024 : i32
    %mul3A_18 = arith.muli %add3A, %mul3A_17 : i32
    "tpu.region"() ({
      %run_scoped3A = tpu.sem_alloc : memref<!tpu.dma_semaphore, #tpu.memory_space<semaphore_mem>>
      %dma_start3A_118 = tpu.memref_slice %arg3[%mul3A_18] : memref<32768xi32, #tpu.memory_space<hbm>> -> memref<1024xi32, #tpu.memory_space<hbm>>
      %dma_start3A_119 = tpu.memref_slice %arg3[%mul3A_18] : memref<32768xi32, #tpu.memory_space<hbm>> -> memref<1024xi32, #tpu.memory_space<hbm>>
      tpu.enqueue_dma source(%dma_start3A_119 : memref<1024xi32, #tpu.memory_space<hbm>>) target(%arg5 : memref<1024xi32, #tpu.memory_space<vmem>>) target_semaphore(%run_scoped3A : memref<!tpu.dma_semaphore, #tpu.memory_space<semaphore_mem>>)
      %dma_wait3A_120 = tpu.memref_slice %arg3[%mul3A_18] : memref<32768xi32, #tpu.memory_space<hbm>> -> memref<1024xi32, #tpu.memory_space<hbm>>
      %dma_wait3A_121 = tpu.memref_slice %arg3[%mul3A_18] : memref<32768xi32, #tpu.memory_space<hbm>> -> memref<1024xi32, #tpu.memory_space<hbm>>
      tpu.wait_dma2 semaphore(%run_scoped3A : memref<!tpu.dma_semaphore, #tpu.memory_space<semaphore_mem>>) src(%dma_wait3A_121 : memref<1024xi32, #tpu.memory_space<hbm>>) dst(%arg5 : memref<1024xi32, #tpu.memory_space<vmem>>)
      tpu.yield
    }) : () -> ()
    %scan3A = arith.constant 0 : i32
    %scan3A_19 = arith.constant 0 : i32
    %scan3A_20 = arith.constant 64 : i32
    %scan3A_21 = arith.addi %scan3A_19, %scan3A_20 : i32
    %scan3A_22 = arith.constant 1 : i32
    scf.for %scan3A_118 = %scan3A_19 to %scan3A_21 step %scan3A_22  : i32 {
      %mul3A_119 = arith.constant 16 : i32
      %mul3A_120 = arith.muli %scan3A_118, %mul3A_119 : i32
      %get3A = arith.index_cast %mul3A_120 : i32 to index
      %get3A_121 = tpu.vector_load %arg5[%get3A] {strides = array<i32>} : memref<1024xi32, #tpu.memory_space<vmem>>, vector<16xi32>,
      %get3A_122 = vector.shape_cast %get3A_121 : vector<16xi32> to vector<16xi32>
      %mul3A_123 = arith.constant 1024 : i32
      %mul3A_124 = arith.muli %select_n3A, %mul3A_123 : i32
      %add3A_125 = vector.broadcast %mul3A_124 : i32 to vector<16xi32>
      %add3A_126 = arith.addi %get3A_122, %add3A_125 : vector<16xi32>
      %mul3A_127 = arith.constant 16 : i32
      %mul3A_128 = arith.muli %scan3A_118, %mul3A_127 : i32
      %swap3A = arith.index_cast %mul3A_128 : i32 to index
      %swap3A_129 = tpu.vector_load %arg5[%swap3A] {strides = array<i32>} : memref<1024xi32, #tpu.memory_space<vmem>>, vector<16xi32>,
      %swap3A_130 = vector.shape_cast %swap3A_129 : vector<16xi32> to vector<16xi32>
      %swap3A_131 = vector.shape_cast %add3A_126 : vector<16xi32> to vector<16xi32>
      tpu.vector_store %arg5[%swap3A], %swap3A_131 {strides = array<i32>} : memref<1024xi32, #tpu.memory_space<vmem>>, vector<16xi32>,
    }
    %scan3A_23 = arith.constant 64 : i32
    %dma_start3A = arith.constant 0 : i32
    %dma_start3A_24 = tpu.memref_slice %arg5[%dma_start3A] : memref<1024xi32, #tpu.memory_space<vmem>> -> memref<128xi32, #tpu.memory_space<vmem>>
    %dma_start3A_25 = arith.constant 0 : i32
    %dma_start3A_26 = arith.constant 0 : i32
    %dma_start3A_27 = tpu.memref_slice %arg2[%dma_start3A_25, %dma_start3A_26] : memref<2048x384xf32, #tpu.memory_space<hbm>> -> memref<2048x384xf32, #tpu.memory_space<hbm>>
    tpu.enqueue_indirect_dma source(%dma_start3A_27 : memref<2048x384xf32, #tpu.memory_space<hbm>>) target(%arg6 : memref<128x384xf32, #tpu.memory_space<vmem>>) offsets(%dma_start3A_24 : memref<128xi32, #tpu.memory_space<vmem>>) semaphore(%arg8 : memref<!tpu.dma_semaphore, #tpu.memory_space<semaphore_mem>>)
    %dma_start3A_28 = arith.constant 128 : i32
    %dma_start3A_29 = tpu.memref_slice %arg5[%dma_start3A_28] : memref<1024xi32, #tpu.memory_space<vmem>> -> memref<128xi32, #tpu.memory_space<vmem>>
    %dma_start3A_30 = arith.constant 0 : i32
    %dma_start3A_31 = arith.constant 0 : i32
    %dma_start3A_32 = tpu.memref_slice %arg2[%dma_start3A_30, %dma_start3A_31] : memref<2048x384xf32, #tpu.memory_space<hbm>> -> memref<2048x384xf32, #tpu.memory_space<hbm>>
    tpu.enqueue_indirect_dma source(%dma_start3A_32 : memref<2048x384xf32, #tpu.memory_space<hbm>>) target(%arg7 : memref<128x384xf32, #tpu.memory_space<vmem>>) offsets(%dma_start3A_29 : memref<128xi32, #tpu.memory_space<vmem>>) semaphore(%arg9 : memref<!tpu.dma_semaphore, #tpu.memory_space<semaphore_mem>>)
    %dma_wait3A = arith.constant 0 : i32
    %dma_wait3A_33 = tpu.memref_slice %arg5[%dma_wait3A] : memref<1024xi32, #tpu.memory_space<vmem>> -> memref<128xi32, #tpu.memory_space<vmem>>
    %dma_wait3A_34 = arith.constant 0 : i32
    %dma_wait3A_35 = arith.constant 0 : i32
    %dma_wait3A_36 = tpu.memref_slice %arg2[%dma_wait3A_34, %dma_wait3A_35] : memref<2048x384xf32, #tpu.memory_space<hbm>> -> memref<2048x384xf32, #tpu.memory_space<hbm>>
    tpu.wait_indirect_dma semaphore(%arg8 : memref<!tpu.dma_semaphore, #tpu.memory_space<semaphore_mem>>) src(%dma_wait3A_36 : memref<2048x384xf32, #tpu.memory_space<hbm>>) dst(%arg6 : memref<128x384xf32, #tpu.memory_space<vmem>>)
    %add3A_37 = arith.constant 0 : i32
    %add3A_38 = arith.addi %mul3A_18, %add3A_37 : i32
    "tpu.region"() ({
      %run_scoped3A = tpu.sem_alloc : memref<!tpu.dma_semaphore, #tpu.memory_space<semaphore_mem>>
      %dma_start3A_118 = arith.constant 0 : i32
      %dma_start3A_119 = tpu.memref_slice %arg4[%add3A_38, %dma_start3A_118] : memref<32768x384xf32, #tpu.memory_space<hbm>> -> memref<128x384xf32, #tpu.memory_space<hbm>>
      %dma_start3A_120 = arith.constant 0 : i32
      %dma_start3A_121 = tpu.memref_slice %arg4[%add3A_38, %dma_start3A_120] : memref<32768x384xf32, #tpu.memory_space<hbm>> -> memref<128x384xf32, #tpu.memory_space<hbm>>
      tpu.enqueue_dma source(%arg6 : memref<128x384xf32, #tpu.memory_space<vmem>>) target(%dma_start3A_121 : memref<128x384xf32, #tpu.memory_space<hbm>>) target_semaphore(%run_scoped3A : memref<!tpu.dma_semaphore, #tpu.memory_space<semaphore_mem>>)
      %dma_wait3A_122 = arith.constant 0 : i32
      %dma_wait3A_123 = tpu.memref_slice %arg4[%add3A_38, %dma_wait3A_122] : memref<32768x384xf32, #tpu.memory_space<hbm>> -> memref<128x384xf32, #tpu.memory_space<hbm>>
      %dma_wait3A_124 = arith.constant 0 : i32
      %dma_wait3A_125 = tpu.memref_slice %arg4[%add3A_38, %dma_wait3A_124] : memref<32768x384xf32, #tpu.memory_space<hbm>> -> memref<128x384xf32, #tpu.memory_space<hbm>>
      tpu.wait_dma2 semaphore(%run_scoped3A : memref<!tpu.dma_semaphore, #tpu.memory_space<semaphore_mem>>) src(%arg6 : memref<128x384xf32, #tpu.memory_space<vmem>>) dst(%dma_wait3A_125 : memref<128x384xf32, #tpu.memory_space<hbm>>)
      tpu.yield
    }) : () -> ()
    %dma_start3A_39 = arith.constant 256 : i32
    %dma_start3A_40 = tpu.memref_slice %arg5[%dma_start3A_39] : memref<1024xi32, #tpu.memory_space<vmem>> -> memref<128xi32, #tpu.memory_space<vmem>>
    %dma_start3A_41 = arith.constant 0 : i32
    %dma_start3A_42 = arith.constant 0 : i32
    %dma_start3A_43 = tpu.memref_slice %arg2[%dma_start3A_41, %dma_start3A_42] : memref<2048x384xf32, #tpu.memory_space<hbm>> -> memref<2048x384xf32, #tpu.memory_space<hbm>>
    tpu.enqueue_indirect_dma source(%dma_start3A_43 : memref<2048x384xf32, #tpu.memory_space<hbm>>) target(%arg6 : memref<128x384xf32, #tpu.memory_space<vmem>>) offsets(%dma_start3A_40 : memref<128xi32, #tpu.memory_space<vmem>>) semaphore(%arg8 : memref<!tpu.dma_semaphore, #tpu.memory_space<semaphore_mem>>)
    %dma_wait3A_44 = arith.constant 128 : i32
    %dma_wait3A_45 = tpu.memref_slice %arg5[%dma_wait3A_44] : memref<1024xi32, #tpu.memory_space<vmem>> -> memref<128xi32, #tpu.memory_space<vmem>>
    %dma_wait3A_46 = arith.constant 0 : i32
    %dma_wait3A_47 = arith.constant 0 : i32
    %dma_wait3A_48 = tpu.memref_slice %arg2[%dma_wait3A_46, %dma_wait3A_47] : memref<2048x384xf32, #tpu.memory_space<hbm>> -> memref<2048x384xf32, #tpu.memory_space<hbm>>
    tpu.wait_indirect_dma semaphore(%arg9 : memref<!tpu.dma_semaphore, #tpu.memory_space<semaphore_mem>>) src(%dma_wait3A_48 : memref<2048x384xf32, #tpu.memory_space<hbm>>) dst(%arg7 : memref<128x384xf32, #tpu.memory_space<vmem>>)
    %add3A_49 = arith.constant 128 : i32
    %add3A_50 = arith.addi %mul3A_18, %add3A_49 : i32
    "tpu.region"() ({
      %run_scoped3A = tpu.sem_alloc : memref<!tpu.dma_semaphore, #tpu.memory_space<semaphore_mem>>
      %dma_start3A_118 = arith.constant 0 : i32
      %dma_start3A_119 = tpu.memref_slice %arg4[%add3A_50, %dma_start3A_118] : memref<32768x384xf32, #tpu.memory_space<hbm>> -> memref<128x384xf32, #tpu.memory_space<hbm>>
      %dma_start3A_120 = arith.constant 0 : i32
      %dma_start3A_121 = tpu.memref_slice %arg4[%add3A_50, %dma_start3A_120] : memref<32768x384xf32, #tpu.memory_space<hbm>> -> memref<128x384xf32, #tpu.memory_space<hbm>>
      tpu.enqueue_dma source(%arg7 : memref<128x384xf32, #tpu.memory_space<vmem>>) target(%dma_start3A_121 : memref<128x384xf32, #tpu.memory_space<hbm>>) target_semaphore(%run_scoped3A : memref<!tpu.dma_semaphore, #tpu.memory_space<semaphore_mem>>)
      %dma_wait3A_122 = arith.constant 0 : i32
      %dma_wait3A_123 = tpu.memref_slice %arg4[%add3A_50, %dma_wait3A_122] : memref<32768x384xf32, #tpu.memory_space<hbm>> -> memref<128x384xf32, #tpu.memory_space<hbm>>
      %dma_wait3A_124 = arith.constant 0 : i32
      %dma_wait3A_125 = tpu.memref_slice %arg4[%add3A_50, %dma_wait3A_124] : memref<32768x384xf32, #tpu.memory_space<hbm>> -> memref<128x384xf32, #tpu.memory_space<hbm>>
      tpu.wait_dma2 semaphore(%run_scoped3A : memref<!tpu.dma_semaphore, #tpu.memory_space<semaphore_mem>>) src(%arg7 : memref<128x384xf32, #tpu.memory_space<vmem>>) dst(%dma_wait3A_125 : memref<128x384xf32, #tpu.memory_space<hbm>>)
      tpu.yield
    }) : () -> ()
    %dma_start3A_51 = arith.constant 384 : i32
    %dma_start3A_52 = tpu.memref_slice %arg5[%dma_start3A_51] : memref<1024xi32, #tpu.memory_space<vmem>> -> memref<128xi32, #tpu.memory_space<vmem>>
    %dma_start3A_53 = arith.constant 0 : i32
    %dma_start3A_54 = arith.constant 0 : i32
    %dma_start3A_55 = tpu.memref_slice %arg2[%dma_start3A_53, %dma_start3A_54] : memref<2048x384xf32, #tpu.memory_space<hbm>> -> memref<2048x384xf32, #tpu.memory_space<hbm>>
    tpu.enqueue_indirect_dma source(%dma_start3A_55 : memref<2048x384xf32, #tpu.memory_space<hbm>>) target(%arg7 : memref<128x384xf32, #tpu.memory_space<vmem>>) offsets(%dma_start3A_52 : memref<128xi32, #tpu.memory_space<vmem>>) semaphore(%arg9 : memref<!tpu.dma_semaphore, #tpu.memory_space<semaphore_mem>>)
    %dma_wait3A_56 = arith.constant 256 : i32
    %dma_wait3A_57 = tpu.memref_slice %arg5[%dma_wait3A_56] : memref<1024xi32, #tpu.memory_space<vmem>> -> memref<128xi32, #tpu.memory_space<vmem>>
    %dma_wait3A_58 = arith.constant 0 : i32
    %dma_wait3A_59 = arith.constant 0 : i32
    %dma_wait3A_60 = tpu.memref_slice %arg2[%dma_wait3A_58, %dma_wait3A_59] : memref<2048x384xf32, #tpu.memory_space<hbm>> -> memref<2048x384xf32, #tpu.memory_space<hbm>>
    tpu.wait_indirect_dma semaphore(%arg8 : memref<!tpu.dma_semaphore, #tpu.memory_space<semaphore_mem>>) src(%dma_wait3A_60 : memref<2048x384xf32, #tpu.memory_space<hbm>>) dst(%arg6 : memref<128x384xf32, #tpu.memory_space<vmem>>)
    %add3A_61 = arith.constant 256 : i32
    %add3A_62 = arith.addi %mul3A_18, %add3A_61 : i32
    "tpu.region"() ({
      %run_scoped3A = tpu.sem_alloc : memref<!tpu.dma_semaphore, #tpu.memory_space<semaphore_mem>>
      %dma_start3A_118 = arith.constant 0 : i32
      %dma_start3A_119 = tpu.memref_slice %arg4[%add3A_62, %dma_start3A_118] : memref<32768x384xf32, #tpu.memory_space<hbm>> -> memref<128x384xf32, #tpu.memory_space<hbm>>
      %dma_start3A_120 = arith.constant 0 : i32
      %dma_start3A_121 = tpu.memref_slice %arg4[%add3A_62, %dma_start3A_120] : memref<32768x384xf32, #tpu.memory_space<hbm>> -> memref<128x384xf32, #tpu.memory_space<hbm>>
      tpu.enqueue_dma source(%arg6 : memref<128x384xf32, #tpu.memory_space<vmem>>) target(%dma_start3A_121 : memref<128x384xf32, #tpu.memory_space<hbm>>) target_semaphore(%run_scoped3A : memref<!tpu.dma_semaphore, #tpu.memory_space<semaphore_mem>>)
      %dma_wait3A_122 = arith.constant 0 : i32
      %dma_wait3A_123 = tpu.memref_slice %arg4[%add3A_62, %dma_wait3A_122] : memref<32768x384xf32, #tpu.memory_space<hbm>> -> memref<128x384xf32, #tpu.memory_space<hbm>>
      %dma_wait3A_124 = arith.constant 0 : i32
      %dma_wait3A_125 = tpu.memref_slice %arg4[%add3A_62, %dma_wait3A_124] : memref<32768x384xf32, #tpu.memory_space<hbm>> -> memref<128x384xf32, #tpu.memory_space<hbm>>
      tpu.wait_dma2 semaphore(%run_scoped3A : memref<!tpu.dma_semaphore, #tpu.memory_space<semaphore_mem>>) src(%arg6 : memref<128x384xf32, #tpu.memory_space<vmem>>) dst(%dma_wait3A_125 : memref<128x384xf32, #tpu.memory_space<hbm>>)
      tpu.yield
    }) : () -> ()
    %dma_start3A_63 = arith.constant 512 : i32
    %dma_start3A_64 = tpu.memref_slice %arg5[%dma_start3A_63] : memref<1024xi32, #tpu.memory_space<vmem>> -> memref<128xi32, #tpu.memory_space<vmem>>
    %dma_start3A_65 = arith.constant 0 : i32
    %dma_start3A_66 = arith.constant 0 : i32
    %dma_start3A_67 = tpu.memref_slice %arg2[%dma_start3A_65, %dma_start3A_66] : memref<2048x384xf32, #tpu.memory_space<hbm>> -> memref<2048x384xf32, #tpu.memory_space<hbm>>
    tpu.enqueue_indirect_dma source(%dma_start3A_67 : memref<2048x384xf32, #tpu.memory_space<hbm>>) target(%arg6 : memref<128x384xf32, #tpu.memory_space<vmem>>) offsets(%dma_start3A_64 : memref<128xi32, #tpu.memory_space<vmem>>) semaphore(%arg8 : memref<!tpu.dma_semaphore, #tpu.memory_space<semaphore_mem>>)
    %dma_wait3A_68 = arith.constant 384 : i32
    %dma_wait3A_69 = tpu.memref_slice %arg5[%dma_wait3A_68] : memref<1024xi32, #tpu.memory_space<vmem>> -> memref<128xi32, #tpu.memory_space<vmem>>
    %dma_wait3A_70 = arith.constant 0 : i32
    %dma_wait3A_71 = arith.constant 0 : i32
    %dma_wait3A_72 = tpu.memref_slice %arg2[%dma_wait3A_70, %dma_wait3A_71] : memref<2048x384xf32, #tpu.memory_space<hbm>> -> memref<2048x384xf32, #tpu.memory_space<hbm>>
    tpu.wait_indirect_dma semaphore(%arg9 : memref<!tpu.dma_semaphore, #tpu.memory_space<semaphore_mem>>) src(%dma_wait3A_72 : memref<2048x384xf32, #tpu.memory_space<hbm>>) dst(%arg7 : memref<128x384xf32, #tpu.memory_space<vmem>>)
    %add3A_73 = arith.constant 384 : i32
    %add3A_74 = arith.addi %mul3A_18, %add3A_73 : i32
    "tpu.region"() ({
      %run_scoped3A = tpu.sem_alloc : memref<!tpu.dma_semaphore, #tpu.memory_space<semaphore_mem>>
      %dma_start3A_118 = arith.constant 0 : i32
      %dma_start3A_119 = tpu.memref_slice %arg4[%add3A_74, %dma_start3A_118] : memref<32768x384xf32, #tpu.memory_space<hbm>> -> memref<128x384xf32, #tpu.memory_space<hbm>>
      %dma_start3A_120 = arith.constant 0 : i32
      %dma_start3A_121 = tpu.memref_slice %arg4[%add3A_74, %dma_start3A_120] : memref<32768x384xf32, #tpu.memory_space<hbm>> -> memref<128x384xf32, #tpu.memory_space<hbm>>
      tpu.enqueue_dma source(%arg7 : memref<128x384xf32, #tpu.memory_space<vmem>>) target(%dma_start3A_121 : memref<128x384xf32, #tpu.memory_space<hbm>>) target_semaphore(%run_scoped3A : memref<!tpu.dma_semaphore, #tpu.memory_space<semaphore_mem>>)
      %dma_wait3A_122 = arith.constant 0 : i32
      %dma_wait3A_123 = tpu.memref_slice %arg4[%add3A_74, %dma_wait3A_122] : memref<32768x384xf32, #tpu.memory_space<hbm>> -> memref<128x384xf32, #tpu.memory_space<hbm>>
      %dma_wait3A_124 = arith.constant 0 : i32
      %dma_wait3A_125 = tpu.memref_slice %arg4[%add3A_74, %dma_wait3A_124] : memref<32768x384xf32, #tpu.memory_space<hbm>> -> memref<128x384xf32, #tpu.memory_space<hbm>>
      tpu.wait_dma2 semaphore(%run_scoped3A : memref<!tpu.dma_semaphore, #tpu.memory_space<semaphore_mem>>) src(%arg7 : memref<128x384xf32, #tpu.memory_space<vmem>>) dst(%dma_wait3A_125 : memref<128x384xf32, #tpu.memory_space<hbm>>)
      tpu.yield
    }) : () -> ()
    %dma_start3A_75 = arith.constant 640 : i32
    %dma_start3A_76 = tpu.memref_slice %arg5[%dma_start3A_75] : memref<1024xi32, #tpu.memory_space<vmem>> -> memref<128xi32, #tpu.memory_space<vmem>>
    %dma_start3A_77 = arith.constant 0 : i32
    %dma_start3A_78 = arith.constant 0 : i32
    %dma_start3A_79 = tpu.memref_slice %arg2[%dma_start3A_77, %dma_start3A_78] : memref<2048x384xf32, #tpu.memory_space<hbm>> -> memref<2048x384xf32, #tpu.memory_space<hbm>>
    tpu.enqueue_indirect_dma source(%dma_start3A_79 : memref<2048x384xf32, #tpu.memory_space<hbm>>) target(%arg7 : memref<128x384xf32, #tpu.memory_space<vmem>>) offsets(%dma_start3A_76 : memref<128xi32, #tpu.memory_space<vmem>>) semaphore(%arg9 : memref<!tpu.dma_semaphore, #tpu.memory_space<semaphore_mem>>)
    %dma_wait3A_80 = arith.constant 512 : i32
    %dma_wait3A_81 = tpu.memref_slice %arg5[%dma_wait3A_80] : memref<1024xi32, #tpu.memory_space<vmem>> -> memref<128xi32, #tpu.memory_space<vmem>>
    %dma_wait3A_82 = arith.constant 0 : i32
    %dma_wait3A_83 = arith.constant 0 : i32
    %dma_wait3A_84 = tpu.memref_slice %arg2[%dma_wait3A_82, %dma_wait3A_83] : memref<2048x384xf32, #tpu.memory_space<hbm>> -> memref<2048x384xf32, #tpu.memory_space<hbm>>
    tpu.wait_indirect_dma semaphore(%arg8 : memref<!tpu.dma_semaphore, #tpu.memory_space<semaphore_mem>>) src(%dma_wait3A_84 : memref<2048x384xf32, #tpu.memory_space<hbm>>) dst(%arg6 : memref<128x384xf32, #tpu.memory_space<vmem>>)
    %add3A_85 = arith.constant 512 : i32
    %add3A_86 = arith.addi %mul3A_18, %add3A_85 : i32
    "tpu.region"() ({
      %run_scoped3A = tpu.sem_alloc : memref<!tpu.dma_semaphore, #tpu.memory_space<semaphore_mem>>
      %dma_start3A_118 = arith.constant 0 : i32
      %dma_start3A_119 = tpu.memref_slice %arg4[%add3A_86, %dma_start3A_118] : memref<32768x384xf32, #tpu.memory_space<hbm>> -> memref<128x384xf32, #tpu.memory_space<hbm>>
      %dma_start3A_120 = arith.constant 0 : i32
      %dma_start3A_121 = tpu.memref_slice %arg4[%add3A_86, %dma_start3A_120] : memref<32768x384xf32, #tpu.memory_space<hbm>> -> memref<128x384xf32, #tpu.memory_space<hbm>>
      tpu.enqueue_dma source(%arg6 : memref<128x384xf32, #tpu.memory_space<vmem>>) target(%dma_start3A_121 : memref<128x384xf32, #tpu.memory_space<hbm>>) target_semaphore(%run_scoped3A : memref<!tpu.dma_semaphore, #tpu.memory_space<semaphore_mem>>)
      %dma_wait3A_122 = arith.constant 0 : i32
      %dma_wait3A_123 = tpu.memref_slice %arg4[%add3A_86, %dma_wait3A_122] : memref<32768x384xf32, #tpu.memory_space<hbm>> -> memref<128x384xf32, #tpu.memory_space<hbm>>
      %dma_wait3A_124 = arith.constant 0 : i32
      %dma_wait3A_125 = tpu.memref_slice %arg4[%add3A_86, %dma_wait3A_124] : memref<32768x384xf32, #tpu.memory_space<hbm>> -> memref<128x384xf32, #tpu.memory_space<hbm>>
      tpu.wait_dma2 semaphore(%run_scoped3A : memref<!tpu.dma_semaphore, #tpu.memory_space<semaphore_mem>>) src(%arg6 : memref<128x384xf32, #tpu.memory_space<vmem>>) dst(%dma_wait3A_125 : memref<128x384xf32, #tpu.memory_space<hbm>>)
      tpu.yield
    }) : () -> ()
    %dma_start3A_87 = arith.constant 768 : i32
    %dma_start3A_88 = tpu.memref_slice %arg5[%dma_start3A_87] : memref<1024xi32, #tpu.memory_space<vmem>> -> memref<128xi32, #tpu.memory_space<vmem>>
    %dma_start3A_89 = arith.constant 0 : i32
    %dma_start3A_90 = arith.constant 0 : i32
    %dma_start3A_91 = tpu.memref_slice %arg2[%dma_start3A_89, %dma_start3A_90] : memref<2048x384xf32, #tpu.memory_space<hbm>> -> memref<2048x384xf32, #tpu.memory_space<hbm>>
    tpu.enqueue_indirect_dma source(%dma_start3A_91 : memref<2048x384xf32, #tpu.memory_space<hbm>>) target(%arg6 : memref<128x384xf32, #tpu.memory_space<vmem>>) offsets(%dma_start3A_88 : memref<128xi32, #tpu.memory_space<vmem>>) semaphore(%arg8 : memref<!tpu.dma_semaphore, #tpu.memory_space<semaphore_mem>>)
    %dma_wait3A_92 = arith.constant 640 : i32
    %dma_wait3A_93 = tpu.memref_slice %arg5[%dma_wait3A_92] : memref<1024xi32, #tpu.memory_space<vmem>> -> memref<128xi32, #tpu.memory_space<vmem>>
    %dma_wait3A_94 = arith.constant 0 : i32
    %dma_wait3A_95 = arith.constant 0 : i32
    %dma_wait3A_96 = tpu.memref_slice %arg2[%dma_wait3A_94, %dma_wait3A_95] : memref<2048x384xf32, #tpu.memory_space<hbm>> -> memref<2048x384xf32, #tpu.memory_space<hbm>>
    tpu.wait_indirect_dma semaphore(%arg9 : memref<!tpu.dma_semaphore, #tpu.memory_space<semaphore_mem>>) src(%dma_wait3A_96 : memref<2048x384xf32, #tpu.memory_space<hbm>>) dst(%arg7 : memref<128x384xf32, #tpu.memory_space<vmem>>)
    %add3A_97 = arith.constant 640 : i32
    %add3A_98 = arith.addi %mul3A_18, %add3A_97 : i32
    "tpu.region"() ({
      %run_scoped3A = tpu.sem_alloc : memref<!tpu.dma_semaphore, #tpu.memory_space<semaphore_mem>>
      %dma_start3A_118 = arith.constant 0 : i32
      %dma_start3A_119 = tpu.memref_slice %arg4[%add3A_98, %dma_start3A_118] : memref<32768x384xf32, #tpu.memory_space<hbm>> -> memref<128x384xf32, #tpu.memory_space<hbm>>
      %dma_start3A_120 = arith.constant 0 : i32
      %dma_start3A_121 = tpu.memref_slice %arg4[%add3A_98, %dma_start3A_120] : memref<32768x384xf32, #tpu.memory_space<hbm>> -> memref<128x384xf32, #tpu.memory_space<hbm>>
      tpu.enqueue_dma source(%arg7 : memref<128x384xf32, #tpu.memory_space<vmem>>) target(%dma_start3A_121 : memref<128x384xf32, #tpu.memory_space<hbm>>) target_semaphore(%run_scoped3A : memref<!tpu.dma_semaphore, #tpu.memory_space<semaphore_mem>>)
      %dma_wait3A_122 = arith.constant 0 : i32
      %dma_wait3A_123 = tpu.memref_slice %arg4[%add3A_98, %dma_wait3A_122] : memref<32768x384xf32, #tpu.memory_space<hbm>> -> memref<128x384xf32, #tpu.memory_space<hbm>>
      %dma_wait3A_124 = arith.constant 0 : i32
      %dma_wait3A_125 = tpu.memref_slice %arg4[%add3A_98, %dma_wait3A_124] : memref<32768x384xf32, #tpu.memory_space<hbm>> -> memref<128x384xf32, #tpu.memory_space<hbm>>
      tpu.wait_dma2 semaphore(%run_scoped3A : memref<!tpu.dma_semaphore, #tpu.memory_space<semaphore_mem>>) src(%arg7 : memref<128x384xf32, #tpu.memory_space<vmem>>) dst(%dma_wait3A_125 : memref<128x384xf32, #tpu.memory_space<hbm>>)
      tpu.yield
    }) : () -> ()
    %dma_start3A_99 = arith.constant 896 : i32
    %dma_start3A_100 = tpu.memref_slice %arg5[%dma_start3A_99] : memref<1024xi32, #tpu.memory_space<vmem>> -> memref<128xi32, #tpu.memory_space<vmem>>
    %dma_start3A_101 = arith.constant 0 : i32
    %dma_start3A_102 = arith.constant 0 : i32
    %dma_start3A_103 = tpu.memref_slice %arg2[%dma_start3A_101, %dma_start3A_102] : memref<2048x384xf32, #tpu.memory_space<hbm>> -> memref<2048x384xf32, #tpu.memory_space<hbm>>
    tpu.enqueue_indirect_dma source(%dma_start3A_103 : memref<2048x384xf32, #tpu.memory_space<hbm>>) target(%arg7 : memref<128x384xf32, #tpu.memory_space<vmem>>) offsets(%dma_start3A_100 : memref<128xi32, #tpu.memory_space<vmem>>) semaphore(%arg9 : memref<!tpu.dma_semaphore, #tpu.memory_space<semaphore_mem>>)
    %dma_wait3A_104 = arith.constant 768 : i32
    %dma_wait3A_105 = tpu.memref_slice %arg5[%dma_wait3A_104] : memref<1024xi32, #tpu.memory_space<vmem>> -> memref<128xi32, #tpu.memory_space<vmem>>
    %dma_wait3A_106 = arith.constant 0 : i32
    %dma_wait3A_107 = arith.constant 0 : i32
    %dma_wait3A_108 = tpu.memref_slice %arg2[%dma_wait3A_106, %dma_wait3A_107] : memref<2048x384xf32, #tpu.memory_space<hbm>> -> memref<2048x384xf32, #tpu.memory_space<hbm>>
    tpu.wait_indirect_dma semaphore(%arg8 : memref<!tpu.dma_semaphore, #tpu.memory_space<semaphore_mem>>) src(%dma_wait3A_108 : memref<2048x384xf32, #tpu.memory_space<hbm>>) dst(%arg6 : memref<128x384xf32, #tpu.memory_space<vmem>>)
    %add3A_109 = arith.constant 768 : i32
    %add3A_110 = arith.addi %mul3A_18, %add3A_109 : i32
    "tpu.region"() ({
      %run_scoped3A = tpu.sem_alloc : memref<!tpu.dma_semaphore, #tpu.memory_space<semaphore_mem>>
      %dma_start3A_118 = arith.constant 0 : i32
      %dma_start3A_119 = tpu.memref_slice %arg4[%add3A_110, %dma_start3A_118] : memref<32768x384xf32, #tpu.memory_space<hbm>> -> memref<128x384xf32, #tpu.memory_space<hbm>>
      %dma_start3A_120 = arith.constant 0 : i32
      %dma_start3A_121 = tpu.memref_slice %arg4[%add3A_110, %dma_start3A_120] : memref<32768x384xf32, #tpu.memory_space<hbm>> -> memref<128x384xf32, #tpu.memory_space<hbm>>
      tpu.enqueue_dma source(%arg6 : memref<128x384xf32, #tpu.memory_space<vmem>>) target(%dma_start3A_121 : memref<128x384xf32, #tpu.memory_space<hbm>>) target_semaphore(%run_scoped3A : memref<!tpu.dma_semaphore, #tpu.memory_space<semaphore_mem>>)
      %dma_wait3A_122 = arith.constant 0 : i32
      %dma_wait3A_123 = tpu.memref_slice %arg4[%add3A_110, %dma_wait3A_122] : memref<32768x384xf32, #tpu.memory_space<hbm>> -> memref<128x384xf32, #tpu.memory_space<hbm>>
      %dma_wait3A_124 = arith.constant 0 : i32
      %dma_wait3A_125 = tpu.memref_slice %arg4[%add3A_110, %dma_wait3A_124] : memref<32768x384xf32, #tpu.memory_space<hbm>> -> memref<128x384xf32, #tpu.memory_space<hbm>>
      tpu.wait_dma2 semaphore(%run_scoped3A : memref<!tpu.dma_semaphore, #tpu.memory_space<semaphore_mem>>) src(%arg6 : memref<128x384xf32, #tpu.memory_space<vmem>>) dst(%dma_wait3A_125 : memref<128x384xf32, #tpu.memory_space<hbm>>)
      tpu.yield
    }) : () -> ()
    %dma_wait3A_111 = arith.constant 896 : i32
    %dma_wait3A_112 = tpu.memref_slice %arg5[%dma_wait3A_111] : memref<1024xi32, #tpu.memory_space<vmem>> -> memref<128xi32, #tpu.memory_space<vmem>>
    %dma_wait3A_113 = arith.constant 0 : i32
    %dma_wait3A_114 = arith.constant 0 : i32
    %dma_wait3A_115 = tpu.memref_slice %arg2[%dma_wait3A_113, %dma_wait3A_114] : memref<2048x384xf32, #tpu.memory_space<hbm>> -> memref<2048x384xf32, #tpu.memory_space<hbm>>
    tpu.wait_indirect_dma semaphore(%arg9 : memref<!tpu.dma_semaphore, #tpu.memory_space<semaphore_mem>>) src(%dma_wait3A_115 : memref<2048x384xf32, #tpu.memory_space<hbm>>) dst(%arg7 : memref<128x384xf32, #tpu.memory_space<vmem>>)
    %add3A_116 = arith.constant 896 : i32
    %add3A_117 = arith.addi %mul3A_18, %add3A_116 : i32
    "tpu.region"() ({
      %run_scoped3A = tpu.sem_alloc : memref<!tpu.dma_semaphore, #tpu.memory_space<semaphore_mem>>
      %dma_start3A_118 = arith.constant 0 : i32
      %dma_start3A_119 = tpu.memref_slice %arg4[%add3A_117, %dma_start3A_118] : memref<32768x384xf32, #tpu.memory_space<hbm>> -> memref<128x384xf32, #tpu.memory_space<hbm>>
      %dma_start3A_120 = arith.constant 0 : i32
      %dma_start3A_121 = tpu.memref_slice %arg4[%add3A_117, %dma_start3A_120] : memref<32768x384xf32, #tpu.memory_space<hbm>> -> memref<128x384xf32, #tpu.memory_space<hbm>>
      tpu.enqueue_dma source(%arg7 : memref<128x384xf32, #tpu.memory_space<vmem>>) target(%dma_start3A_121 : memref<128x384xf32, #tpu.memory_space<hbm>>) target_semaphore(%run_scoped3A : memref<!tpu.dma_semaphore, #tpu.memory_space<semaphore_mem>>)
      %dma_wait3A_122 = arith.constant 0 : i32
      %dma_wait3A_123 = tpu.memref_slice %arg4[%add3A_117, %dma_wait3A_122] : memref<32768x384xf32, #tpu.memory_space<hbm>> -> memref<128x384xf32, #tpu.memory_space<hbm>>
      %dma_wait3A_124 = arith.constant 0 : i32
      %dma_wait3A_125 = tpu.memref_slice %arg4[%add3A_117, %dma_wait3A_124] : memref<32768x384xf32, #tpu.memory_space<hbm>> -> memref<128x384xf32, #tpu.memory_space<hbm>>
      tpu.wait_dma2 semaphore(%run_scoped3A : memref<!tpu.dma_semaphore, #tpu.memory_space<semaphore_mem>>) src(%arg7 : memref<128x384xf32, #tpu.memory_space<vmem>>) dst(%dma_wait3A_125 : memref<128x384xf32, #tpu.memory_space<hbm>>)
      tpu.yield
    }) : () -> ()
    return
  }
}

#map = affine_map<(d0, d1) -> (0, 0)>
#map1 = affine_map<(d0, d1) -> (0)>
module attributes {stable_mosaic.version = 14 : i64} {
  func.func @k(%arg0: i32, %arg1: i32, %arg2: memref<4096x384xf32, #tpu.memory_space<hbm>>, %arg3: memref<4096x128xf32, #tpu.memory_space<hbm>>, %arg4: memref<2048xi32, #tpu.memory_space<hbm>>, %arg5: memref<2048x384xf32, #tpu.memory_space<hbm>>, %arg6: memref<2048x128xf32, #tpu.memory_space<hbm>>, %arg7: memref<64xi32, #tpu.memory_space<vmem>>, %arg8: memref<64x384xf32, #tpu.memory_space<vmem>>, %arg9: memref<64x128xf32, #tpu.memory_space<vmem>>, %arg10: memref<!tpu.dma_semaphore, #tpu.memory_space<semaphore_mem>>, %arg11: memref<!tpu.dma_semaphore, #tpu.memory_space<semaphore_mem>>) attributes {dimension_semantics = [#tpu.dimension_semantics<core_parallel>, #tpu.dimension_semantics<subcore_parallel>], iteration_bounds = array<i64: 2, 16>, scalar_prefetch = 0 : i64, scratch_operands = 5 : i64, tpu.core_type = #tpu.core_type<sc_vector_subcore>, window_params = [{transform_indices = #map}, {transform_indices = #map}, {transform_indices = #map1}, {transform_indices = #map}, {transform_indices = #map}]} {
    %mul3A = arith.constant 2 : i32
    %mul3A_0 = arith.muli %arg1, %mul3A : i32
    %add3A = arith.addi %mul3A_0, %arg0 : i32
    %jit3A = arith.constant 16 : i32
    %div3A = arith.divsi %add3A, %jit3A : i32
    %sign3A = arith.constant 0 : i32
    %sign3A_1 = arith.cmpi sgt, %add3A, %sign3A : i32
    %sign3A_2 = arith.extui %sign3A_1 : i1 to i32
    %sign3A_3 = arith.constant 0 : i32
    %sign3A_4 = arith.cmpi slt, %add3A, %sign3A_3 : i32
    %sign3A_5 = arith.extui %sign3A_4 : i1 to i32
    %sign3A_6 = arith.subi %sign3A_2, %sign3A_5 : i32
    %sign3A_7 = arith.constant 0 : i32
    %sign3A_8 = arith.cmpi sgt, %jit3A, %sign3A_7 : i32
    %sign3A_9 = arith.extui %sign3A_8 : i1 to i32
    %sign3A_10 = arith.constant 0 : i32
    %sign3A_11 = arith.cmpi slt, %jit3A, %sign3A_10 : i32
    %sign3A_12 = arith.extui %sign3A_11 : i1 to i32
    %sign3A_13 = arith.subi %sign3A_9, %sign3A_12 : i32
    %ne3A = arith.cmpi ne, %sign3A_6, %sign3A_13 : i32
    %rem3A = arith.remsi %add3A, %jit3A : i32
    %ne3A_14 = arith.constant 0 : i32
    %ne3A_15 = arith.cmpi ne, %rem3A, %ne3A_14 : i32
    %and3A = arith.andi %ne3A, %ne3A_15 : i1
    %sub3A = arith.constant 1 : i32
    %sub3A_16 = arith.subi %div3A, %sub3A : i32
    %select_n3A = arith.select %and3A, %sub3A_16, %div3A : i32
    %mul3A_17 = arith.constant 64 : i32
    %mul3A_18 = arith.muli %add3A, %mul3A_17 : i32
    "tpu.region"() ({
      %run_scoped3A = tpu.sem_alloc : memref<!tpu.dma_semaphore, #tpu.memory_space<semaphore_mem>>
      %dma_start3A_71 = tpu.memref_slice %arg4[%mul3A_18] : memref<2048xi32, #tpu.memory_space<hbm>> -> memref<64xi32, #tpu.memory_space<hbm>>
      %dma_start3A_72 = tpu.memref_slice %arg4[%mul3A_18] : memref<2048xi32, #tpu.memory_space<hbm>> -> memref<64xi32, #tpu.memory_space<hbm>>
      tpu.enqueue_dma source(%dma_start3A_72 : memref<64xi32, #tpu.memory_space<hbm>>) target(%arg7 : memref<64xi32, #tpu.memory_space<vmem>>) target_semaphore(%run_scoped3A : memref<!tpu.dma_semaphore, #tpu.memory_space<semaphore_mem>>)
      %dma_wait3A_73 = tpu.memref_slice %arg4[%mul3A_18] : memref<2048xi32, #tpu.memory_space<hbm>> -> memref<64xi32, #tpu.memory_space<hbm>>
      %dma_wait3A_74 = tpu.memref_slice %arg4[%mul3A_18] : memref<2048xi32, #tpu.memory_space<hbm>> -> memref<64xi32, #tpu.memory_space<hbm>>
      tpu.wait_dma2 semaphore(%run_scoped3A : memref<!tpu.dma_semaphore, #tpu.memory_space<semaphore_mem>>) src(%dma_wait3A_74 : memref<64xi32, #tpu.memory_space<hbm>>) dst(%arg7 : memref<64xi32, #tpu.memory_space<vmem>>)
      tpu.yield
    }) : () -> ()
    %get3A = arith.constant 0 : index
    %get3A_19 = tpu.vector_load %arg7[%get3A] {strides = array<i32>} : memref<64xi32, #tpu.memory_space<vmem>>, vector<16xi32>,
    %get3A_20 = vector.shape_cast %get3A_19 : vector<16xi32> to vector<16xi32>
    %mul3A_21 = arith.constant 2048 : i32
    %mul3A_22 = arith.muli %select_n3A, %mul3A_21 : i32
    %add3A_23 = vector.broadcast %mul3A_22 : i32 to vector<16xi32>
    %add3A_24 = arith.addi %get3A_20, %add3A_23 : vector<16xi32>
    %swap3A = arith.constant 0 : index
    %swap3A_25 = tpu.vector_load %arg7[%swap3A] {strides = array<i32>} : memref<64xi32, #tpu.memory_space<vmem>>, vector<16xi32>,
    %swap3A_26 = vector.shape_cast %swap3A_25 : vector<16xi32> to vector<16xi32>
    %swap3A_27 = vector.shape_cast %add3A_24 : vector<16xi32> to vector<16xi32>
    tpu.vector_store %arg7[%swap3A], %swap3A_27 {strides = array<i32>} : memref<64xi32, #tpu.memory_space<vmem>>, vector<16xi32>,
    %get3A_28 = arith.constant 16 : index
    %get3A_29 = tpu.vector_load %arg7[%get3A_28] {strides = array<i32>} : memref<64xi32, #tpu.memory_space<vmem>>, vector<16xi32>,
    %get3A_30 = vector.shape_cast %get3A_29 : vector<16xi32> to vector<16xi32>
    %mul3A_31 = arith.constant 2048 : i32
    %mul3A_32 = arith.muli %select_n3A, %mul3A_31 : i32
    %add3A_33 = vector.broadcast %mul3A_32 : i32 to vector<16xi32>
    %add3A_34 = arith.addi %get3A_30, %add3A_33 : vector<16xi32>
    %swap3A_35 = arith.constant 16 : index
    %swap3A_36 = tpu.vector_load %arg7[%swap3A_35] {strides = array<i32>} : memref<64xi32, #tpu.memory_space<vmem>>, vector<16xi32>,
    %swap3A_37 = vector.shape_cast %swap3A_36 : vector<16xi32> to vector<16xi32>
    %swap3A_38 = vector.shape_cast %add3A_34 : vector<16xi32> to vector<16xi32>
    tpu.vector_store %arg7[%swap3A_35], %swap3A_38 {strides = array<i32>} : memref<64xi32, #tpu.memory_space<vmem>>, vector<16xi32>,
    %get3A_39 = arith.constant 32 : index
    %get3A_40 = tpu.vector_load %arg7[%get3A_39] {strides = array<i32>} : memref<64xi32, #tpu.memory_space<vmem>>, vector<16xi32>,
    %get3A_41 = vector.shape_cast %get3A_40 : vector<16xi32> to vector<16xi32>
    %mul3A_42 = arith.constant 2048 : i32
    %mul3A_43 = arith.muli %select_n3A, %mul3A_42 : i32
    %add3A_44 = vector.broadcast %mul3A_43 : i32 to vector<16xi32>
    %add3A_45 = arith.addi %get3A_41, %add3A_44 : vector<16xi32>
    %swap3A_46 = arith.constant 32 : index
    %swap3A_47 = tpu.vector_load %arg7[%swap3A_46] {strides = array<i32>} : memref<64xi32, #tpu.memory_space<vmem>>, vector<16xi32>,
    %swap3A_48 = vector.shape_cast %swap3A_47 : vector<16xi32> to vector<16xi32>
    %swap3A_49 = vector.shape_cast %add3A_45 : vector<16xi32> to vector<16xi32>
    tpu.vector_store %arg7[%swap3A_46], %swap3A_49 {strides = array<i32>} : memref<64xi32, #tpu.memory_space<vmem>>, vector<16xi32>,
    %get3A_50 = arith.constant 48 : index
    %get3A_51 = tpu.vector_load %arg7[%get3A_50] {strides = array<i32>} : memref<64xi32, #tpu.memory_space<vmem>>, vector<16xi32>,
    %get3A_52 = vector.shape_cast %get3A_51 : vector<16xi32> to vector<16xi32>
    %mul3A_53 = arith.constant 2048 : i32
    %mul3A_54 = arith.muli %select_n3A, %mul3A_53 : i32
    %add3A_55 = vector.broadcast %mul3A_54 : i32 to vector<16xi32>
    %add3A_56 = arith.addi %get3A_52, %add3A_55 : vector<16xi32>
    %swap3A_57 = arith.constant 48 : index
    %swap3A_58 = tpu.vector_load %arg7[%swap3A_57] {strides = array<i32>} : memref<64xi32, #tpu.memory_space<vmem>>, vector<16xi32>,
    %swap3A_59 = vector.shape_cast %swap3A_58 : vector<16xi32> to vector<16xi32>
    %swap3A_60 = vector.shape_cast %add3A_56 : vector<16xi32> to vector<16xi32>
    tpu.vector_store %arg7[%swap3A_57], %swap3A_60 {strides = array<i32>} : memref<64xi32, #tpu.memory_space<vmem>>, vector<16xi32>,
    %dma_start3A = arith.constant 0 : i32
    %dma_start3A_61 = arith.constant 0 : i32
    %dma_start3A_62 = tpu.memref_slice %arg2[%dma_start3A, %dma_start3A_61] : memref<4096x384xf32, #tpu.memory_space<hbm>> -> memref<4096x384xf32, #tpu.memory_space<hbm>>
    tpu.enqueue_indirect_dma source(%dma_start3A_62 : memref<4096x384xf32, #tpu.memory_space<hbm>>) target(%arg8 : memref<64x384xf32, #tpu.memory_space<vmem>>) offsets(%arg7 : memref<64xi32, #tpu.memory_space<vmem>>) semaphore(%arg10 : memref<!tpu.dma_semaphore, #tpu.memory_space<semaphore_mem>>)
    %dma_start3A_63 = arith.constant 0 : i32
    %dma_start3A_64 = arith.constant 0 : i32
    %dma_start3A_65 = tpu.memref_slice %arg3[%dma_start3A_63, %dma_start3A_64] : memref<4096x128xf32, #tpu.memory_space<hbm>> -> memref<4096x128xf32, #tpu.memory_space<hbm>>
    tpu.enqueue_indirect_dma source(%dma_start3A_65 : memref<4096x128xf32, #tpu.memory_space<hbm>>) target(%arg9 : memref<64x128xf32, #tpu.memory_space<vmem>>) offsets(%arg7 : memref<64xi32, #tpu.memory_space<vmem>>) semaphore(%arg11 : memref<!tpu.dma_semaphore, #tpu.memory_space<semaphore_mem>>)
    %dma_wait3A = arith.constant 0 : i32
    %dma_wait3A_66 = arith.constant 0 : i32
    %dma_wait3A_67 = tpu.memref_slice %arg2[%dma_wait3A, %dma_wait3A_66] : memref<4096x384xf32, #tpu.memory_space<hbm>> -> memref<4096x384xf32, #tpu.memory_space<hbm>>
    tpu.wait_indirect_dma semaphore(%arg10 : memref<!tpu.dma_semaphore, #tpu.memory_space<semaphore_mem>>) src(%dma_wait3A_67 : memref<4096x384xf32, #tpu.memory_space<hbm>>) dst(%arg8 : memref<64x384xf32, #tpu.memory_space<vmem>>)
    "tpu.region"() ({
      %run_scoped3A = tpu.sem_alloc : memref<!tpu.dma_semaphore, #tpu.memory_space<semaphore_mem>>
      %dma_start3A_71 = arith.constant 0 : i32
      %dma_start3A_72 = tpu.memref_slice %arg5[%mul3A_18, %dma_start3A_71] : memref<2048x384xf32, #tpu.memory_space<hbm>> -> memref<64x384xf32, #tpu.memory_space<hbm>>
      %dma_start3A_73 = arith.constant 0 : i32
      %dma_start3A_74 = tpu.memref_slice %arg5[%mul3A_18, %dma_start3A_73] : memref<2048x384xf32, #tpu.memory_space<hbm>> -> memref<64x384xf32, #tpu.memory_space<hbm>>
      tpu.enqueue_dma source(%arg8 : memref<64x384xf32, #tpu.memory_space<vmem>>) target(%dma_start3A_74 : memref<64x384xf32, #tpu.memory_space<hbm>>) target_semaphore(%run_scoped3A : memref<!tpu.dma_semaphore, #tpu.memory_space<semaphore_mem>>)
      %dma_wait3A_75 = arith.constant 0 : i32
      %dma_wait3A_76 = tpu.memref_slice %arg5[%mul3A_18, %dma_wait3A_75] : memref<2048x384xf32, #tpu.memory_space<hbm>> -> memref<64x384xf32, #tpu.memory_space<hbm>>
      %dma_wait3A_77 = arith.constant 0 : i32
      %dma_wait3A_78 = tpu.memref_slice %arg5[%mul3A_18, %dma_wait3A_77] : memref<2048x384xf32, #tpu.memory_space<hbm>> -> memref<64x384xf32, #tpu.memory_space<hbm>>
      tpu.wait_dma2 semaphore(%run_scoped3A : memref<!tpu.dma_semaphore, #tpu.memory_space<semaphore_mem>>) src(%arg8 : memref<64x384xf32, #tpu.memory_space<vmem>>) dst(%dma_wait3A_78 : memref<64x384xf32, #tpu.memory_space<hbm>>)
      tpu.yield
    }) : () -> ()
    %dma_wait3A_68 = arith.constant 0 : i32
    %dma_wait3A_69 = arith.constant 0 : i32
    %dma_wait3A_70 = tpu.memref_slice %arg3[%dma_wait3A_68, %dma_wait3A_69] : memref<4096x128xf32, #tpu.memory_space<hbm>> -> memref<4096x128xf32, #tpu.memory_space<hbm>>
    tpu.wait_indirect_dma semaphore(%arg11 : memref<!tpu.dma_semaphore, #tpu.memory_space<semaphore_mem>>) src(%dma_wait3A_70 : memref<4096x128xf32, #tpu.memory_space<hbm>>) dst(%arg9 : memref<64x128xf32, #tpu.memory_space<vmem>>)
    "tpu.region"() ({
      %run_scoped3A = tpu.sem_alloc : memref<!tpu.dma_semaphore, #tpu.memory_space<semaphore_mem>>
      %dma_start3A_71 = arith.constant 0 : i32
      %dma_start3A_72 = tpu.memref_slice %arg6[%mul3A_18, %dma_start3A_71] : memref<2048x128xf32, #tpu.memory_space<hbm>> -> memref<64x128xf32, #tpu.memory_space<hbm>>
      %dma_start3A_73 = arith.constant 0 : i32
      %dma_start3A_74 = tpu.memref_slice %arg6[%mul3A_18, %dma_start3A_73] : memref<2048x128xf32, #tpu.memory_space<hbm>> -> memref<64x128xf32, #tpu.memory_space<hbm>>
      tpu.enqueue_dma source(%arg9 : memref<64x128xf32, #tpu.memory_space<vmem>>) target(%dma_start3A_74 : memref<64x128xf32, #tpu.memory_space<hbm>>) target_semaphore(%run_scoped3A : memref<!tpu.dma_semaphore, #tpu.memory_space<semaphore_mem>>)
      %dma_wait3A_75 = arith.constant 0 : i32
      %dma_wait3A_76 = tpu.memref_slice %arg6[%mul3A_18, %dma_wait3A_75] : memref<2048x128xf32, #tpu.memory_space<hbm>> -> memref<64x128xf32, #tpu.memory_space<hbm>>
      %dma_wait3A_77 = arith.constant 0 : i32
      %dma_wait3A_78 = tpu.memref_slice %arg6[%mul3A_18, %dma_wait3A_77] : memref<2048x128xf32, #tpu.memory_space<hbm>> -> memref<64x128xf32, #tpu.memory_space<hbm>>
      tpu.wait_dma2 semaphore(%run_scoped3A : memref<!tpu.dma_semaphore, #tpu.memory_space<semaphore_mem>>) src(%arg9 : memref<64x128xf32, #tpu.memory_space<vmem>>) dst(%dma_wait3A_78 : memref<64x128xf32, #tpu.memory_space<hbm>>)
      tpu.yield
    }) : () -> ()
    return
  }
}

module attributes {stable_mosaic.version = 14 : i64} {
  func.func @_fps_body(%arg0: memref<2x3x8x256xf32, #tpu.memory_space<vmem>>, %arg1: memref<1024x2xi32, #tpu.memory_space<vmem>>) attributes {dimension_semantics = [], scalar_prefetch = 0 : i64, scratch_operands = 0 : i64, tpu.core_type = #tpu.core_type<tc>} {
    %get3A = arith.constant 0 : index
    %get3A_0 = arith.constant 0 : index
    %get3A_1 = arith.constant 0 : index
    %get3A_2 = arith.constant 0 : index
    %get3A_3 = vector.load %arg0[%get3A, %get3A_0, %get3A_1, %get3A_2] : memref<2x3x8x256xf32, #tpu.memory_space<vmem>>, vector<2x3x8x256xf32>
    %iota3A = tpu.iota {dimensions = array<i32: 1>} : vector<2x8x256xi32>
    %mul3A = arith.constant 256 : i32
    %mul3A_4 = vector.broadcast %mul3A : i32 to vector<2x8x256xi32>
    %mul3A_5 = arith.muli %iota3A, %mul3A_4 : vector<2x8x256xi32>
    %iota3A_6 = tpu.iota {dimensions = array<i32: 2>} : vector<2x8x256xi32>
    %add3A = arith.addi %mul3A_5, %iota3A_6 : vector<2x8x256xi32>
    %broadcast_in_dim3A = arith.constant 1.000000e+10 : f32
    %broadcast_in_dim3A_7 = vector.broadcast %broadcast_in_dim3A : f32 to vector<2x8x256xf32>
    %broadcast_in_dim3A_8 = arith.constant 0 : i32
    %broadcast_in_dim3A_9 = vector.broadcast %broadcast_in_dim3A_8 : i32 to vector<2x1x1xi32>
    %scan3A = arith.constant 1073741824 : i32
    %scan3A_10 = arith.constant 0 : i32
    %scan3A_11 = arith.constant 1024 : i32
    %scan3A_12 = arith.addi %scan3A_10, %scan3A_11 : i32
    %scan3A_13 = arith.constant 1 : i32
    %scan3A_14:2 = scf.for %scan3A_16 = %scan3A_10 to %scan3A_12 step %scan3A_13 iter_args(%scan3A_17 = %broadcast_in_dim3A_7, %scan3A_18 = %broadcast_in_dim3A_9) -> (vector<2x8x256xf32>, vector<2x1x1xi32>)  : i32 {
      %reshape3A = vector.shape_cast %scan3A_18 : vector<2x1x1xi32> to vector<1x2xi32>
      %swap3A = arith.index_cast %scan3A_16 : i32 to index
      %swap3A_19 = arith.constant 0 : index
      %swap3A_20 = vector.load %arg1[%swap3A, %swap3A_19] : memref<1024x2xi32, #tpu.memory_space<vmem>>, vector<1x2xi32>
      tpu.vector_store %arg1[%swap3A, %swap3A_19], %reshape3A {strides = array<i32>} : memref<1024x2xi32, #tpu.memory_space<vmem>>, vector<1x2xi32>,
      %eq3A = vector.broadcast %scan3A_18 : vector<2x1x1xi32> to vector<2x8x256xi32>
      %eq3A_21 = arith.cmpi eq, %add3A, %eq3A : vector<2x8x256xi32>
      %slice3A = vector.extract_strided_slice %get3A_3 {offsets = [0, 0, 0, 0], sizes = [2, 1, 8, 256], strides = [1, 1, 1, 1]} : vector<2x3x8x256xf32> to vector<2x1x8x256xf32>
      %squeeze3A = vector.shape_cast %slice3A : vector<2x1x8x256xf32> to vector<2x8x256xf32>
      %jit3A = arith.constant 0.000000e+00 : f32
      %broadcast_in_dim3A_22 = vector.broadcast %jit3A : f32 to vector<2x8x256xf32>
      %select_n3A = arith.select %eq3A_21, %squeeze3A, %broadcast_in_dim3A_22 : vector<2x8x256xi1>, vector<2x8x256xf32>
      %reduce_sum3A = arith.constant dense<0.000000e+00> : vector<2x8xf32>
      %reduce_sum3A_23 = vector.multi_reduction <add>, %select_n3A, %reduce_sum3A [2] : vector<2x8x256xf32> to vector<2x8xf32>
      %broadcast_in_dim3A_24 = vector.shape_cast %reduce_sum3A_23 : vector<2x8xf32> to vector<2x8x1xf32>
      %reduce_sum3A_25 = arith.constant dense<0.000000e+00> : vector<2x1xf32>
      %reduce_sum3A_26 = vector.multi_reduction <add>, %broadcast_in_dim3A_24, %reduce_sum3A_25 [1] : vector<2x8x1xf32> to vector<2x1xf32>
      %broadcast_in_dim3A_27 = vector.shape_cast %reduce_sum3A_26 : vector<2x1xf32> to vector<2x1x1xf32>
      %slice3A_28 = vector.extract_strided_slice %get3A_3 {offsets = [0, 0, 0, 0], sizes = [2, 1, 8, 256], strides = [1, 1, 1, 1]} : vector<2x3x8x256xf32> to vector<2x1x8x256xf32>
      %squeeze3A_29 = vector.shape_cast %slice3A_28 : vector<2x1x8x256xf32> to vector<2x8x256xf32>
      %sub3A = vector.broadcast %broadcast_in_dim3A_27 : vector<2x1x1xf32> to vector<2x8x256xf32>
      %sub3A_30 = arith.subf %squeeze3A_29, %sub3A : vector<2x8x256xf32>
      %integer_pow3A = arith.mulf %sub3A_30, %sub3A_30 : vector<2x8x256xf32>
      %slice3A_31 = vector.extract_strided_slice %get3A_3 {offsets = [0, 1, 0, 0], sizes = [2, 1, 8, 256], strides = [1, 1, 1, 1]} : vector<2x3x8x256xf32> to vector<2x1x8x256xf32>
      %squeeze3A_32 = vector.shape_cast %slice3A_31 : vector<2x1x8x256xf32> to vector<2x8x256xf32>
      %jit3A_33 = arith.constant 0.000000e+00 : f32
      %broadcast_in_dim3A_34 = vector.broadcast %jit3A_33 : f32 to vector<2x8x256xf32>
      %select_n3A_35 = arith.select %eq3A_21, %squeeze3A_32, %broadcast_in_dim3A_34 : vector<2x8x256xi1>, vector<2x8x256xf32>
      %reduce_sum3A_36 = arith.constant dense<0.000000e+00> : vector<2x8xf32>
      %reduce_sum3A_37 = vector.multi_reduction <add>, %select_n3A_35, %reduce_sum3A_36 [2] : vector<2x8x256xf32> to vector<2x8xf32>
      %broadcast_in_dim3A_38 = vector.shape_cast %reduce_sum3A_37 : vector<2x8xf32> to vector<2x8x1xf32>
      %reduce_sum3A_39 = arith.constant dense<0.000000e+00> : vector<2x1xf32>
      %reduce_sum3A_40 = vector.multi_reduction <add>, %broadcast_in_dim3A_38, %reduce_sum3A_39 [1] : vector<2x8x1xf32> to vector<2x1xf32>
      %broadcast_in_dim3A_41 = vector.shape_cast %reduce_sum3A_40 : vector<2x1xf32> to vector<2x1x1xf32>
      %slice3A_42 = vector.extract_strided_slice %get3A_3 {offsets = [0, 1, 0, 0], sizes = [2, 1, 8, 256], strides = [1, 1, 1, 1]} : vector<2x3x8x256xf32> to vector<2x1x8x256xf32>
      %squeeze3A_43 = vector.shape_cast %slice3A_42 : vector<2x1x8x256xf32> to vector<2x8x256xf32>
      %sub3A_44 = vector.broadcast %broadcast_in_dim3A_41 : vector<2x1x1xf32> to vector<2x8x256xf32>
      %sub3A_45 = arith.subf %squeeze3A_43, %sub3A_44 : vector<2x8x256xf32>
      %integer_pow3A_46 = arith.mulf %sub3A_45, %sub3A_45 : vector<2x8x256xf32>
      %add3A_47 = arith.addf %integer_pow3A, %integer_pow3A_46 : vector<2x8x256xf32>
      %slice3A_48 = vector.extract_strided_slice %get3A_3 {offsets = [0, 2, 0, 0], sizes = [2, 1, 8, 256], strides = [1, 1, 1, 1]} : vector<2x3x8x256xf32> to vector<2x1x8x256xf32>
      %squeeze3A_49 = vector.shape_cast %slice3A_48 : vector<2x1x8x256xf32> to vector<2x8x256xf32>
      %jit3A_50 = arith.constant 0.000000e+00 : f32
      %broadcast_in_dim3A_51 = vector.broadcast %jit3A_50 : f32 to vector<2x8x256xf32>
      %select_n3A_52 = arith.select %eq3A_21, %squeeze3A_49, %broadcast_in_dim3A_51 : vector<2x8x256xi1>, vector<2x8x256xf32>
      %reduce_sum3A_53 = arith.constant dense<0.000000e+00> : vector<2x8xf32>
      %reduce_sum3A_54 = vector.multi_reduction <add>, %select_n3A_52, %reduce_sum3A_53 [2] : vector<2x8x256xf32> to vector<2x8xf32>
      %broadcast_in_dim3A_55 = vector.shape_cast %reduce_sum3A_54 : vector<2x8xf32> to vector<2x8x1xf32>
      %reduce_sum3A_56 = arith.constant dense<0.000000e+00> : vector<2x1xf32>
      %reduce_sum3A_57 = vector.multi_reduction <add>, %broadcast_in_dim3A_55, %reduce_sum3A_56 [1] : vector<2x8x1xf32> to vector<2x1xf32>
      %broadcast_in_dim3A_58 = vector.shape_cast %reduce_sum3A_57 : vector<2x1xf32> to vector<2x1x1xf32>
      %slice3A_59 = vector.extract_strided_slice %get3A_3 {offsets = [0, 2, 0, 0], sizes = [2, 1, 8, 256], strides = [1, 1, 1, 1]} : vector<2x3x8x256xf32> to vector<2x1x8x256xf32>
      %squeeze3A_60 = vector.shape_cast %slice3A_59 : vector<2x1x8x256xf32> to vector<2x8x256xf32>
      %sub3A_61 = vector.broadcast %broadcast_in_dim3A_58 : vector<2x1x1xf32> to vector<2x8x256xf32>
      %sub3A_62 = arith.subf %squeeze3A_60, %sub3A_61 : vector<2x8x256xf32>
      %integer_pow3A_63 = arith.mulf %sub3A_62, %sub3A_62 : vector<2x8x256xf32>
      %add3A_64 = arith.addf %add3A_47, %integer_pow3A_63 : vector<2x8x256xf32>
      %min3A = arith.minimumf %scan3A_17, %add3A_64 : vector<2x8x256xf32>
      %reduce_max3A = arith.constant dense<0xFF800000> : vector<2x8xf32>
      %reduce_max3A_65 = vector.multi_reduction <maximumf>, %min3A, %reduce_max3A [2] : vector<2x8x256xf32> to vector<2x8xf32>
      %broadcast_in_dim3A_66 = vector.shape_cast %reduce_max3A_65 : vector<2x8xf32> to vector<2x8x1xf32>
      %reduce_max3A_67 = arith.constant dense<0xFF800000> : vector<2x1xf32>
      %reduce_max3A_68 = vector.multi_reduction <maximumf>, %broadcast_in_dim3A_66, %reduce_max3A_67 [1] : vector<2x8x1xf32> to vector<2x1xf32>
      %broadcast_in_dim3A_69 = vector.shape_cast %reduce_max3A_68 : vector<2x1xf32> to vector<2x1x1xf32>
      %eq3A_70 = vector.broadcast %broadcast_in_dim3A_69 : vector<2x1x1xf32> to vector<2x8x256xf32>
      %eq3A_71 = arith.cmpf oeq, %min3A, %eq3A_70 : vector<2x8x256xf32>
      %broadcast_in_dim3A_72 = vector.broadcast %scan3A : i32 to vector<2x8x256xi32>
      %select_n3A_73 = arith.select %eq3A_71, %add3A, %broadcast_in_dim3A_72 : vector<2x8x256xi1>, vector<2x8x256xi32>
      %reduce_min3A = arith.constant dense<2147483647> : vector<2x8xi32>
      %reduce_min3A_74 = vector.multi_reduction <minsi>, %select_n3A_73, %reduce_min3A [2] : vector<2x8x256xi32> to vector<2x8xi32>
      %broadcast_in_dim3A_75 = vector.shape_cast %reduce_min3A_74 : vector<2x8xi32> to vector<2x8x1xi32>
      %reduce_min3A_76 = arith.constant dense<2147483647> : vector<2x1xi32>
      %reduce_min3A_77 = vector.multi_reduction <minsi>, %broadcast_in_dim3A_75, %reduce_min3A_76 [1] : vector<2x8x1xi32> to vector<2x1xi32>
      %broadcast_in_dim3A_78 = vector.shape_cast %reduce_min3A_77 : vector<2x1xi32> to vector<2x1x1xi32>
      scf.yield %min3A, %broadcast_in_dim3A_78 : vector<2x8x256xf32>, vector<2x1x1xi32>
    }
    %scan3A_15 = arith.constant 1024 : i32
    return
  }
}

module attributes {stable_mosaic.version = 14 : i64} {
  func.func @_table_body(%arg0: i32, %arg1: i32, %arg2: memref<1x256x256xf32, #tpu.memory_space<vmem>>, %arg3: memref<1x256x512xf32, #tpu.memory_space<vmem>>, %arg4: memref<1x256x16xf32, #tpu.memory_space<vmem>>, %arg5: memref<256x256xf32, #tpu.memory_space<vmem>>, %arg6: memref<1x256xf32, #tpu.memory_space<vmem>>, %arg7: memref<512x256xf32, #tpu.memory_space<vmem>>, %arg8: memref<1x256xf32, #tpu.memory_space<vmem>>, %arg9: memref<256x256xf32, #tpu.memory_space<vmem>>, %arg10: memref<1x256xf32, #tpu.memory_space<vmem>>, %arg11: memref<256x64xf32, #tpu.memory_space<vmem>>, %arg12: memref<1x64xf32, #tpu.memory_space<vmem>>, %arg13: memref<1x256x384xf32, #tpu.memory_space<vmem>>) attributes {dimension_semantics = [#tpu.dimension_semantics<arbitrary>, #tpu.dimension_semantics<arbitrary>], iteration_bounds = array<i64: 2, 8>, scalar_prefetch = 0 : i64, scratch_operands = 0 : i64, tpu.core_type = #tpu.core_type<tc>, window_params = [{transform_indices = @transform_0, window_bounds = array<i64: 1, 256, 256>}, {transform_indices = @transform_1, window_bounds = array<i64: 1, 256, 512>}, {transform_indices = @transform_2, window_bounds = array<i64: 1, 256, 16>}, {pipeline_mode = #tpu.pipeline_mode<synchronous>, transform_indices = @transform_3, window_bounds = array<i64: 256, 256>}, {pipeline_mode = #tpu.pipeline_mode<synchronous>, transform_indices = @transform_4, window_bounds = array<i64: 1, 256>}, {pipeline_mode = #tpu.pipeline_mode<synchronous>, transform_indices = @transform_5, window_bounds = array<i64: 512, 256>}, {pipeline_mode = #tpu.pipeline_mode<synchronous>, transform_indices = @transform_6, window_bounds = array<i64: 1, 256>}, {pipeline_mode = #tpu.pipeline_mode<synchronous>, transform_indices = @transform_7, window_bounds = array<i64: 256, 256>}, {pipeline_mode = #tpu.pipeline_mode<synchronous>, transform_indices = @transform_8, window_bounds = array<i64: 1, 256>}, {pipeline_mode = #tpu.pipeline_mode<synchronous>, transform_indices = @transform_9, window_bounds = array<i64: 256, 64>}, {pipeline_mode = #tpu.pipeline_mode<synchronous>, transform_indices = @transform_10, window_bounds = array<i64: 1, 64>}, {transform_indices = @transform_11, window_bounds = array<i64: 1, 256, 384>}]} {
    %lt3A = arith.constant 4 : i32
    %lt3A_0 = arith.cmpi slt, %arg1, %lt3A : i32
    %convert_element_type3A = arith.extui %lt3A_0 : i1 to i32
    %cond3A = arith.constant 0 : i32
    %cond3A_1 = arith.cmpi ne, %convert_element_type3A, %cond3A : i32
    scf.if %cond3A_1 {
      %get3A = arith.constant 0 : index
      %get3A_6 = arith.constant 0 : index
      %get3A_7 = arith.constant 0 : index
      %get3A_8 = vector.load %arg2[%get3A, %get3A_6, %get3A_7] : memref<1x256x256xf32, #tpu.memory_space<vmem>>, vector<1x256x256xf32>
      %get3A_9 = vector.shape_cast %get3A_8 : vector<1x256x256xf32> to vector<256x256xf32>
      %get3A_10 = arith.constant 0 : index
      %get3A_11 = arith.constant 0 : index
      %get3A_12 = vector.load %arg5[%get3A_10, %get3A_11] : memref<256x256xf32, #tpu.memory_space<vmem>>, vector<256x256xf32>
      %dot_general3A = arith.constant dense<0.000000e+00> : vector<256x256xf32>
      %dot_general3A_13 = tpu.matmul %get3A_9, %get3A_12, %dot_general3A {dimension_numbers = #tpu.dot_dimension_numbers<[1], [0], [0], [1], [0, 0, 1, 1], [], []>, transpose_lhs_hint = false} : vector<256x256xf32>, vector<256x256xf32>, vector<256x256xf32> -> vector<256x256xf32>
      %get3A_14 = arith.constant 0 : index
      %get3A_15 = arith.constant 0 : index
      %get3A_16 = vector.load %arg6[%get3A_14, %get3A_15] : memref<1x256xf32, #tpu.memory_space<vmem>>, vector<1x256xf32>
      %add3A = vector.broadcast %get3A_16 : vector<1x256xf32> to vector<256x256xf32>
      %add3A_17 = arith.addf %dot_general3A_13, %add3A : vector<256x256xf32>
      %get3A_18 = arith.constant 0 : index
      %get3A_19 = arith.constant 0 : index
      %get3A_20 = vector.load %arg9[%get3A_18, %get3A_19] : memref<256x256xf32, #tpu.memory_space<vmem>>, vector<256x256xf32>
      %dot_general3A_21 = arith.constant dense<0.000000e+00> : vector<256x256xf32>
      %dot_general3A_22 = tpu.matmul %add3A_17, %get3A_20, %dot_general3A_21 {dimension_numbers = #tpu.dot_dimension_numbers<[1], [0], [0], [1], [0, 0, 1, 1], [], []>, transpose_lhs_hint = false} : vector<256x256xf32>, vector<256x256xf32>, vector<256x256xf32> -> vector<256x256xf32>
      %get3A_23 = arith.constant 0 : index
      %get3A_24 = arith.constant 0 : index
      %get3A_25 = vector.load %arg10[%get3A_23, %get3A_24] : memref<1x256xf32, #tpu.memory_space<vmem>>, vector<1x256xf32>
      %add3A_26 = vector.broadcast %get3A_25 : vector<1x256xf32> to vector<256x256xf32>
      %add3A_27 = arith.addf %dot_general3A_22, %add3A_26 : vector<256x256xf32>
      %get3A_28 = arith.constant 0 : index
      %get3A_29 = arith.constant 0 : index
      %get3A_30 = vector.load %arg11[%get3A_28, %get3A_29] : memref<256x64xf32, #tpu.memory_space<vmem>>, vector<256x64xf32>
      %dot_general3A_31 = arith.constant dense<0.000000e+00> : vector<256x64xf32>
      %dot_general3A_32 = tpu.matmul %add3A_17, %get3A_30, %dot_general3A_31 {dimension_numbers = #tpu.dot_dimension_numbers<[1], [0], [0], [1], [0, 0, 1, 1], [], []>, transpose_lhs_hint = false} : vector<256x256xf32>, vector<256x64xf32>, vector<256x64xf32> -> vector<256x64xf32>
      %get3A_33 = arith.constant 0 : index
      %get3A_34 = arith.constant 0 : index
      %get3A_35 = vector.load %arg12[%get3A_33, %get3A_34] : memref<1x64xf32, #tpu.memory_space<vmem>>, vector<1x64xf32>
      %add3A_36 = vector.broadcast %get3A_35 : vector<1x64xf32> to vector<256x64xf32>
      %add3A_37 = arith.addf %dot_general3A_32, %add3A_36 : vector<256x64xf32>
      %broadcast_in_dim3A = arith.constant 0.000000e+00 : f32
      %broadcast_in_dim3A_38 = vector.broadcast %broadcast_in_dim3A : f32 to vector<256x48xf32>
      %get3A_39 = arith.constant 0 : index
      %get3A_40 = arith.constant 0 : index
      %get3A_41 = arith.constant 0 : index
      %get3A_42 = vector.load %arg4[%get3A_39, %get3A_40, %get3A_41] : memref<1x256x16xf32, #tpu.memory_space<vmem>>, vector<1x256x16xf32>
      %get3A_43 = vector.shape_cast %get3A_42 : vector<1x256x16xf32> to vector<256x16xf32>
      %concatenate3A = tpu.concatenate %add3A_27, %add3A_37, %get3A_43, %broadcast_in_dim3A_38 in 1 : vector<256x256xf32>, vector<256x64xf32>, vector<256x16xf32>, vector<256x48xf32> -> vector<256x384xf32>
      %swap3A = arith.constant 0 : index
      %swap3A_44 = arith.constant 0 : index
      %swap3A_45 = arith.constant 0 : index
      %swap3A_46 = vector.load %arg13[%swap3A, %swap3A_44, %swap3A_45] : memref<1x256x384xf32, #tpu.memory_space<vmem>>, vector<1x256x384xf32>
      %swap3A_47 = vector.shape_cast %swap3A_46 : vector<1x256x384xf32> to vector<256x384xf32>
      %swap3A_48 = vector.shape_cast %concatenate3A : vector<256x384xf32> to vector<1x256x384xf32>
      tpu.vector_store %arg13[%swap3A, %swap3A_44, %swap3A_45], %swap3A_48 {strides = array<i32>} : memref<1x256x384xf32, #tpu.memory_space<vmem>>, vector<1x256x384xf32>,
    } else {
    }
    %ge3A = arith.constant 4 : i32
    %ge3A_2 = arith.cmpi sge, %arg1, %ge3A : i32
    %convert_element_type3A_3 = arith.extui %ge3A_2 : i1 to i32
    %cond3A_4 = arith.constant 0 : i32
    %cond3A_5 = arith.cmpi ne, %convert_element_type3A_3, %cond3A_4 : i32
    scf.if %cond3A_5 {
      %get3A = arith.constant 0 : index
      %get3A_6 = arith.constant 0 : index
      %get3A_7 = arith.constant 0 : index
      %get3A_8 = vector.load %arg3[%get3A, %get3A_6, %get3A_7] : memref<1x256x512xf32, #tpu.memory_space<vmem>>, vector<1x256x512xf32>
      %get3A_9 = vector.shape_cast %get3A_8 : vector<1x256x512xf32> to vector<256x512xf32>
      %get3A_10 = arith.constant 0 : index
      %get3A_11 = arith.constant 0 : index
      %get3A_12 = vector.load %arg7[%get3A_10, %get3A_11] : memref<512x256xf32, #tpu.memory_space<vmem>>, vector<512x256xf32>
      %dot_general3A = arith.constant dense<0.000000e+00> : vector<256x256xf32>
      %dot_general3A_13 = tpu.matmul %get3A_9, %get3A_12, %dot_general3A {dimension_numbers = #tpu.dot_dimension_numbers<[1], [0], [0], [1], [0, 0, 1, 1], [], []>, transpose_lhs_hint = false} : vector<256x512xf32>, vector<512x256xf32>, vector<256x256xf32> -> vector<256x256xf32>
      %get3A_14 = arith.constant 0 : index
      %get3A_15 = arith.constant 0 : index
      %get3A_16 = vector.load %arg8[%get3A_14, %get3A_15] : memref<1x256xf32, #tpu.memory_space<vmem>>, vector<1x256xf32>
      %add3A = vector.broadcast %get3A_16 : vector<1x256xf32> to vector<256x256xf32>
      %add3A_17 = arith.addf %dot_general3A_13, %add3A : vector<256x256xf32>
      %get3A_18 = arith.constant 0 : index
      %get3A_19 = arith.constant 0 : index
      %get3A_20 = vector.load %arg9[%get3A_18, %get3A_19] : memref<256x256xf32, #tpu.memory_space<vmem>>, vector<256x256xf32>
      %dot_general3A_21 = arith.constant dense<0.000000e+00> : vector<256x256xf32>
      %dot_general3A_22 = tpu.matmul %add3A_17, %get3A_20, %dot_general3A_21 {dimension_numbers = #tpu.dot_dimension_numbers<[1], [0], [0], [1], [0, 0, 1, 1], [], []>, transpose_lhs_hint = false} : vector<256x256xf32>, vector<256x256xf32>, vector<256x256xf32> -> vector<256x256xf32>
      %get3A_23 = arith.constant 0 : index
      %get3A_24 = arith.constant 0 : index
      %get3A_25 = vector.load %arg10[%get3A_23, %get3A_24] : memref<1x256xf32, #tpu.memory_space<vmem>>, vector<1x256xf32>
      %add3A_26 = vector.broadcast %get3A_25 : vector<1x256xf32> to vector<256x256xf32>
      %add3A_27 = arith.addf %dot_general3A_22, %add3A_26 : vector<256x256xf32>
      %get3A_28 = arith.constant 0 : index
      %get3A_29 = arith.constant 0 : index
      %get3A_30 = vector.load %arg11[%get3A_28, %get3A_29] : memref<256x64xf32, #tpu.memory_space<vmem>>, vector<256x64xf32>
      %dot_general3A_31 = arith.constant dense<0.000000e+00> : vector<256x64xf32>
      %dot_general3A_32 = tpu.matmul %add3A_17, %get3A_30, %dot_general3A_31 {dimension_numbers = #tpu.dot_dimension_numbers<[1], [0], [0], [1], [0, 0, 1, 1], [], []>, transpose_lhs_hint = false} : vector<256x256xf32>, vector<256x64xf32>, vector<256x64xf32> -> vector<256x64xf32>
      %get3A_33 = arith.constant 0 : index
      %get3A_34 = arith.constant 0 : index
      %get3A_35 = vector.load %arg12[%get3A_33, %get3A_34] : memref<1x64xf32, #tpu.memory_space<vmem>>, vector<1x64xf32>
      %add3A_36 = vector.broadcast %get3A_35 : vector<1x64xf32> to vector<256x64xf32>
      %add3A_37 = arith.addf %dot_general3A_32, %add3A_36 : vector<256x64xf32>
      %broadcast_in_dim3A = arith.constant 0.000000e+00 : f32
      %broadcast_in_dim3A_38 = vector.broadcast %broadcast_in_dim3A : f32 to vector<256x48xf32>
      %get3A_39 = arith.constant 0 : index
      %get3A_40 = arith.constant 0 : index
      %get3A_41 = arith.constant 0 : index
      %get3A_42 = vector.load %arg4[%get3A_39, %get3A_40, %get3A_41] : memref<1x256x16xf32, #tpu.memory_space<vmem>>, vector<1x256x16xf32>
      %get3A_43 = vector.shape_cast %get3A_42 : vector<1x256x16xf32> to vector<256x16xf32>
      %concatenate3A = tpu.concatenate %add3A_27, %add3A_37, %get3A_43, %broadcast_in_dim3A_38 in 1 : vector<256x256xf32>, vector<256x64xf32>, vector<256x16xf32>, vector<256x48xf32> -> vector<256x384xf32>
      %swap3A = arith.constant 0 : index
      %swap3A_44 = arith.constant 0 : index
      %swap3A_45 = arith.constant 0 : index
      %swap3A_46 = vector.load %arg13[%swap3A, %swap3A_44, %swap3A_45] : memref<1x256x384xf32, #tpu.memory_space<vmem>>, vector<1x256x384xf32>
      %swap3A_47 = vector.shape_cast %swap3A_46 : vector<1x256x384xf32> to vector<256x384xf32>
      %swap3A_48 = vector.shape_cast %concatenate3A : vector<256x384xf32> to vector<1x256x384xf32>
      tpu.vector_store %arg13[%swap3A, %swap3A_44, %swap3A_45], %swap3A_48 {strides = array<i32>} : memref<1x256x384xf32, #tpu.memory_space<vmem>>, vector<1x256x384xf32>,
    } else {
    }
    return
  }
  func.func @transform_0(%arg0: i32, %arg1: i32) -> (i32, i32, i32) {
    %min3A = arith.constant 3 : i32
    %min3A_0 = arith.minsi %arg1, %min3A : i32
    %c0_i32 = arith.constant 0 : i32
    %c0_i32_1 = arith.constant 0 : i32
    return %arg0, %min3A_0, %c0_i32 : i32, i32, i32
  }
  func.func @transform_1(%arg0: i32, %arg1: i32) -> (i32, i32, i32) {
    %sub3A = arith.constant 4 : i32
    %sub3A_0 = arith.subi %arg1, %sub3A : i32
    %max3A = arith.constant 0 : i32
    %max3A_1 = arith.maxsi %sub3A_0, %max3A : i32
    %c0_i32 = arith.constant 0 : i32
    %c0_i32_2 = arith.constant 0 : i32
    return %arg0, %max3A_1, %c0_i32 : i32, i32, i32
  }
  func.func @transform_2(%arg0: i32, %arg1: i32) -> (i32, i32, i32) {
    %c0_i32 = arith.constant 0 : i32
    %c0_i32_0 = arith.constant 0 : i32
    return %arg0, %arg1, %c0_i32 : i32, i32, i32
  }
  func.func @transform_3(%arg0: i32, %arg1: i32) -> (i32, i32) {
    %c0_i32 = arith.constant 0 : i32
    %c0_i32_0 = arith.constant 0 : i32
    %c0_i32_1 = arith.constant 0 : i32
    return %c0_i32, %c0_i32_0 : i32, i32
  }
  func.func @transform_4(%arg0: i32, %arg1: i32) -> (i32, i32) {
    %c0_i32 = arith.constant 0 : i32
    %c0_i32_0 = arith.constant 0 : i32
    %c0_i32_1 = arith.constant 0 : i32
    return %c0_i32, %c0_i32_0 : i32, i32
  }
  func.func @transform_5(%arg0: i32, %arg1: i32) -> (i32, i32) {
    %c0_i32 = arith.constant 0 : i32
    %c0_i32_0 = arith.constant 0 : i32
    %c0_i32_1 = arith.constant 0 : i32
    return %c0_i32, %c0_i32_0 : i32, i32
  }
  func.func @transform_6(%arg0: i32, %arg1: i32) -> (i32, i32) {
    %c0_i32 = arith.constant 0 : i32
    %c0_i32_0 = arith.constant 0 : i32
    %c0_i32_1 = arith.constant 0 : i32
    return %c0_i32, %c0_i32_0 : i32, i32
  }
  func.func @transform_7(%arg0: i32, %arg1: i32) -> (i32, i32) {
    %c0_i32 = arith.constant 0 : i32
    %c0_i32_0 = arith.constant 0 : i32
    %c0_i32_1 = arith.constant 0 : i32
    return %c0_i32, %c0_i32_0 : i32, i32
  }
  func.func @transform_8(%arg0: i32, %arg1: i32) -> (i32, i32) {
    %c0_i32 = arith.constant 0 : i32
    %c0_i32_0 = arith.constant 0 : i32
    %c0_i32_1 = arith.constant 0 : i32
    return %c0_i32, %c0_i32_0 : i32, i32
  }
  func.func @transform_9(%arg0: i32, %arg1: i32) -> (i32, i32) {
    %c0_i32 = arith.constant 0 : i32
    %c0_i32_0 = arith.constant 0 : i32
    %c0_i32_1 = arith.constant 0 : i32
    return %c0_i32, %c0_i32_0 : i32, i32
  }
  func.func @transform_10(%arg0: i32, %arg1: i32) -> (i32, i32) {
    %c0_i32 = arith.constant 0 : i32
    %c0_i32_0 = arith.constant 0 : i32
    %c0_i32_1 = arith.constant 0 : i32
    return %c0_i32, %c0_i32_0 : i32, i32
  }
  func.func @transform_11(%arg0: i32, %arg1: i32) -> (i32, i32, i32) {
    %c0_i32 = arith.constant 0 : i32
    %c0_i32_0 = arith.constant 0 : i32
    return %arg0, %arg1, %c0_i32 : i32, i32, i32
  }
}

module attributes {stable_mosaic.version = 14 : i64} {
  func.func @_knn_body(%arg0: i32, %arg1: memref<1x1024x16xf32, #tpu.memory_space<vmem>>, %arg2: memref<1x16x1024xf32, #tpu.memory_space<vmem>>, %arg3: memref<1x1024x16xi32, #tpu.memory_space<vmem>>) attributes {dimension_semantics = [#tpu.dimension_semantics<arbitrary>], iteration_bounds = array<i64: 2>, scalar_prefetch = 0 : i64, scratch_operands = 0 : i64, tpu.core_type = #tpu.core_type<tc>, window_params = [{transform_indices = @transform_0, window_bounds = array<i64: 1, 1024, 16>}, {transform_indices = @transform_1, window_bounds = array<i64: 1, 16, 1024>}, {transform_indices = @transform_2, window_bounds = array<i64: 1, 1024, 16>}]} {
    %get3A = arith.constant 0 : index
    %get3A_0 = arith.constant 0 : index
    %get3A_1 = arith.constant 0 : index
    %get3A_2 = vector.load %arg1[%get3A, %get3A_0, %get3A_1] : memref<1x1024x16xf32, #tpu.memory_space<vmem>>, vector<1x1024x16xf32>
    %get3A_3 = vector.shape_cast %get3A_2 : vector<1x1024x16xf32> to vector<1024x16xf32>
    %get3A_4 = arith.constant 0 : index
    %get3A_5 = arith.constant 0 : index
    %get3A_6 = arith.constant 0 : index
    %get3A_7 = vector.load %arg2[%get3A_4, %get3A_5, %get3A_6] : memref<1x16x1024xf32, #tpu.memory_space<vmem>>, vector<1x16x1024xf32>
    %get3A_8 = vector.shape_cast %get3A_7 : vector<1x16x1024xf32> to vector<16x1024xf32>
    %slice3A = vector.extract_strided_slice %get3A_3 {offsets = [0, 0], sizes = [1024, 1], strides = [1, 1]} : vector<1024x16xf32> to vector<1024x1xf32>
    %slice3A_9 = vector.extract_strided_slice %get3A_3 {offsets = [0, 0], sizes = [1024, 1], strides = [1, 1]} : vector<1024x16xf32> to vector<1024x1xf32>
    %mul3A = arith.mulf %slice3A, %slice3A_9 : vector<1024x1xf32>
    %slice3A_10 = vector.extract_strided_slice %get3A_3 {offsets = [0, 1], sizes = [1024, 1], strides = [1, 1]} : vector<1024x16xf32> to vector<1024x1xf32>
    %slice3A_11 = vector.extract_strided_slice %get3A_3 {offsets = [0, 1], sizes = [1024, 1], strides = [1, 1]} : vector<1024x16xf32> to vector<1024x1xf32>
    %mul3A_12 = arith.mulf %slice3A_10, %slice3A_11 : vector<1024x1xf32>
    %add3A = arith.addf %mul3A, %mul3A_12 : vector<1024x1xf32>
    %slice3A_13 = vector.extract_strided_slice %get3A_3 {offsets = [0, 2], sizes = [1024, 1], strides = [1, 1]} : vector<1024x16xf32> to vector<1024x1xf32>
    %slice3A_14 = vector.extract_strided_slice %get3A_3 {offsets = [0, 2], sizes = [1024, 1], strides = [1, 1]} : vector<1024x16xf32> to vector<1024x1xf32>
    %mul3A_15 = arith.mulf %slice3A_13, %slice3A_14 : vector<1024x1xf32>
    %add3A_16 = arith.addf %add3A, %mul3A_15 : vector<1024x1xf32>
    %slice3A_17 = vector.extract_strided_slice %get3A_8 {offsets = [0, 0], sizes = [1, 1024], strides = [1, 1]} : vector<16x1024xf32> to vector<1x1024xf32>
    %slice3A_18 = vector.extract_strided_slice %get3A_8 {offsets = [0, 0], sizes = [1, 1024], strides = [1, 1]} : vector<16x1024xf32> to vector<1x1024xf32>
    %mul3A_19 = arith.mulf %slice3A_17, %slice3A_18 : vector<1x1024xf32>
    %slice3A_20 = vector.extract_strided_slice %get3A_8 {offsets = [1, 0], sizes = [1, 1024], strides = [1, 1]} : vector<16x1024xf32> to vector<1x1024xf32>
    %slice3A_21 = vector.extract_strided_slice %get3A_8 {offsets = [1, 0], sizes = [1, 1024], strides = [1, 1]} : vector<16x1024xf32> to vector<1x1024xf32>
    %mul3A_22 = arith.mulf %slice3A_20, %slice3A_21 : vector<1x1024xf32>
    %add3A_23 = arith.addf %mul3A_19, %mul3A_22 : vector<1x1024xf32>
    %slice3A_24 = vector.extract_strided_slice %get3A_8 {offsets = [2, 0], sizes = [1, 1024], strides = [1, 1]} : vector<16x1024xf32> to vector<1x1024xf32>
    %slice3A_25 = vector.extract_strided_slice %get3A_8 {offsets = [2, 0], sizes = [1, 1024], strides = [1, 1]} : vector<16x1024xf32> to vector<1x1024xf32>
    %mul3A_26 = arith.mulf %slice3A_24, %slice3A_25 : vector<1x1024xf32>
    %add3A_27 = arith.addf %add3A_23, %mul3A_26 : vector<1x1024xf32>
    %dot_general3A = arith.constant dense<0.000000e+00> : vector<1024x1024xf32>
    %dot_general3A_28 = tpu.matmul %get3A_3, %get3A_8, %dot_general3A {dimension_numbers = #tpu.dot_dimension_numbers<[1], [0], [0], [1], [0, 0, 1, 1], [], []>, transpose_lhs_hint = false} : vector<1024x16xf32>, vector<16x1024xf32>, vector<1024x1024xf32> -> vector<1024x1024xf32>
    %mul3A_29 = arith.constant 2.000000e+00 : f32
    %mul3A_30 = vector.broadcast %mul3A_29 : f32 to vector<1024x1024xf32>
    %mul3A_31 = arith.mulf %mul3A_30, %dot_general3A_28 : vector<1024x1024xf32>
    %sub3A = vector.broadcast %add3A_16 : vector<1024x1xf32> to vector<1024x1024xf32>
    %sub3A_32 = arith.subf %sub3A, %mul3A_31 : vector<1024x1024xf32>
    %add3A_33 = vector.broadcast %add3A_27 : vector<1x1024xf32> to vector<1024x1024xf32>
    %add3A_34 = arith.addf %sub3A_32, %add3A_33 : vector<1024x1024xf32>
    %iota3A = tpu.iota {dimensions = array<i32: 1>} : vector<1024x1024xi32>
    %reduce_min3A = arith.constant dense<0x7F800000> : vector<1024xf32>
    %reduce_min3A_35 = vector.multi_reduction <minimumf>, %add3A_34, %reduce_min3A [1] : vector<1024x1024xf32> to vector<1024xf32>
    %broadcast_in_dim3A = vector.shape_cast %reduce_min3A_35 : vector<1024xf32> to vector<1024x1xf32>
    %eq3A = vector.broadcast %broadcast_in_dim3A : vector<1024x1xf32> to vector<1024x1024xf32>
    %eq3A_36 = arith.cmpf oeq, %add3A_34, %eq3A : vector<1024x1024xf32>
    %jit3A = arith.constant 1073741824 : i32
    %broadcast_in_dim3A_37 = vector.broadcast %jit3A : i32 to vector<1024x1024xi32>
    %select_n3A = arith.select %eq3A_36, %iota3A, %broadcast_in_dim3A_37 : vector<1024x1024xi1>, vector<1024x1024xi32>
    %reduce_min3A_38 = arith.constant dense<2147483647> : vector<1024xi32>
    %reduce_min3A_39 = vector.multi_reduction <minsi>, %select_n3A, %reduce_min3A_38 [1] : vector<1024x1024xi32> to vector<1024xi32>
    %broadcast_in_dim3A_40 = vector.shape_cast %reduce_min3A_39 : vector<1024xi32> to vector<1024x1xi32>
    %swap3A = arith.constant 0 : index
    %swap3A_41 = arith.constant 0 : index
    %swap3A_42 = arith.constant 0 : index
    %swap3A_43 = vector.load %arg3[%swap3A, %swap3A_41, %swap3A_42] : memref<1x1024x16xi32, #tpu.memory_space<vmem>>, vector<1x1024x1xi32>
    %swap3A_44 = vector.shape_cast %swap3A_43 : vector<1x1024x1xi32> to vector<1024x1xi32>
    %swap3A_45 = vector.shape_cast %broadcast_in_dim3A_40 : vector<1024x1xi32> to vector<1x1024x1xi32>
    tpu.vector_store %arg3[%swap3A, %swap3A_41, %swap3A_42], %swap3A_45 {strides = array<i32>} : memref<1x1024x16xi32, #tpu.memory_space<vmem>>, vector<1x1024x1xi32>,
    %eq3A_46 = vector.broadcast %broadcast_in_dim3A_40 : vector<1024x1xi32> to vector<1024x1024xi32>
    %eq3A_47 = arith.cmpi eq, %iota3A, %eq3A_46 : vector<1024x1024xi32>
    %jit3A_48 = arith.constant 0x7F800000 : f32
    %broadcast_in_dim3A_49 = vector.broadcast %jit3A_48 : f32 to vector<1024x1024xf32>
    %select_n3A_50 = arith.select %eq3A_47, %broadcast_in_dim3A_49, %add3A_34 : vector<1024x1024xi1>, vector<1024x1024xf32>
    %reduce_min3A_51 = arith.constant dense<0x7F800000> : vector<1024xf32>
    %reduce_min3A_52 = vector.multi_reduction <minimumf>, %select_n3A_50, %reduce_min3A_51 [1] : vector<1024x1024xf32> to vector<1024xf32>
    %broadcast_in_dim3A_53 = vector.shape_cast %reduce_min3A_52 : vector<1024xf32> to vector<1024x1xf32>
    %eq3A_54 = vector.broadcast %broadcast_in_dim3A_53 : vector<1024x1xf32> to vector<1024x1024xf32>
    %eq3A_55 = arith.cmpf oeq, %select_n3A_50, %eq3A_54 : vector<1024x1024xf32>
    %jit3A_56 = arith.constant 1073741824 : i32
    %broadcast_in_dim3A_57 = vector.broadcast %jit3A_56 : i32 to vector<1024x1024xi32>
    %select_n3A_58 = arith.select %eq3A_55, %iota3A, %broadcast_in_dim3A_57 : vector<1024x1024xi1>, vector<1024x1024xi32>
    %reduce_min3A_59 = arith.constant dense<2147483647> : vector<1024xi32>
    %reduce_min3A_60 = vector.multi_reduction <minsi>, %select_n3A_58, %reduce_min3A_59 [1] : vector<1024x1024xi32> to vector<1024xi32>
    %broadcast_in_dim3A_61 = vector.shape_cast %reduce_min3A_60 : vector<1024xi32> to vector<1024x1xi32>
    %swap3A_62 = arith.constant 0 : index
    %swap3A_63 = arith.constant 0 : index
    %swap3A_64 = arith.constant 1 : index
    %swap3A_65 = vector.load %arg3[%swap3A_62, %swap3A_63, %swap3A_64] : memref<1x1024x16xi32, #tpu.memory_space<vmem>>, vector<1x1024x1xi32>
    %swap3A_66 = vector.shape_cast %swap3A_65 : vector<1x1024x1xi32> to vector<1024x1xi32>
    %swap3A_67 = vector.shape_cast %broadcast_in_dim3A_61 : vector<1024x1xi32> to vector<1x1024x1xi32>
    tpu.vector_store %arg3[%swap3A_62, %swap3A_63, %swap3A_64], %swap3A_67 {strides = array<i32>} : memref<1x1024x16xi32, #tpu.memory_space<vmem>>, vector<1x1024x1xi32>,
    %eq3A_68 = vector.broadcast %broadcast_in_dim3A_61 : vector<1024x1xi32> to vector<1024x1024xi32>
    %eq3A_69 = arith.cmpi eq, %iota3A, %eq3A_68 : vector<1024x1024xi32>
    %jit3A_70 = arith.constant 0x7F800000 : f32
    %broadcast_in_dim3A_71 = vector.broadcast %jit3A_70 : f32 to vector<1024x1024xf32>
    %select_n3A_72 = arith.select %eq3A_69, %broadcast_in_dim3A_71, %select_n3A_50 : vector<1024x1024xi1>, vector<1024x1024xf32>
    %reduce_min3A_73 = arith.constant dense<0x7F800000> : vector<1024xf32>
    %reduce_min3A_74 = vector.multi_reduction <minimumf>, %select_n3A_72, %reduce_min3A_73 [1] : vector<1024x1024xf32> to vector<1024xf32>
    %broadcast_in_dim3A_75 = vector.shape_cast %reduce_min3A_74 : vector<1024xf32> to vector<1024x1xf32>
    %eq3A_76 = vector.broadcast %broadcast_in_dim3A_75 : vector<1024x1xf32> to vector<1024x1024xf32>
    %eq3A_77 = arith.cmpf oeq, %select_n3A_72, %eq3A_76 : vector<1024x1024xf32>
    %jit3A_78 = arith.constant 1073741824 : i32
    %broadcast_in_dim3A_79 = vector.broadcast %jit3A_78 : i32 to vector<1024x1024xi32>
    %select_n3A_80 = arith.select %eq3A_77, %iota3A, %broadcast_in_dim3A_79 : vector<1024x1024xi1>, vector<1024x1024xi32>
    %reduce_min3A_81 = arith.constant dense<2147483647> : vector<1024xi32>
    %reduce_min3A_82 = vector.multi_reduction <minsi>, %select_n3A_80, %reduce_min3A_81 [1] : vector<1024x1024xi32> to vector<1024xi32>
    %broadcast_in_dim3A_83 = vector.shape_cast %reduce_min3A_82 : vector<1024xi32> to vector<1024x1xi32>
    %swap3A_84 = arith.constant 0 : index
    %swap3A_85 = arith.constant 0 : index
    %swap3A_86 = arith.constant 2 : index
    %swap3A_87 = vector.load %arg3[%swap3A_84, %swap3A_85, %swap3A_86] : memref<1x1024x16xi32, #tpu.memory_space<vmem>>, vector<1x1024x1xi32>
    %swap3A_88 = vector.shape_cast %swap3A_87 : vector<1x1024x1xi32> to vector<1024x1xi32>
    %swap3A_89 = vector.shape_cast %broadcast_in_dim3A_83 : vector<1024x1xi32> to vector<1x1024x1xi32>
    tpu.vector_store %arg3[%swap3A_84, %swap3A_85, %swap3A_86], %swap3A_89 {strides = array<i32>} : memref<1x1024x16xi32, #tpu.memory_space<vmem>>, vector<1x1024x1xi32>,
    %eq3A_90 = vector.broadcast %broadcast_in_dim3A_83 : vector<1024x1xi32> to vector<1024x1024xi32>
    %eq3A_91 = arith.cmpi eq, %iota3A, %eq3A_90 : vector<1024x1024xi32>
    %jit3A_92 = arith.constant 0x7F800000 : f32
    %broadcast_in_dim3A_93 = vector.broadcast %jit3A_92 : f32 to vector<1024x1024xf32>
    %select_n3A_94 = arith.select %eq3A_91, %broadcast_in_dim3A_93, %select_n3A_72 : vector<1024x1024xi1>, vector<1024x1024xf32>
    %reduce_min3A_95 = arith.constant dense<0x7F800000> : vector<1024xf32>
    %reduce_min3A_96 = vector.multi_reduction <minimumf>, %select_n3A_94, %reduce_min3A_95 [1] : vector<1024x1024xf32> to vector<1024xf32>
    %broadcast_in_dim3A_97 = vector.shape_cast %reduce_min3A_96 : vector<1024xf32> to vector<1024x1xf32>
    %eq3A_98 = vector.broadcast %broadcast_in_dim3A_97 : vector<1024x1xf32> to vector<1024x1024xf32>
    %eq3A_99 = arith.cmpf oeq, %select_n3A_94, %eq3A_98 : vector<1024x1024xf32>
    %jit3A_100 = arith.constant 1073741824 : i32
    %broadcast_in_dim3A_101 = vector.broadcast %jit3A_100 : i32 to vector<1024x1024xi32>
    %select_n3A_102 = arith.select %eq3A_99, %iota3A, %broadcast_in_dim3A_101 : vector<1024x1024xi1>, vector<1024x1024xi32>
    %reduce_min3A_103 = arith.constant dense<2147483647> : vector<1024xi32>
    %reduce_min3A_104 = vector.multi_reduction <minsi>, %select_n3A_102, %reduce_min3A_103 [1] : vector<1024x1024xi32> to vector<1024xi32>
    %broadcast_in_dim3A_105 = vector.shape_cast %reduce_min3A_104 : vector<1024xi32> to vector<1024x1xi32>
    %swap3A_106 = arith.constant 0 : index
    %swap3A_107 = arith.constant 0 : index
    %swap3A_108 = arith.constant 3 : index
    %swap3A_109 = vector.load %arg3[%swap3A_106, %swap3A_107, %swap3A_108] : memref<1x1024x16xi32, #tpu.memory_space<vmem>>, vector<1x1024x1xi32>
    %swap3A_110 = vector.shape_cast %swap3A_109 : vector<1x1024x1xi32> to vector<1024x1xi32>
    %swap3A_111 = vector.shape_cast %broadcast_in_dim3A_105 : vector<1024x1xi32> to vector<1x1024x1xi32>
    tpu.vector_store %arg3[%swap3A_106, %swap3A_107, %swap3A_108], %swap3A_111 {strides = array<i32>} : memref<1x1024x16xi32, #tpu.memory_space<vmem>>, vector<1x1024x1xi32>,
    %eq3A_112 = vector.broadcast %broadcast_in_dim3A_105 : vector<1024x1xi32> to vector<1024x1024xi32>
    %eq3A_113 = arith.cmpi eq, %iota3A, %eq3A_112 : vector<1024x1024xi32>
    %jit3A_114 = arith.constant 0x7F800000 : f32
    %broadcast_in_dim3A_115 = vector.broadcast %jit3A_114 : f32 to vector<1024x1024xf32>
    %select_n3A_116 = arith.select %eq3A_113, %broadcast_in_dim3A_115, %select_n3A_94 : vector<1024x1024xi1>, vector<1024x1024xf32>
    %reduce_min3A_117 = arith.constant dense<0x7F800000> : vector<1024xf32>
    %reduce_min3A_118 = vector.multi_reduction <minimumf>, %select_n3A_116, %reduce_min3A_117 [1] : vector<1024x1024xf32> to vector<1024xf32>
    %broadcast_in_dim3A_119 = vector.shape_cast %reduce_min3A_118 : vector<1024xf32> to vector<1024x1xf32>
    %eq3A_120 = vector.broadcast %broadcast_in_dim3A_119 : vector<1024x1xf32> to vector<1024x1024xf32>
    %eq3A_121 = arith.cmpf oeq, %select_n3A_116, %eq3A_120 : vector<1024x1024xf32>
    %jit3A_122 = arith.constant 1073741824 : i32
    %broadcast_in_dim3A_123 = vector.broadcast %jit3A_122 : i32 to vector<1024x1024xi32>
    %select_n3A_124 = arith.select %eq3A_121, %iota3A, %broadcast_in_dim3A_123 : vector<1024x1024xi1>, vector<1024x1024xi32>
    %reduce_min3A_125 = arith.constant dense<2147483647> : vector<1024xi32>
    %reduce_min3A_126 = vector.multi_reduction <minsi>, %select_n3A_124, %reduce_min3A_125 [1] : vector<1024x1024xi32> to vector<1024xi32>
    %broadcast_in_dim3A_127 = vector.shape_cast %reduce_min3A_126 : vector<1024xi32> to vector<1024x1xi32>
    %swap3A_128 = arith.constant 0 : index
    %swap3A_129 = arith.constant 0 : index
    %swap3A_130 = arith.constant 4 : index
    %swap3A_131 = vector.load %arg3[%swap3A_128, %swap3A_129, %swap3A_130] : memref<1x1024x16xi32, #tpu.memory_space<vmem>>, vector<1x1024x1xi32>
    %swap3A_132 = vector.shape_cast %swap3A_131 : vector<1x1024x1xi32> to vector<1024x1xi32>
    %swap3A_133 = vector.shape_cast %broadcast_in_dim3A_127 : vector<1024x1xi32> to vector<1x1024x1xi32>
    tpu.vector_store %arg3[%swap3A_128, %swap3A_129, %swap3A_130], %swap3A_133 {strides = array<i32>} : memref<1x1024x16xi32, #tpu.memory_space<vmem>>, vector<1x1024x1xi32>,
    %eq3A_134 = vector.broadcast %broadcast_in_dim3A_127 : vector<1024x1xi32> to vector<1024x1024xi32>
    %eq3A_135 = arith.cmpi eq, %iota3A, %eq3A_134 : vector<1024x1024xi32>
    %jit3A_136 = arith.constant 0x7F800000 : f32
    %broadcast_in_dim3A_137 = vector.broadcast %jit3A_136 : f32 to vector<1024x1024xf32>
    %select_n3A_138 = arith.select %eq3A_135, %broadcast_in_dim3A_137, %select_n3A_116 : vector<1024x1024xi1>, vector<1024x1024xf32>
    %reduce_min3A_139 = arith.constant dense<0x7F800000> : vector<1024xf32>
    %reduce_min3A_140 = vector.multi_reduction <minimumf>, %select_n3A_138, %reduce_min3A_139 [1] : vector<1024x1024xf32> to vector<1024xf32>
    %broadcast_in_dim3A_141 = vector.shape_cast %reduce_min3A_140 : vector<1024xf32> to vector<1024x1xf32>
    %eq3A_142 = vector.broadcast %broadcast_in_dim3A_141 : vector<1024x1xf32> to vector<1024x1024xf32>
    %eq3A_143 = arith.cmpf oeq, %select_n3A_138, %eq3A_142 : vector<1024x1024xf32>
    %jit3A_144 = arith.constant 1073741824 : i32
    %broadcast_in_dim3A_145 = vector.broadcast %jit3A_144 : i32 to vector<1024x1024xi32>
    %select_n3A_146 = arith.select %eq3A_143, %iota3A, %broadcast_in_dim3A_145 : vector<1024x1024xi1>, vector<1024x1024xi32>
    %reduce_min3A_147 = arith.constant dense<2147483647> : vector<1024xi32>
    %reduce_min3A_148 = vector.multi_reduction <minsi>, %select_n3A_146, %reduce_min3A_147 [1] : vector<1024x1024xi32> to vector<1024xi32>
    %broadcast_in_dim3A_149 = vector.shape_cast %reduce_min3A_148 : vector<1024xi32> to vector<1024x1xi32>
    %swap3A_150 = arith.constant 0 : index
    %swap3A_151 = arith.constant 0 : index
    %swap3A_152 = arith.constant 5 : index
    %swap3A_153 = vector.load %arg3[%swap3A_150, %swap3A_151, %swap3A_152] : memref<1x1024x16xi32, #tpu.memory_space<vmem>>, vector<1x1024x1xi32>
    %swap3A_154 = vector.shape_cast %swap3A_153 : vector<1x1024x1xi32> to vector<1024x1xi32>
    %swap3A_155 = vector.shape_cast %broadcast_in_dim3A_149 : vector<1024x1xi32> to vector<1x1024x1xi32>
    tpu.vector_store %arg3[%swap3A_150, %swap3A_151, %swap3A_152], %swap3A_155 {strides = array<i32>} : memref<1x1024x16xi32, #tpu.memory_space<vmem>>, vector<1x1024x1xi32>,
    %eq3A_156 = vector.broadcast %broadcast_in_dim3A_149 : vector<1024x1xi32> to vector<1024x1024xi32>
    %eq3A_157 = arith.cmpi eq, %iota3A, %eq3A_156 : vector<1024x1024xi32>
    %jit3A_158 = arith.constant 0x7F800000 : f32
    %broadcast_in_dim3A_159 = vector.broadcast %jit3A_158 : f32 to vector<1024x1024xf32>
    %select_n3A_160 = arith.select %eq3A_157, %broadcast_in_dim3A_159, %select_n3A_138 : vector<1024x1024xi1>, vector<1024x1024xf32>
    %reduce_min3A_161 = arith.constant dense<0x7F800000> : vector<1024xf32>
    %reduce_min3A_162 = vector.multi_reduction <minimumf>, %select_n3A_160, %reduce_min3A_161 [1] : vector<1024x1024xf32> to vector<1024xf32>
    %broadcast_in_dim3A_163 = vector.shape_cast %reduce_min3A_162 : vector<1024xf32> to vector<1024x1xf32>
    %eq3A_164 = vector.broadcast %broadcast_in_dim3A_163 : vector<1024x1xf32> to vector<1024x1024xf32>
    %eq3A_165 = arith.cmpf oeq, %select_n3A_160, %eq3A_164 : vector<1024x1024xf32>
    %jit3A_166 = arith.constant 1073741824 : i32
    %broadcast_in_dim3A_167 = vector.broadcast %jit3A_166 : i32 to vector<1024x1024xi32>
    %select_n3A_168 = arith.select %eq3A_165, %iota3A, %broadcast_in_dim3A_167 : vector<1024x1024xi1>, vector<1024x1024xi32>
    %reduce_min3A_169 = arith.constant dense<2147483647> : vector<1024xi32>
    %reduce_min3A_170 = vector.multi_reduction <minsi>, %select_n3A_168, %reduce_min3A_169 [1] : vector<1024x1024xi32> to vector<1024xi32>
    %broadcast_in_dim3A_171 = vector.shape_cast %reduce_min3A_170 : vector<1024xi32> to vector<1024x1xi32>
    %swap3A_172 = arith.constant 0 : index
    %swap3A_173 = arith.constant 0 : index
    %swap3A_174 = arith.constant 6 : index
    %swap3A_175 = vector.load %arg3[%swap3A_172, %swap3A_173, %swap3A_174] : memref<1x1024x16xi32, #tpu.memory_space<vmem>>, vector<1x1024x1xi32>
    %swap3A_176 = vector.shape_cast %swap3A_175 : vector<1x1024x1xi32> to vector<1024x1xi32>
    %swap3A_177 = vector.shape_cast %broadcast_in_dim3A_171 : vector<1024x1xi32> to vector<1x1024x1xi32>
    tpu.vector_store %arg3[%swap3A_172, %swap3A_173, %swap3A_174], %swap3A_177 {strides = array<i32>} : memref<1x1024x16xi32, #tpu.memory_space<vmem>>, vector<1x1024x1xi32>,
    %eq3A_178 = vector.broadcast %broadcast_in_dim3A_171 : vector<1024x1xi32> to vector<1024x1024xi32>
    %eq3A_179 = arith.cmpi eq, %iota3A, %eq3A_178 : vector<1024x1024xi32>
    %jit3A_180 = arith.constant 0x7F800000 : f32
    %broadcast_in_dim3A_181 = vector.broadcast %jit3A_180 : f32 to vector<1024x1024xf32>
    %select_n3A_182 = arith.select %eq3A_179, %broadcast_in_dim3A_181, %select_n3A_160 : vector<1024x1024xi1>, vector<1024x1024xf32>
    %reduce_min3A_183 = arith.constant dense<0x7F800000> : vector<1024xf32>
    %reduce_min3A_184 = vector.multi_reduction <minimumf>, %select_n3A_182, %reduce_min3A_183 [1] : vector<1024x1024xf32> to vector<1024xf32>
    %broadcast_in_dim3A_185 = vector.shape_cast %reduce_min3A_184 : vector<1024xf32> to vector<1024x1xf32>
    %eq3A_186 = vector.broadcast %broadcast_in_dim3A_185 : vector<1024x1xf32> to vector<1024x1024xf32>
    %eq3A_187 = arith.cmpf oeq, %select_n3A_182, %eq3A_186 : vector<1024x1024xf32>
    %jit3A_188 = arith.constant 1073741824 : i32
    %broadcast_in_dim3A_189 = vector.broadcast %jit3A_188 : i32 to vector<1024x1024xi32>
    %select_n3A_190 = arith.select %eq3A_187, %iota3A, %broadcast_in_dim3A_189 : vector<1024x1024xi1>, vector<1024x1024xi32>
    %reduce_min3A_191 = arith.constant dense<2147483647> : vector<1024xi32>
    %reduce_min3A_192 = vector.multi_reduction <minsi>, %select_n3A_190, %reduce_min3A_191 [1] : vector<1024x1024xi32> to vector<1024xi32>
    %broadcast_in_dim3A_193 = vector.shape_cast %reduce_min3A_192 : vector<1024xi32> to vector<1024x1xi32>
    %swap3A_194 = arith.constant 0 : index
    %swap3A_195 = arith.constant 0 : index
    %swap3A_196 = arith.constant 7 : index
    %swap3A_197 = vector.load %arg3[%swap3A_194, %swap3A_195, %swap3A_196] : memref<1x1024x16xi32, #tpu.memory_space<vmem>>, vector<1x1024x1xi32>
    %swap3A_198 = vector.shape_cast %swap3A_197 : vector<1x1024x1xi32> to vector<1024x1xi32>
    %swap3A_199 = vector.shape_cast %broadcast_in_dim3A_193 : vector<1024x1xi32> to vector<1x1024x1xi32>
    tpu.vector_store %arg3[%swap3A_194, %swap3A_195, %swap3A_196], %swap3A_199 {strides = array<i32>} : memref<1x1024x16xi32, #tpu.memory_space<vmem>>, vector<1x1024x1xi32>,
    %eq3A_200 = vector.broadcast %broadcast_in_dim3A_193 : vector<1024x1xi32> to vector<1024x1024xi32>
    %eq3A_201 = arith.cmpi eq, %iota3A, %eq3A_200 : vector<1024x1024xi32>
    %jit3A_202 = arith.constant 0x7F800000 : f32
    %broadcast_in_dim3A_203 = vector.broadcast %jit3A_202 : f32 to vector<1024x1024xf32>
    %select_n3A_204 = arith.select %eq3A_201, %broadcast_in_dim3A_203, %select_n3A_182 : vector<1024x1024xi1>, vector<1024x1024xf32>
    %reduce_min3A_205 = arith.constant dense<0x7F800000> : vector<1024xf32>
    %reduce_min3A_206 = vector.multi_reduction <minimumf>, %select_n3A_204, %reduce_min3A_205 [1] : vector<1024x1024xf32> to vector<1024xf32>
    %broadcast_in_dim3A_207 = vector.shape_cast %reduce_min3A_206 : vector<1024xf32> to vector<1024x1xf32>
    %eq3A_208 = vector.broadcast %broadcast_in_dim3A_207 : vector<1024x1xf32> to vector<1024x1024xf32>
    %eq3A_209 = arith.cmpf oeq, %select_n3A_204, %eq3A_208 : vector<1024x1024xf32>
    %jit3A_210 = arith.constant 1073741824 : i32
    %broadcast_in_dim3A_211 = vector.broadcast %jit3A_210 : i32 to vector<1024x1024xi32>
    %select_n3A_212 = arith.select %eq3A_209, %iota3A, %broadcast_in_dim3A_211 : vector<1024x1024xi1>, vector<1024x1024xi32>
    %reduce_min3A_213 = arith.constant dense<2147483647> : vector<1024xi32>
    %reduce_min3A_214 = vector.multi_reduction <minsi>, %select_n3A_212, %reduce_min3A_213 [1] : vector<1024x1024xi32> to vector<1024xi32>
    %broadcast_in_dim3A_215 = vector.shape_cast %reduce_min3A_214 : vector<1024xi32> to vector<1024x1xi32>
    %swap3A_216 = arith.constant 0 : index
    %swap3A_217 = arith.constant 0 : index
    %swap3A_218 = arith.constant 8 : index
    %swap3A_219 = vector.load %arg3[%swap3A_216, %swap3A_217, %swap3A_218] : memref<1x1024x16xi32, #tpu.memory_space<vmem>>, vector<1x1024x1xi32>
    %swap3A_220 = vector.shape_cast %swap3A_219 : vector<1x1024x1xi32> to vector<1024x1xi32>
    %swap3A_221 = vector.shape_cast %broadcast_in_dim3A_215 : vector<1024x1xi32> to vector<1x1024x1xi32>
    tpu.vector_store %arg3[%swap3A_216, %swap3A_217, %swap3A_218], %swap3A_221 {strides = array<i32>} : memref<1x1024x16xi32, #tpu.memory_space<vmem>>, vector<1x1024x1xi32>,
    %eq3A_222 = vector.broadcast %broadcast_in_dim3A_215 : vector<1024x1xi32> to vector<1024x1024xi32>
    %eq3A_223 = arith.cmpi eq, %iota3A, %eq3A_222 : vector<1024x1024xi32>
    %jit3A_224 = arith.constant 0x7F800000 : f32
    %broadcast_in_dim3A_225 = vector.broadcast %jit3A_224 : f32 to vector<1024x1024xf32>
    %select_n3A_226 = arith.select %eq3A_223, %broadcast_in_dim3A_225, %select_n3A_204 : vector<1024x1024xi1>, vector<1024x1024xf32>
    %reduce_min3A_227 = arith.constant dense<0x7F800000> : vector<1024xf32>
    %reduce_min3A_228 = vector.multi_reduction <minimumf>, %select_n3A_226, %reduce_min3A_227 [1] : vector<1024x1024xf32> to vector<1024xf32>
    %broadcast_in_dim3A_229 = vector.shape_cast %reduce_min3A_228 : vector<1024xf32> to vector<1024x1xf32>
    %eq3A_230 = vector.broadcast %broadcast_in_dim3A_229 : vector<1024x1xf32> to vector<1024x1024xf32>
    %eq3A_231 = arith.cmpf oeq, %select_n3A_226, %eq3A_230 : vector<1024x1024xf32>
    %jit3A_232 = arith.constant 1073741824 : i32
    %broadcast_in_dim3A_233 = vector.broadcast %jit3A_232 : i32 to vector<1024x1024xi32>
    %select_n3A_234 = arith.select %eq3A_231, %iota3A, %broadcast_in_dim3A_233 : vector<1024x1024xi1>, vector<1024x1024xi32>
    %reduce_min3A_235 = arith.constant dense<2147483647> : vector<1024xi32>
    %reduce_min3A_236 = vector.multi_reduction <minsi>, %select_n3A_234, %reduce_min3A_235 [1] : vector<1024x1024xi32> to vector<1024xi32>
    %broadcast_in_dim3A_237 = vector.shape_cast %reduce_min3A_236 : vector<1024xi32> to vector<1024x1xi32>
    %swap3A_238 = arith.constant 0 : index
    %swap3A_239 = arith.constant 0 : index
    %swap3A_240 = arith.constant 9 : index
    %swap3A_241 = vector.load %arg3[%swap3A_238, %swap3A_239, %swap3A_240] : memref<1x1024x16xi32, #tpu.memory_space<vmem>>, vector<1x1024x1xi32>
    %swap3A_242 = vector.shape_cast %swap3A_241 : vector<1x1024x1xi32> to vector<1024x1xi32>
    %swap3A_243 = vector.shape_cast %broadcast_in_dim3A_237 : vector<1024x1xi32> to vector<1x1024x1xi32>
    tpu.vector_store %arg3[%swap3A_238, %swap3A_239, %swap3A_240], %swap3A_243 {strides = array<i32>} : memref<1x1024x16xi32, #tpu.memory_space<vmem>>, vector<1x1024x1xi32>,
    %eq3A_244 = vector.broadcast %broadcast_in_dim3A_237 : vector<1024x1xi32> to vector<1024x1024xi32>
    %eq3A_245 = arith.cmpi eq, %iota3A, %eq3A_244 : vector<1024x1024xi32>
    %jit3A_246 = arith.constant 0x7F800000 : f32
    %broadcast_in_dim3A_247 = vector.broadcast %jit3A_246 : f32 to vector<1024x1024xf32>
    %select_n3A_248 = arith.select %eq3A_245, %broadcast_in_dim3A_247, %select_n3A_226 : vector<1024x1024xi1>, vector<1024x1024xf32>
    %reduce_min3A_249 = arith.constant dense<0x7F800000> : vector<1024xf32>
    %reduce_min3A_250 = vector.multi_reduction <minimumf>, %select_n3A_248, %reduce_min3A_249 [1] : vector<1024x1024xf32> to vector<1024xf32>
    %broadcast_in_dim3A_251 = vector.shape_cast %reduce_min3A_250 : vector<1024xf32> to vector<1024x1xf32>
    %eq3A_252 = vector.broadcast %broadcast_in_dim3A_251 : vector<1024x1xf32> to vector<1024x1024xf32>
    %eq3A_253 = arith.cmpf oeq, %select_n3A_248, %eq3A_252 : vector<1024x1024xf32>
    %jit3A_254 = arith.constant 1073741824 : i32
    %broadcast_in_dim3A_255 = vector.broadcast %jit3A_254 : i32 to vector<1024x1024xi32>
    %select_n3A_256 = arith.select %eq3A_253, %iota3A, %broadcast_in_dim3A_255 : vector<1024x1024xi1>, vector<1024x1024xi32>
    %reduce_min3A_257 = arith.constant dense<2147483647> : vector<1024xi32>
    %reduce_min3A_258 = vector.multi_reduction <minsi>, %select_n3A_256, %reduce_min3A_257 [1] : vector<1024x1024xi32> to vector<1024xi32>
    %broadcast_in_dim3A_259 = vector.shape_cast %reduce_min3A_258 : vector<1024xi32> to vector<1024x1xi32>
    %swap3A_260 = arith.constant 0 : index
    %swap3A_261 = arith.constant 0 : index
    %swap3A_262 = arith.constant 10 : index
    %swap3A_263 = vector.load %arg3[%swap3A_260, %swap3A_261, %swap3A_262] : memref<1x1024x16xi32, #tpu.memory_space<vmem>>, vector<1x1024x1xi32>
    %swap3A_264 = vector.shape_cast %swap3A_263 : vector<1x1024x1xi32> to vector<1024x1xi32>
    %swap3A_265 = vector.shape_cast %broadcast_in_dim3A_259 : vector<1024x1xi32> to vector<1x1024x1xi32>
    tpu.vector_store %arg3[%swap3A_260, %swap3A_261, %swap3A_262], %swap3A_265 {strides = array<i32>} : memref<1x1024x16xi32, #tpu.memory_space<vmem>>, vector<1x1024x1xi32>,
    %eq3A_266 = vector.broadcast %broadcast_in_dim3A_259 : vector<1024x1xi32> to vector<1024x1024xi32>
    %eq3A_267 = arith.cmpi eq, %iota3A, %eq3A_266 : vector<1024x1024xi32>
    %jit3A_268 = arith.constant 0x7F800000 : f32
    %broadcast_in_dim3A_269 = vector.broadcast %jit3A_268 : f32 to vector<1024x1024xf32>
    %select_n3A_270 = arith.select %eq3A_267, %broadcast_in_dim3A_269, %select_n3A_248 : vector<1024x1024xi1>, vector<1024x1024xf32>
    %reduce_min3A_271 = arith.constant dense<0x7F800000> : vector<1024xf32>
    %reduce_min3A_272 = vector.multi_reduction <minimumf>, %select_n3A_270, %reduce_min3A_271 [1] : vector<1024x1024xf32> to vector<1024xf32>
    %broadcast_in_dim3A_273 = vector.shape_cast %reduce_min3A_272 : vector<1024xf32> to vector<1024x1xf32>
    %eq3A_274 = vector.broadcast %broadcast_in_dim3A_273 : vector<1024x1xf32> to vector<1024x1024xf32>
    %eq3A_275 = arith.cmpf oeq, %select_n3A_270, %eq3A_274 : vector<1024x1024xf32>
    %jit3A_276 = arith.constant 1073741824 : i32
    %broadcast_in_dim3A_277 = vector.broadcast %jit3A_276 : i32 to vector<1024x1024xi32>
    %select_n3A_278 = arith.select %eq3A_275, %iota3A, %broadcast_in_dim3A_277 : vector<1024x1024xi1>, vector<1024x1024xi32>
    %reduce_min3A_279 = arith.constant dense<2147483647> : vector<1024xi32>
    %reduce_min3A_280 = vector.multi_reduction <minsi>, %select_n3A_278, %reduce_min3A_279 [1] : vector<1024x1024xi32> to vector<1024xi32>
    %broadcast_in_dim3A_281 = vector.shape_cast %reduce_min3A_280 : vector<1024xi32> to vector<1024x1xi32>
    %swap3A_282 = arith.constant 0 : index
    %swap3A_283 = arith.constant 0 : index
    %swap3A_284 = arith.constant 11 : index
    %swap3A_285 = vector.load %arg3[%swap3A_282, %swap3A_283, %swap3A_284] : memref<1x1024x16xi32, #tpu.memory_space<vmem>>, vector<1x1024x1xi32>
    %swap3A_286 = vector.shape_cast %swap3A_285 : vector<1x1024x1xi32> to vector<1024x1xi32>
    %swap3A_287 = vector.shape_cast %broadcast_in_dim3A_281 : vector<1024x1xi32> to vector<1x1024x1xi32>
    tpu.vector_store %arg3[%swap3A_282, %swap3A_283, %swap3A_284], %swap3A_287 {strides = array<i32>} : memref<1x1024x16xi32, #tpu.memory_space<vmem>>, vector<1x1024x1xi32>,
    %eq3A_288 = vector.broadcast %broadcast_in_dim3A_281 : vector<1024x1xi32> to vector<1024x1024xi32>
    %eq3A_289 = arith.cmpi eq, %iota3A, %eq3A_288 : vector<1024x1024xi32>
    %jit3A_290 = arith.constant 0x7F800000 : f32
    %broadcast_in_dim3A_291 = vector.broadcast %jit3A_290 : f32 to vector<1024x1024xf32>
    %select_n3A_292 = arith.select %eq3A_289, %broadcast_in_dim3A_291, %select_n3A_270 : vector<1024x1024xi1>, vector<1024x1024xf32>
    %reduce_min3A_293 = arith.constant dense<0x7F800000> : vector<1024xf32>
    %reduce_min3A_294 = vector.multi_reduction <minimumf>, %select_n3A_292, %reduce_min3A_293 [1] : vector<1024x1024xf32> to vector<1024xf32>
    %broadcast_in_dim3A_295 = vector.shape_cast %reduce_min3A_294 : vector<1024xf32> to vector<1024x1xf32>
    %eq3A_296 = vector.broadcast %broadcast_in_dim3A_295 : vector<1024x1xf32> to vector<1024x1024xf32>
    %eq3A_297 = arith.cmpf oeq, %select_n3A_292, %eq3A_296 : vector<1024x1024xf32>
    %jit3A_298 = arith.constant 1073741824 : i32
    %broadcast_in_dim3A_299 = vector.broadcast %jit3A_298 : i32 to vector<1024x1024xi32>
    %select_n3A_300 = arith.select %eq3A_297, %iota3A, %broadcast_in_dim3A_299 : vector<1024x1024xi1>, vector<1024x1024xi32>
    %reduce_min3A_301 = arith.constant dense<2147483647> : vector<1024xi32>
    %reduce_min3A_302 = vector.multi_reduction <minsi>, %select_n3A_300, %reduce_min3A_301 [1] : vector<1024x1024xi32> to vector<1024xi32>
    %broadcast_in_dim3A_303 = vector.shape_cast %reduce_min3A_302 : vector<1024xi32> to vector<1024x1xi32>
    %swap3A_304 = arith.constant 0 : index
    %swap3A_305 = arith.constant 0 : index
    %swap3A_306 = arith.constant 12 : index
    %swap3A_307 = vector.load %arg3[%swap3A_304, %swap3A_305, %swap3A_306] : memref<1x1024x16xi32, #tpu.memory_space<vmem>>, vector<1x1024x1xi32>
    %swap3A_308 = vector.shape_cast %swap3A_307 : vector<1x1024x1xi32> to vector<1024x1xi32>
    %swap3A_309 = vector.shape_cast %broadcast_in_dim3A_303 : vector<1024x1xi32> to vector<1x1024x1xi32>
    tpu.vector_store %arg3[%swap3A_304, %swap3A_305, %swap3A_306], %swap3A_309 {strides = array<i32>} : memref<1x1024x16xi32, #tpu.memory_space<vmem>>, vector<1x1024x1xi32>,
    %eq3A_310 = vector.broadcast %broadcast_in_dim3A_303 : vector<1024x1xi32> to vector<1024x1024xi32>
    %eq3A_311 = arith.cmpi eq, %iota3A, %eq3A_310 : vector<1024x1024xi32>
    %jit3A_312 = arith.constant 0x7F800000 : f32
    %broadcast_in_dim3A_313 = vector.broadcast %jit3A_312 : f32 to vector<1024x1024xf32>
    %select_n3A_314 = arith.select %eq3A_311, %broadcast_in_dim3A_313, %select_n3A_292 : vector<1024x1024xi1>, vector<1024x1024xf32>
    %reduce_min3A_315 = arith.constant dense<0x7F800000> : vector<1024xf32>
    %reduce_min3A_316 = vector.multi_reduction <minimumf>, %select_n3A_314, %reduce_min3A_315 [1] : vector<1024x1024xf32> to vector<1024xf32>
    %broadcast_in_dim3A_317 = vector.shape_cast %reduce_min3A_316 : vector<1024xf32> to vector<1024x1xf32>
    %eq3A_318 = vector.broadcast %broadcast_in_dim3A_317 : vector<1024x1xf32> to vector<1024x1024xf32>
    %eq3A_319 = arith.cmpf oeq, %select_n3A_314, %eq3A_318 : vector<1024x1024xf32>
    %jit3A_320 = arith.constant 1073741824 : i32
    %broadcast_in_dim3A_321 = vector.broadcast %jit3A_320 : i32 to vector<1024x1024xi32>
    %select_n3A_322 = arith.select %eq3A_319, %iota3A, %broadcast_in_dim3A_321 : vector<1024x1024xi1>, vector<1024x1024xi32>
    %reduce_min3A_323 = arith.constant dense<2147483647> : vector<1024xi32>
    %reduce_min3A_324 = vector.multi_reduction <minsi>, %select_n3A_322, %reduce_min3A_323 [1] : vector<1024x1024xi32> to vector<1024xi32>
    %broadcast_in_dim3A_325 = vector.shape_cast %reduce_min3A_324 : vector<1024xi32> to vector<1024x1xi32>
    %swap3A_326 = arith.constant 0 : index
    %swap3A_327 = arith.constant 0 : index
    %swap3A_328 = arith.constant 13 : index
    %swap3A_329 = vector.load %arg3[%swap3A_326, %swap3A_327, %swap3A_328] : memref<1x1024x16xi32, #tpu.memory_space<vmem>>, vector<1x1024x1xi32>
    %swap3A_330 = vector.shape_cast %swap3A_329 : vector<1x1024x1xi32> to vector<1024x1xi32>
    %swap3A_331 = vector.shape_cast %broadcast_in_dim3A_325 : vector<1024x1xi32> to vector<1x1024x1xi32>
    tpu.vector_store %arg3[%swap3A_326, %swap3A_327, %swap3A_328], %swap3A_331 {strides = array<i32>} : memref<1x1024x16xi32, #tpu.memory_space<vmem>>, vector<1x1024x1xi32>,
    %eq3A_332 = vector.broadcast %broadcast_in_dim3A_325 : vector<1024x1xi32> to vector<1024x1024xi32>
    %eq3A_333 = arith.cmpi eq, %iota3A, %eq3A_332 : vector<1024x1024xi32>
    %jit3A_334 = arith.constant 0x7F800000 : f32
    %broadcast_in_dim3A_335 = vector.broadcast %jit3A_334 : f32 to vector<1024x1024xf32>
    %select_n3A_336 = arith.select %eq3A_333, %broadcast_in_dim3A_335, %select_n3A_314 : vector<1024x1024xi1>, vector<1024x1024xf32>
    %reduce_min3A_337 = arith.constant dense<0x7F800000> : vector<1024xf32>
    %reduce_min3A_338 = vector.multi_reduction <minimumf>, %select_n3A_336, %reduce_min3A_337 [1] : vector<1024x1024xf32> to vector<1024xf32>
    %broadcast_in_dim3A_339 = vector.shape_cast %reduce_min3A_338 : vector<1024xf32> to vector<1024x1xf32>
    %eq3A_340 = vector.broadcast %broadcast_in_dim3A_339 : vector<1024x1xf32> to vector<1024x1024xf32>
    %eq3A_341 = arith.cmpf oeq, %select_n3A_336, %eq3A_340 : vector<1024x1024xf32>
    %jit3A_342 = arith.constant 1073741824 : i32
    %broadcast_in_dim3A_343 = vector.broadcast %jit3A_342 : i32 to vector<1024x1024xi32>
    %select_n3A_344 = arith.select %eq3A_341, %iota3A, %broadcast_in_dim3A_343 : vector<1024x1024xi1>, vector<1024x1024xi32>
    %reduce_min3A_345 = arith.constant dense<2147483647> : vector<1024xi32>
    %reduce_min3A_346 = vector.multi_reduction <minsi>, %select_n3A_344, %reduce_min3A_345 [1] : vector<1024x1024xi32> to vector<1024xi32>
    %broadcast_in_dim3A_347 = vector.shape_cast %reduce_min3A_346 : vector<1024xi32> to vector<1024x1xi32>
    %swap3A_348 = arith.constant 0 : index
    %swap3A_349 = arith.constant 0 : index
    %swap3A_350 = arith.constant 14 : index
    %swap3A_351 = vector.load %arg3[%swap3A_348, %swap3A_349, %swap3A_350] : memref<1x1024x16xi32, #tpu.memory_space<vmem>>, vector<1x1024x1xi32>
    %swap3A_352 = vector.shape_cast %swap3A_351 : vector<1x1024x1xi32> to vector<1024x1xi32>
    %swap3A_353 = vector.shape_cast %broadcast_in_dim3A_347 : vector<1024x1xi32> to vector<1x1024x1xi32>
    tpu.vector_store %arg3[%swap3A_348, %swap3A_349, %swap3A_350], %swap3A_353 {strides = array<i32>} : memref<1x1024x16xi32, #tpu.memory_space<vmem>>, vector<1x1024x1xi32>,
    %eq3A_354 = vector.broadcast %broadcast_in_dim3A_347 : vector<1024x1xi32> to vector<1024x1024xi32>
    %eq3A_355 = arith.cmpi eq, %iota3A, %eq3A_354 : vector<1024x1024xi32>
    %jit3A_356 = arith.constant 0x7F800000 : f32
    %broadcast_in_dim3A_357 = vector.broadcast %jit3A_356 : f32 to vector<1024x1024xf32>
    %select_n3A_358 = arith.select %eq3A_355, %broadcast_in_dim3A_357, %select_n3A_336 : vector<1024x1024xi1>, vector<1024x1024xf32>
    %reduce_min3A_359 = arith.constant dense<0x7F800000> : vector<1024xf32>
    %reduce_min3A_360 = vector.multi_reduction <minimumf>, %select_n3A_358, %reduce_min3A_359 [1] : vector<1024x1024xf32> to vector<1024xf32>
    %broadcast_in_dim3A_361 = vector.shape_cast %reduce_min3A_360 : vector<1024xf32> to vector<1024x1xf32>
    %eq3A_362 = vector.broadcast %broadcast_in_dim3A_361 : vector<1024x1xf32> to vector<1024x1024xf32>
    %eq3A_363 = arith.cmpf oeq, %select_n3A_358, %eq3A_362 : vector<1024x1024xf32>
    %jit3A_364 = arith.constant 1073741824 : i32
    %broadcast_in_dim3A_365 = vector.broadcast %jit3A_364 : i32 to vector<1024x1024xi32>
    %select_n3A_366 = arith.select %eq3A_363, %iota3A, %broadcast_in_dim3A_365 : vector<1024x1024xi1>, vector<1024x1024xi32>
    %reduce_min3A_367 = arith.constant dense<2147483647> : vector<1024xi32>
    %reduce_min3A_368 = vector.multi_reduction <minsi>, %select_n3A_366, %reduce_min3A_367 [1] : vector<1024x1024xi32> to vector<1024xi32>
    %broadcast_in_dim3A_369 = vector.shape_cast %reduce_min3A_368 : vector<1024xi32> to vector<1024x1xi32>
    %swap3A_370 = arith.constant 0 : index
    %swap3A_371 = arith.constant 0 : index
    %swap3A_372 = arith.constant 15 : index
    %swap3A_373 = vector.load %arg3[%swap3A_370, %swap3A_371, %swap3A_372] : memref<1x1024x16xi32, #tpu.memory_space<vmem>>, vector<1x1024x1xi32>
    %swap3A_374 = vector.shape_cast %swap3A_373 : vector<1x1024x1xi32> to vector<1024x1xi32>
    %swap3A_375 = vector.shape_cast %broadcast_in_dim3A_369 : vector<1024x1xi32> to vector<1x1024x1xi32>
    tpu.vector_store %arg3[%swap3A_370, %swap3A_371, %swap3A_372], %swap3A_375 {strides = array<i32>} : memref<1x1024x16xi32, #tpu.memory_space<vmem>>, vector<1x1024x1xi32>,
    return
  }
  func.func @transform_0(%arg0: i32) -> (i32, i32, i32) {
    %c0_i32 = arith.constant 0 : i32
    %c0_i32_0 = arith.constant 0 : i32
    %c0_i32_1 = arith.constant 0 : i32
    return %arg0, %c0_i32, %c0_i32_0 : i32, i32, i32
  }
  func.func @transform_1(%arg0: i32) -> (i32, i32, i32) {
    %c0_i32 = arith.constant 0 : i32
    %c0_i32_0 = arith.constant 0 : i32
    %c0_i32_1 = arith.constant 0 : i32
    return %arg0, %c0_i32, %c0_i32_0 : i32, i32, i32
  }
  func.func @transform_2(%arg0: i32) -> (i32, i32, i32) {
    %c0_i32 = arith.constant 0 : i32
    %c0_i32_0 = arith.constant 0 : i32
    %c0_i32_1 = arith.constant 0 : i32
    return %arg0, %c0_i32, %c0_i32_0 : i32, i32, i32
  }
}

module attributes {stable_mosaic.version = 14 : i64} {
  func.func @_stats1_body(%arg0: i32, %arg1: i32, %arg2: memref<1x2048x128xf32, #tpu.memory_space<vmem>>, %arg3: memref<1x128x16xf32, #tpu.memory_space<vmem>>, %arg4: memref<16x64xf32, #tpu.memory_space<vmem>>, %arg5: memref<1x64xf32, #tpu.memory_space<vmem>>, %arg6: memref<1x64xf32, #tpu.memory_space<vmem>>, %arg7: memref<1x64xf32, #tpu.memory_space<vmem>>) attributes {dimension_semantics = [#tpu.dimension_semantics<arbitrary>, #tpu.dimension_semantics<arbitrary>], iteration_bounds = array<i64: 2, 8>, scalar_prefetch = 0 : i64, scratch_operands = 0 : i64, tpu.core_type = #tpu.core_type<tc>, window_params = [{transform_indices = @transform_0, window_bounds = array<i64: 1, 2048, 128>}, {transform_indices = @transform_1, window_bounds = array<i64: 1, 128, 16>}, {pipeline_mode = #tpu.pipeline_mode<synchronous>, transform_indices = @transform_2, window_bounds = array<i64: 16, 64>}, {pipeline_mode = #tpu.pipeline_mode<synchronous>, transform_indices = @transform_3, window_bounds = array<i64: 1, 64>}, {pipeline_mode = #tpu.pipeline_mode<synchronous>, transform_indices = @transform_4, window_bounds = array<i64: 1, 64>}, {pipeline_mode = #tpu.pipeline_mode<synchronous>, transform_indices = @transform_5, window_bounds = array<i64: 1, 64>}]} {
    %eq3A = arith.constant 0 : i32
    %eq3A_0 = arith.cmpi eq, %arg0, %eq3A : i32
    %eq3A_1 = arith.constant 0 : i32
    %eq3A_2 = arith.cmpi eq, %arg1, %eq3A_1 : i32
    %and3A = arith.andi %eq3A_0, %eq3A_2 : i1
    %get3A = arith.constant 0 : index
    %get3A_3 = arith.constant 0 : index
    %get3A_4 = arith.constant 0 : index
    %get3A_5 = vector.load %arg3[%get3A, %get3A_3, %get3A_4] : memref<1x128x16xf32, #tpu.memory_space<vmem>>, vector<1x128x16xf32>
    %get3A_6 = vector.shape_cast %get3A_5 : vector<1x128x16xf32> to vector<128x16xf32>
    %broadcast_in_dim3A = vector.shape_cast %get3A_6 : vector<128x16xf32> to vector<128x1x16xf32>
    %broadcast_in_dim3A_7 = vector.shape_cast %broadcast_in_dim3A : vector<128x1x16xf32> to vector<128x1x16xf32>
    %broadcast_in_dim3A_8 = vector.broadcast %broadcast_in_dim3A_7 : vector<128x1x16xf32> to vector<128x16x16xf32>
    %reshape3A = vector.shape_cast %broadcast_in_dim3A_8 : vector<128x16x16xf32> to vector<2048x16xf32>
    %get3A_9 = arith.constant 0 : index
    %get3A_10 = arith.constant 0 : index
    %get3A_11 = arith.constant 0 : index
    %get3A_12 = vector.load %arg2[%get3A_9, %get3A_10, %get3A_11] : memref<1x2048x128xf32, #tpu.memory_space<vmem>>, vector<1x2048x128xf32>
    %get3A_13 = vector.shape_cast %get3A_12 : vector<1x2048x128xf32> to vector<2048x128xf32>
    %slice3A = vector.extract_strided_slice %get3A_13 {offsets = [0, 64], sizes = [2048, 16], strides = [1, 1]} : vector<2048x128xf32> to vector<2048x16xf32>
    %sub3A = arith.subf %slice3A, %reshape3A : vector<2048x16xf32>
    %get3A_14 = arith.constant 0 : index
    %get3A_15 = arith.constant 0 : index
    %get3A_16 = vector.load %arg4[%get3A_14, %get3A_15] : memref<16x64xf32, #tpu.memory_space<vmem>>, vector<16x64xf32>
    %dot_general3A = arith.constant dense<0.000000e+00> : vector<2048x64xf32>
    %dot_general3A_17 = tpu.matmul %sub3A, %get3A_16, %dot_general3A {dimension_numbers = #tpu.dot_dimension_numbers<[1], [0], [0], [1], [0, 0, 1, 1], [], []>, transpose_lhs_hint = false} : vector<2048x16xf32>, vector<16x64xf32>, vector<2048x64xf32> -> vector<2048x64xf32>
    %get3A_18 = arith.constant 0 : index
    %get3A_19 = arith.constant 0 : index
    %get3A_20 = vector.load %arg5[%get3A_18, %get3A_19] : memref<1x64xf32, #tpu.memory_space<vmem>>, vector<1x64xf32>
    %add3A = vector.broadcast %get3A_20 : vector<1x64xf32> to vector<2048x64xf32>
    %add3A_21 = arith.addf %dot_general3A_17, %add3A : vector<2048x64xf32>
    %broadcast_in_dim3A_22 = arith.constant 1.000000e+00 : f32
    %broadcast_in_dim3A_23 = vector.broadcast %broadcast_in_dim3A_22 : f32 to vector<1x2048xf32>
    %dot_general3A_24 = arith.constant dense<0.000000e+00> : vector<1x64xf32>
    %dot_general3A_25 = tpu.matmul %broadcast_in_dim3A_23, %add3A_21, %dot_general3A_24 {dimension_numbers = #tpu.dot_dimension_numbers<[1], [0], [0], [1], [0, 0, 1, 1], [], []>, transpose_lhs_hint = false} : vector<1x2048xf32>, vector<2048x64xf32>, vector<1x64xf32> -> vector<1x64xf32>
    %mul3A = arith.mulf %add3A_21, %add3A_21 : vector<2048x64xf32>
    %dot_general3A_26 = arith.constant dense<0.000000e+00> : vector<1x64xf32>
    %dot_general3A_27 = tpu.matmul %broadcast_in_dim3A_23, %mul3A, %dot_general3A_26 {dimension_numbers = #tpu.dot_dimension_numbers<[1], [0], [0], [1], [0, 0, 1, 1], [], []>, transpose_lhs_hint = false} : vector<1x2048xf32>, vector<2048x64xf32>, vector<1x64xf32> -> vector<1x64xf32>
    %convert_element_type3A = arith.extui %and3A : i1 to i32
    %cond3A = arith.constant 0 : i32
    %cond3A_28 = arith.cmpi ne, %convert_element_type3A, %cond3A : i32
    scf.if %cond3A_28 {
      %swap3A = arith.constant 0 : index
      %swap3A_33 = arith.constant 0 : index
      %swap3A_34 = vector.load %arg6[%swap3A, %swap3A_33] : memref<1x64xf32, #tpu.memory_space<vmem>>, vector<1x64xf32>
      tpu.vector_store %arg6[%swap3A, %swap3A_33], %dot_general3A_25 {strides = array<i32>} : memref<1x64xf32, #tpu.memory_space<vmem>>, vector<1x64xf32>,
      %swap3A_35 = arith.constant 0 : index
      %swap3A_36 = arith.constant 0 : index
      %swap3A_37 = vector.load %arg7[%swap3A_35, %swap3A_36] : memref<1x64xf32, #tpu.memory_space<vmem>>, vector<1x64xf32>
      tpu.vector_store %arg7[%swap3A_35, %swap3A_36], %dot_general3A_27 {strides = array<i32>} : memref<1x64xf32, #tpu.memory_space<vmem>>, vector<1x64xf32>,
    } else {
    }
    %not3A = arith.constant true
    %not3A_29 = arith.xori %and3A, %not3A : i1
    %convert_element_type3A_30 = arith.extui %not3A_29 : i1 to i32
    %cond3A_31 = arith.constant 0 : i32
    %cond3A_32 = arith.cmpi ne, %convert_element_type3A_30, %cond3A_31 : i32
    scf.if %cond3A_32 {
      %get3A_33 = arith.constant 0 : index
      %get3A_34 = arith.constant 0 : index
      %get3A_35 = vector.load %arg6[%get3A_33, %get3A_34] : memref<1x64xf32, #tpu.memory_space<vmem>>, vector<1x64xf32>
      %add3A_36 = arith.addf %get3A_35, %dot_general3A_25 : vector<1x64xf32>
      %swap3A = arith.constant 0 : index
      %swap3A_37 = arith.constant 0 : index
      %swap3A_38 = vector.load %arg6[%swap3A, %swap3A_37] : memref<1x64xf32, #tpu.memory_space<vmem>>, vector<1x64xf32>
      tpu.vector_store %arg6[%swap3A, %swap3A_37], %add3A_36 {strides = array<i32>} : memref<1x64xf32, #tpu.memory_space<vmem>>, vector<1x64xf32>,
      %get3A_39 = arith.constant 0 : index
      %get3A_40 = arith.constant 0 : index
      %get3A_41 = vector.load %arg7[%get3A_39, %get3A_40] : memref<1x64xf32, #tpu.memory_space<vmem>>, vector<1x64xf32>
      %add3A_42 = arith.addf %get3A_41, %dot_general3A_27 : vector<1x64xf32>
      %swap3A_43 = arith.constant 0 : index
      %swap3A_44 = arith.constant 0 : index
      %swap3A_45 = vector.load %arg7[%swap3A_43, %swap3A_44] : memref<1x64xf32, #tpu.memory_space<vmem>>, vector<1x64xf32>
      tpu.vector_store %arg7[%swap3A_43, %swap3A_44], %add3A_42 {strides = array<i32>} : memref<1x64xf32, #tpu.memory_space<vmem>>, vector<1x64xf32>,
    } else {
    }
    return
  }
  func.func @transform_0(%arg0: i32, %arg1: i32) -> (i32, i32, i32) {
    %c2_i32 = arith.constant 2 : i32
    %c0_i32 = arith.constant 0 : i32
    return %arg0, %arg1, %c2_i32 : i32, i32, i32
  }
  func.func @transform_1(%arg0: i32, %arg1: i32) -> (i32, i32, i32) {
    %c0_i32 = arith.constant 0 : i32
    %c0_i32_0 = arith.constant 0 : i32
    return %arg0, %arg1, %c0_i32 : i32, i32, i32
  }
  func.func @transform_2(%arg0: i32, %arg1: i32) -> (i32, i32) {
    %c0_i32 = arith.constant 0 : i32
    %c0_i32_0 = arith.constant 0 : i32
    %c0_i32_1 = arith.constant 0 : i32
    return %c0_i32, %c0_i32_0 : i32, i32
  }
  func.func @transform_3(%arg0: i32, %arg1: i32) -> (i32, i32) {
    %c0_i32 = arith.constant 0 : i32
    %c0_i32_0 = arith.constant 0 : i32
    %c0_i32_1 = arith.constant 0 : i32
    return %c0_i32, %c0_i32_0 : i32, i32
  }
  func.func @transform_4(%arg0: i32, %arg1: i32) -> (i32, i32) {
    %c0_i32 = arith.constant 0 : i32
    %c0_i32_0 = arith.constant 0 : i32
    %c0_i32_1 = arith.constant 0 : i32
    return %c0_i32, %c0_i32_0 : i32, i32
  }
  func.func @transform_5(%arg0: i32, %arg1: i32) -> (i32, i32) {
    %c0_i32 = arith.constant 0 : i32
    %c0_i32_0 = arith.constant 0 : i32
    %c0_i32_1 = arith.constant 0 : i32
    return %c0_i32, %c0_i32_0 : i32, i32
  }
}

module attributes {stable_mosaic.version = 14 : i64} {
  func.func @_mid_body(%arg0: i32, %arg1: i32, %arg2: memref<1x2048x384xf32, #tpu.memory_space<vmem>>, %arg3: memref<1x128x256xf32, #tpu.memory_space<vmem>>, %arg4: memref<1x128x16xf32, #tpu.memory_space<vmem>>, %arg5: memref<256x64xf32, #tpu.memory_space<vmem>>, %arg6: memref<1x64xf32, #tpu.memory_space<vmem>>, %arg7: memref<16x64xf32, #tpu.memory_space<vmem>>, %arg8: memref<1x64xf32, #tpu.memory_space<vmem>>, %arg9: memref<1x64xf32, #tpu.memory_space<vmem>>, %arg10: memref<1x64xf32, #tpu.memory_space<vmem>>, %arg11: memref<64x256xf32, #tpu.memory_space<vmem>>, %arg12: memref<1x256xf32, #tpu.memory_space<vmem>>, %arg13: memref<64x64xf32, #tpu.memory_space<vmem>>, %arg14: memref<1x64xf32, #tpu.memory_space<vmem>>, %arg15: memref<1x2048x256xf32, #tpu.memory_space<vmem>>, %arg16: memref<1x2048x64xf32, #tpu.memory_space<vmem>>, %arg17: memref<1x64xf32, #tpu.memory_space<vmem>>, %arg18: memref<1x64xf32, #tpu.memory_space<vmem>>) attributes {dimension_semantics = [#tpu.dimension_semantics<arbitrary>, #tpu.dimension_semantics<arbitrary>], iteration_bounds = array<i64: 2, 8>, scalar_prefetch = 0 : i64, scratch_operands = 0 : i64, tpu.core_type = #tpu.core_type<tc>, window_params = [{transform_indices = @transform_0, window_bounds = array<i64: 1, 2048, 384>}, {transform_indices = @transform_1, window_bounds = array<i64: 1, 128, 256>}, {transform_indices = @transform_2, window_bounds = array<i64: 1, 128, 16>}, {pipeline_mode = #tpu.pipeline_mode<synchronous>, transform_indices = @transform_3, window_bounds = array<i64: 256, 64>}, {pipeline_mode = #tpu.pipeline_mode<synchronous>, transform_indices = @transform_4, window_bounds = array<i64: 1, 64>}, {pipeline_mode = #tpu.pipeline_mode<synchronous>, transform_indices = @transform_5, window_bounds = array<i64: 16, 64>}, {pipeline_mode = #tpu.pipeline_mode<synchronous>, transform_indices = @transform_6, window_bounds = array<i64: 1, 64>}, {pipeline_mode = #tpu.pipeline_mode<synchronous>, transform_indices = @transform_7, window_bounds = array<i64: 1, 64>}, {pipeline_mode = #tpu.pipeline_mode<synchronous>, transform_indices = @transform_8, window_bounds = array<i64: 1, 64>}, {pipeline_mode = #tpu.pipeline_mode<synchronous>, transform_indices = @transform_9, window_bounds = array<i64: 64, 256>}, {pipeline_mode = #tpu.pipeline_mode<synchronous>, transform_indices = @transform_10, window_bounds = array<i64: 1, 256>}, {pipeline_mode = #tpu.pipeline_mode<synchronous>, transform_indices = @transform_11, window_bounds = array<i64: 64, 64>}, {pipeline_mode = #tpu.pipeline_mode<synchronous>, transform_indices = @transform_12, window_bounds = array<i64: 1, 64>}, {transform_indices = @transform_13, window_bounds = array<i64: 1, 2048, 256>}, {transform_indices = @transform_14, window_bounds = array<i64: 1, 2048, 64>}, {pipeline_mode = #tpu.pipeline_mode<synchronous>, transform_indices = @transform_15, window_bounds = array<i64: 1, 64>}, {pipeline_mode = #tpu.pipeline_mode<synchronous>, transform_indices = @transform_16, window_bounds = array<i64: 1, 64>}]} {
    %eq3A = arith.constant 0 : i32
    %eq3A_0 = arith.cmpi eq, %arg0, %eq3A : i32
    %eq3A_1 = arith.constant 0 : i32
    %eq3A_2 = arith.cmpi eq, %arg1, %eq3A_1 : i32
    %and3A = arith.andi %eq3A_0, %eq3A_2 : i1
    %get3A = arith.constant 0 : index
    %get3A_3 = arith.constant 0 : index
    %get3A_4 = arith.constant 0 : index
    %get3A_5 = vector.load %arg2[%get3A, %get3A_3, %get3A_4] : memref<1x2048x384xf32, #tpu.memory_space<vmem>>, vector<1x2048x384xf32>
    %get3A_6 = vector.shape_cast %get3A_5 : vector<1x2048x384xf32> to vector<2048x384xf32>
    %slice3A = vector.extract_strided_slice %get3A_6 {offsets = [0, 320], sizes = [2048, 16], strides = [1, 1]} : vector<2048x384xf32> to vector<2048x16xf32>
    %get3A_7 = arith.constant 0 : index
    %get3A_8 = arith.constant 0 : index
    %get3A_9 = arith.constant 0 : index
    %get3A_10 = vector.load %arg4[%get3A_7, %get3A_8, %get3A_9] : memref<1x128x16xf32, #tpu.memory_space<vmem>>, vector<1x128x16xf32>
    %get3A_11 = vector.shape_cast %get3A_10 : vector<1x128x16xf32> to vector<128x16xf32>
    %broadcast_in_dim3A = vector.shape_cast %get3A_11 : vector<128x16xf32> to vector<128x1x16xf32>
    %broadcast_in_dim3A_12 = vector.shape_cast %broadcast_in_dim3A : vector<128x1x16xf32> to vector<128x1x16xf32>
    %broadcast_in_dim3A_13 = vector.broadcast %broadcast_in_dim3A_12 : vector<128x1x16xf32> to vector<128x16x16xf32>
    %reshape3A = vector.shape_cast %broadcast_in_dim3A_13 : vector<128x16x16xf32> to vector<2048x16xf32>
    %sub3A = arith.subf %slice3A, %reshape3A : vector<2048x16xf32>
    %get3A_14 = arith.constant 0 : index
    %get3A_15 = arith.constant 0 : index
    %get3A_16 = vector.load %arg7[%get3A_14, %get3A_15] : memref<16x64xf32, #tpu.memory_space<vmem>>, vector<16x64xf32>
    %dot_general3A = arith.constant dense<0.000000e+00> : vector<2048x64xf32>
    %dot_general3A_17 = tpu.matmul %sub3A, %get3A_16, %dot_general3A {dimension_numbers = #tpu.dot_dimension_numbers<[1], [0], [0], [1], [0, 0, 1, 1], [], []>, transpose_lhs_hint = false} : vector<2048x16xf32>, vector<16x64xf32>, vector<2048x64xf32> -> vector<2048x64xf32>
    %get3A_18 = arith.constant 0 : index
    %get3A_19 = arith.constant 0 : index
    %get3A_20 = vector.load %arg8[%get3A_18, %get3A_19] : memref<1x64xf32, #tpu.memory_space<vmem>>, vector<1x64xf32>
    %add3A = vector.broadcast %get3A_20 : vector<1x64xf32> to vector<2048x64xf32>
    %add3A_21 = arith.addf %dot_general3A_17, %add3A : vector<2048x64xf32>
    %get3A_22 = arith.constant 0 : index
    %get3A_23 = arith.constant 0 : index
    %get3A_24 = vector.load %arg9[%get3A_22, %get3A_23] : memref<1x64xf32, #tpu.memory_space<vmem>>, vector<1x64xf32>
    %mul3A = vector.broadcast %get3A_24 : vector<1x64xf32> to vector<2048x64xf32>
    %mul3A_25 = arith.mulf %add3A_21, %mul3A : vector<2048x64xf32>
    %get3A_26 = arith.constant 0 : index
    %get3A_27 = arith.constant 0 : index
    %get3A_28 = vector.load %arg10[%get3A_26, %get3A_27] : memref<1x64xf32, #tpu.memory_space<vmem>>, vector<1x64xf32>
    %add3A_29 = vector.broadcast %get3A_28 : vector<1x64xf32> to vector<2048x64xf32>
    %add3A_30 = arith.addf %mul3A_25, %add3A_29 : vector<2048x64xf32>
    %max3A = arith.constant 0.000000e+00 : f32
    %max3A_31 = vector.broadcast %max3A : f32 to vector<2048x64xf32>
    %max3A_32 = arith.maximumf %add3A_30, %max3A_31 : vector<2048x64xf32>
    %get3A_33 = arith.constant 0 : index
    %get3A_34 = arith.constant 0 : index
    %get3A_35 = vector.load %arg11[%get3A_33, %get3A_34] : memref<64x256xf32, #tpu.memory_space<vmem>>, vector<64x256xf32>
    %dot_general3A_36 = arith.constant dense<0.000000e+00> : vector<2048x256xf32>
    %dot_general3A_37 = tpu.matmul %max3A_32, %get3A_35, %dot_general3A_36 {dimension_numbers = #tpu.dot_dimension_numbers<[1], [0], [0], [1], [0, 0, 1, 1], [], []>, transpose_lhs_hint = false} : vector<2048x64xf32>, vector<64x256xf32>, vector<2048x256xf32> -> vector<2048x256xf32>
    %get3A_38 = arith.constant 0 : index
    %get3A_39 = arith.constant 0 : index
    %get3A_40 = vector.load %arg12[%get3A_38, %get3A_39] : memref<1x256xf32, #tpu.memory_space<vmem>>, vector<1x256xf32>
    %add3A_41 = vector.broadcast %get3A_40 : vector<1x256xf32> to vector<2048x256xf32>
    %add3A_42 = arith.addf %dot_general3A_37, %add3A_41 : vector<2048x256xf32>
    %slice3A_43 = vector.extract_strided_slice %get3A_6 {offsets = [0, 0], sizes = [2048, 256], strides = [1, 1]} : vector<2048x384xf32> to vector<2048x256xf32>
    %add3A_44 = arith.addf %slice3A_43, %add3A_42 : vector<2048x256xf32>
    %swap3A = arith.constant 0 : index
    %swap3A_45 = arith.constant 0 : index
    %swap3A_46 = arith.constant 0 : index
    %swap3A_47 = vector.load %arg15[%swap3A, %swap3A_45, %swap3A_46] : memref<1x2048x256xf32, #tpu.memory_space<vmem>>, vector<1x2048x256xf32>
    %swap3A_48 = vector.shape_cast %swap3A_47 : vector<1x2048x256xf32> to vector<2048x256xf32>
    %swap3A_49 = vector.shape_cast %add3A_44 : vector<2048x256xf32> to vector<1x2048x256xf32>
    tpu.vector_store %arg15[%swap3A, %swap3A_45, %swap3A_46], %swap3A_49 {strides = array<i32>} : memref<1x2048x256xf32, #tpu.memory_space<vmem>>, vector<1x2048x256xf32>,
    %get3A_50 = arith.constant 0 : index
    %get3A_51 = arith.constant 0 : index
    %get3A_52 = arith.constant 0 : index
    %get3A_53 = vector.load %arg3[%get3A_50, %get3A_51, %get3A_52] : memref<1x128x256xf32, #tpu.memory_space<vmem>>, vector<1x128x256xf32>
    %get3A_54 = vector.shape_cast %get3A_53 : vector<1x128x256xf32> to vector<128x256xf32>
    %get3A_55 = arith.constant 0 : index
    %get3A_56 = arith.constant 0 : index
    %get3A_57 = vector.load %arg5[%get3A_55, %get3A_56] : memref<256x64xf32, #tpu.memory_space<vmem>>, vector<256x64xf32>
    %dot_general3A_58 = arith.constant dense<0.000000e+00> : vector<128x64xf32>
    %dot_general3A_59 = tpu.matmul %get3A_54, %get3A_57, %dot_general3A_58 {dimension_numbers = #tpu.dot_dimension_numbers<[1], [0], [0], [1], [0, 0, 1, 1], [], []>, transpose_lhs_hint = false} : vector<128x256xf32>, vector<256x64xf32>, vector<128x64xf32> -> vector<128x64xf32>
    %get3A_60 = arith.constant 0 : index
    %get3A_61 = arith.constant 0 : index
    %get3A_62 = vector.load %arg6[%get3A_60, %get3A_61] : memref<1x64xf32, #tpu.memory_space<vmem>>, vector<1x64xf32>
    %add3A_63 = vector.broadcast %get3A_62 : vector<1x64xf32> to vector<128x64xf32>
    %add3A_64 = arith.addf %dot_general3A_59, %add3A_63 : vector<128x64xf32>
    %broadcast_in_dim3A_65 = vector.shape_cast %add3A_64 : vector<128x64xf32> to vector<128x1x64xf32>
    %broadcast_in_dim3A_66 = vector.shape_cast %broadcast_in_dim3A_65 : vector<128x1x64xf32> to vector<128x1x64xf32>
    %broadcast_in_dim3A_67 = vector.broadcast %broadcast_in_dim3A_66 : vector<128x1x64xf32> to vector<128x16x64xf32>
    %reshape3A_68 = vector.shape_cast %broadcast_in_dim3A_67 : vector<128x16x64xf32> to vector<2048x64xf32>
    %slice3A_69 = vector.extract_strided_slice %get3A_6 {offsets = [0, 256], sizes = [2048, 64], strides = [1, 1]} : vector<2048x384xf32> to vector<2048x64xf32>
    %sub3A_70 = arith.subf %slice3A_69, %reshape3A_68 : vector<2048x64xf32>
    %get3A_71 = arith.constant 0 : index
    %get3A_72 = arith.constant 0 : index
    %get3A_73 = vector.load %arg13[%get3A_71, %get3A_72] : memref<64x64xf32, #tpu.memory_space<vmem>>, vector<64x64xf32>
    %dot_general3A_74 = arith.constant dense<0.000000e+00> : vector<2048x64xf32>
    %dot_general3A_75 = tpu.matmul %max3A_32, %get3A_73, %dot_general3A_74 {dimension_numbers = #tpu.dot_dimension_numbers<[1], [0], [0], [1], [0, 0, 1, 1], [], []>, transpose_lhs_hint = false} : vector<2048x64xf32>, vector<64x64xf32>, vector<2048x64xf32> -> vector<2048x64xf32>
    %add3A_76 = arith.addf %sub3A_70, %dot_general3A_75 : vector<2048x64xf32>
    %get3A_77 = arith.constant 0 : index
    %get3A_78 = arith.constant 0 : index
    %get3A_79 = vector.load %arg14[%get3A_77, %get3A_78] : memref<1x64xf32, #tpu.memory_space<vmem>>, vector<1x64xf32>
    %add3A_80 = vector.broadcast %get3A_79 : vector<1x64xf32> to vector<2048x64xf32>
    %add3A_81 = arith.addf %add3A_76, %add3A_80 : vector<2048x64xf32>
    %swap3A_82 = arith.constant 0 : index
    %swap3A_83 = arith.constant 0 : index
    %swap3A_84 = arith.constant 0 : index
    %swap3A_85 = vector.load %arg16[%swap3A_82, %swap3A_83, %swap3A_84] : memref<1x2048x64xf32, #tpu.memory_space<vmem>>, vector<1x2048x64xf32>
    %swap3A_86 = vector.shape_cast %swap3A_85 : vector<1x2048x64xf32> to vector<2048x64xf32>
    %swap3A_87 = vector.shape_cast %add3A_81 : vector<2048x64xf32> to vector<1x2048x64xf32>
    tpu.vector_store %arg16[%swap3A_82, %swap3A_83, %swap3A_84], %swap3A_87 {strides = array<i32>} : memref<1x2048x64xf32, #tpu.memory_space<vmem>>, vector<1x2048x64xf32>,
    %broadcast_in_dim3A_88 = arith.constant 1.000000e+00 : f32
    %broadcast_in_dim3A_89 = vector.broadcast %broadcast_in_dim3A_88 : f32 to vector<1x2048xf32>
    %dot_general3A_90 = arith.constant dense<0.000000e+00> : vector<1x64xf32>
    %dot_general3A_91 = tpu.matmul %broadcast_in_dim3A_89, %add3A_81, %dot_general3A_90 {dimension_numbers = #tpu.dot_dimension_numbers<[1], [0], [0], [1], [0, 0, 1, 1], [], []>, transpose_lhs_hint = false} : vector<1x2048xf32>, vector<2048x64xf32>, vector<1x64xf32> -> vector<1x64xf32>
    %mul3A_92 = arith.mulf %add3A_81, %add3A_81 : vector<2048x64xf32>
    %dot_general3A_93 = arith.constant dense<0.000000e+00> : vector<1x64xf32>
    %dot_general3A_94 = tpu.matmul %broadcast_in_dim3A_89, %mul3A_92, %dot_general3A_93 {dimension_numbers = #tpu.dot_dimension_numbers<[1], [0], [0], [1], [0, 0, 1, 1], [], []>, transpose_lhs_hint = false} : vector<1x2048xf32>, vector<2048x64xf32>, vector<1x64xf32> -> vector<1x64xf32>
    %convert_element_type3A = arith.extui %and3A : i1 to i32
    %cond3A = arith.constant 0 : i32
    %cond3A_95 = arith.cmpi ne, %convert_element_type3A, %cond3A : i32
    scf.if %cond3A_95 {
      %swap3A_100 = arith.constant 0 : index
      %swap3A_101 = arith.constant 0 : index
      %swap3A_102 = vector.load %arg17[%swap3A_100, %swap3A_101] : memref<1x64xf32, #tpu.memory_space<vmem>>, vector<1x64xf32>
      tpu.vector_store %arg17[%swap3A_100, %swap3A_101], %dot_general3A_91 {strides = array<i32>} : memref<1x64xf32, #tpu.memory_space<vmem>>, vector<1x64xf32>,
      %swap3A_103 = arith.constant 0 : index
      %swap3A_104 = arith.constant 0 : index
      %swap3A_105 = vector.load %arg18[%swap3A_103, %swap3A_104] : memref<1x64xf32, #tpu.memory_space<vmem>>, vector<1x64xf32>
      tpu.vector_store %arg18[%swap3A_103, %swap3A_104], %dot_general3A_94 {strides = array<i32>} : memref<1x64xf32, #tpu.memory_space<vmem>>, vector<1x64xf32>,
    } else {
    }
    %not3A = arith.constant true
    %not3A_96 = arith.xori %and3A, %not3A : i1
    %convert_element_type3A_97 = arith.extui %not3A_96 : i1 to i32
    %cond3A_98 = arith.constant 0 : i32
    %cond3A_99 = arith.cmpi ne, %convert_element_type3A_97, %cond3A_98 : i32
    scf.if %cond3A_99 {
      %get3A_100 = arith.constant 0 : index
      %get3A_101 = arith.constant 0 : index
      %get3A_102 = vector.load %arg17[%get3A_100, %get3A_101] : memref<1x64xf32, #tpu.memory_space<vmem>>, vector<1x64xf32>
      %add3A_103 = arith.addf %get3A_102, %dot_general3A_91 : vector<1x64xf32>
      %swap3A_104 = arith.constant 0 : index
      %swap3A_105 = arith.constant 0 : index
      %swap3A_106 = vector.load %arg17[%swap3A_104, %swap3A_105] : memref<1x64xf32, #tpu.memory_space<vmem>>, vector<1x64xf32>
      tpu.vector_store %arg17[%swap3A_104, %swap3A_105], %add3A_103 {strides = array<i32>} : memref<1x64xf32, #tpu.memory_space<vmem>>, vector<1x64xf32>,
      %get3A_107 = arith.constant 0 : index
      %get3A_108 = arith.constant 0 : index
      %get3A_109 = vector.load %arg18[%get3A_107, %get3A_108] : memref<1x64xf32, #tpu.memory_space<vmem>>, vector<1x64xf32>
      %add3A_110 = arith.addf %get3A_109, %dot_general3A_94 : vector<1x64xf32>
      %swap3A_111 = arith.constant 0 : index
      %swap3A_112 = arith.constant 0 : index
      %swap3A_113 = vector.load %arg18[%swap3A_111, %swap3A_112] : memref<1x64xf32, #tpu.memory_space<vmem>>, vector<1x64xf32>
      tpu.vector_store %arg18[%swap3A_111, %swap3A_112], %add3A_110 {strides = array<i32>} : memref<1x64xf32, #tpu.memory_space<vmem>>, vector<1x64xf32>,
    } else {
    }
    return
  }
  func.func @transform_0(%arg0: i32, %arg1: i32) -> (i32, i32, i32) {
    %c0_i32 = arith.constant 0 : i32
    %c0_i32_0 = arith.constant 0 : i32
    return %arg0, %arg1, %c0_i32 : i32, i32, i32
  }
  func.func @transform_1(%arg0: i32, %arg1: i32) -> (i32, i32, i32) {
    %c0_i32 = arith.constant 0 : i32
    %c0_i32_0 = arith.constant 0 : i32
    return %arg0, %arg1, %c0_i32 : i32, i32, i32
  }
  func.func @transform_2(%arg0: i32, %arg1: i32) -> (i32, i32, i32) {
    %c0_i32 = arith.constant 0 : i32
    %c0_i32_0 = arith.constant 0 : i32
    return %arg0, %arg1, %c0_i32 : i32, i32, i32
  }
  func.func @transform_3(%arg0: i32, %arg1: i32) -> (i32, i32) {
    %c0_i32 = arith.constant 0 : i32
    %c0_i32_0 = arith.constant 0 : i32
    %c0_i32_1 = arith.constant 0 : i32
    return %c0_i32, %c0_i32_0 : i32, i32
  }
  func.func @transform_4(%arg0: i32, %arg1: i32) -> (i32, i32) {
    %c0_i32 = arith.constant 0 : i32
    %c0_i32_0 = arith.constant 0 : i32
    %c0_i32_1 = arith.constant 0 : i32
    return %c0_i32, %c0_i32_0 : i32, i32
  }
  func.func @transform_5(%arg0: i32, %arg1: i32) -> (i32, i32) {
    %c0_i32 = arith.constant 0 : i32
    %c0_i32_0 = arith.constant 0 : i32
    %c0_i32_1 = arith.constant 0 : i32
    return %c0_i32, %c0_i32_0 : i32, i32
  }
  func.func @transform_6(%arg0: i32, %arg1: i32) -> (i32, i32) {
    %c0_i32 = arith.constant 0 : i32
    %c0_i32_0 = arith.constant 0 : i32
    %c0_i32_1 = arith.constant 0 : i32
    return %c0_i32, %c0_i32_0 : i32, i32
  }
  func.func @transform_7(%arg0: i32, %arg1: i32) -> (i32, i32) {
    %c0_i32 = arith.constant 0 : i32
    %c0_i32_0 = arith.constant 0 : i32
    %c0_i32_1 = arith.constant 0 : i32
    return %c0_i32, %c0_i32_0 : i32, i32
  }
  func.func @transform_8(%arg0: i32, %arg1: i32) -> (i32, i32) {
    %c0_i32 = arith.constant 0 : i32
    %c0_i32_0 = arith.constant 0 : i32
    %c0_i32_1 = arith.constant 0 : i32
    return %c0_i32, %c0_i32_0 : i32, i32
  }
  func.func @transform_9(%arg0: i32, %arg1: i32) -> (i32, i32) {
    %c0_i32 = arith.constant 0 : i32
    %c0_i32_0 = arith.constant 0 : i32
    %c0_i32_1 = arith.constant 0 : i32
    return %c0_i32, %c0_i32_0 : i32, i32
  }
  func.func @transform_10(%arg0: i32, %arg1: i32) -> (i32, i32) {
    %c0_i32 = arith.constant 0 : i32
    %c0_i32_0 = arith.constant 0 : i32
    %c0_i32_1 = arith.constant 0 : i32
    return %c0_i32, %c0_i32_0 : i32, i32
  }
  func.func @transform_11(%arg0: i32, %arg1: i32) -> (i32, i32) {
    %c0_i32 = arith.constant 0 : i32
    %c0_i32_0 = arith.constant 0 : i32
    %c0_i32_1 = arith.constant 0 : i32
    return %c0_i32, %c0_i32_0 : i32, i32
  }
  func.func @transform_12(%arg0: i32, %arg1: i32) -> (i32, i32) {
    %c0_i32 = arith.constant 0 : i32
    %c0_i32_0 = arith.constant 0 : i32
    %c0_i32_1 = arith.constant 0 : i32
    return %c0_i32, %c0_i32_0 : i32, i32
  }
  func.func @transform_13(%arg0: i32, %arg1: i32) -> (i32, i32, i32) {
    %c0_i32 = arith.constant 0 : i32
    %c0_i32_0 = arith.constant 0 : i32
    return %arg0, %arg1, %c0_i32 : i32, i32, i32
  }
  func.func @transform_14(%arg0: i32, %arg1: i32) -> (i32, i32, i32) {
    %c0_i32 = arith.constant 0 : i32
    %c0_i32_0 = arith.constant 0 : i32
    return %arg0, %arg1, %c0_i32 : i32, i32, i32
  }
  func.func @transform_15(%arg0: i32, %arg1: i32) -> (i32, i32) {
    %c0_i32 = arith.constant 0 : i32
    %c0_i32_0 = arith.constant 0 : i32
    %c0_i32_1 = arith.constant 0 : i32
    return %c0_i32, %c0_i32_0 : i32, i32
  }
  func.func @transform_16(%arg0: i32, %arg1: i32) -> (i32, i32) {
    %c0_i32 = arith.constant 0 : i32
    %c0_i32_0 = arith.constant 0 : i32
    %c0_i32_1 = arith.constant 0 : i32
    return %c0_i32, %c0_i32_0 : i32, i32
  }
}

module attributes {stable_mosaic.version = 14 : i64} {
  func.func @_fin_body(%arg0: i32, %arg1: i32, %arg2: memref<1x2048x256xf32, #tpu.memory_space<vmem>>, %arg3: memref<1x2048x64xf32, #tpu.memory_space<vmem>>, %arg4: memref<1x128x256xf32, #tpu.memory_space<vmem>>, %arg5: memref<1x64xf32, #tpu.memory_space<vmem>>, %arg6: memref<1x64xf32, #tpu.memory_space<vmem>>, %arg7: memref<64x256xf32, #tpu.memory_space<vmem>>, %arg8: memref<1x256xf32, #tpu.memory_space<vmem>>, %arg9: memref<256x256xf32, #tpu.memory_space<vmem>>, %arg10: memref<1x256xf32, #tpu.memory_space<vmem>>, %arg11: memref<256x512xf32, #tpu.memory_space<vmem>>, %arg12: memref<1x512xf32, #tpu.memory_space<vmem>>, %arg13: memref<1x128x256xf32, #tpu.memory_space<vmem>>, %arg14: memref<1x128x512xf32, #tpu.memory_space<vmem>>) attributes {dimension_semantics = [#tpu.dimension_semantics<arbitrary>, #tpu.dimension_semantics<arbitrary>], iteration_bounds = array<i64: 2, 8>, scalar_prefetch = 0 : i64, scratch_operands = 0 : i64, tpu.core_type = #tpu.core_type<tc>, window_params = [{transform_indices = @transform_0, window_bounds = array<i64: 1, 2048, 256>}, {transform_indices = @transform_1, window_bounds = array<i64: 1, 2048, 64>}, {transform_indices = @transform_2, window_bounds = array<i64: 1, 128, 256>}, {pipeline_mode = #tpu.pipeline_mode<synchronous>, transform_indices = @transform_3, window_bounds = array<i64: 1, 64>}, {pipeline_mode = #tpu.pipeline_mode<synchronous>, transform_indices = @transform_4, window_bounds = array<i64: 1, 64>}, {pipeline_mode = #tpu.pipeline_mode<synchronous>, transform_indices = @transform_5, window_bounds = array<i64: 64, 256>}, {pipeline_mode = #tpu.pipeline_mode<synchronous>, transform_indices = @transform_6, window_bounds = array<i64: 1, 256>}, {pipeline_mode = #tpu.pipeline_mode<synchronous>, transform_indices = @transform_7, window_bounds = array<i64: 256, 256>}, {pipeline_mode = #tpu.pipeline_mode<synchronous>, transform_indices = @transform_8, window_bounds = array<i64: 1, 256>}, {pipeline_mode = #tpu.pipeline_mode<synchronous>, transform_indices = @transform_9, window_bounds = array<i64: 256, 512>}, {pipeline_mode = #tpu.pipeline_mode<synchronous>, transform_indices = @transform_10, window_bounds = array<i64: 1, 512>}, {transform_indices = @transform_11, window_bounds = array<i64: 1, 128, 256>}, {transform_indices = @transform_12, window_bounds = array<i64: 1, 128, 512>}]} {
    %get3A = arith.constant 0 : index
    %get3A_0 = arith.constant 0 : index
    %get3A_1 = arith.constant 0 : index
    %get3A_2 = vector.load %arg3[%get3A, %get3A_0, %get3A_1] : memref<1x2048x64xf32, #tpu.memory_space<vmem>>, vector<1x2048x64xf32>
    %get3A_3 = vector.shape_cast %get3A_2 : vector<1x2048x64xf32> to vector<2048x64xf32>
    %get3A_4 = arith.constant 0 : index
    %get3A_5 = arith.constant 0 : index
    %get3A_6 = vector.load %arg5[%get3A_4, %get3A_5] : memref<1x64xf32, #tpu.memory_space<vmem>>, vector<1x64xf32>
    %mul3A = vector.broadcast %get3A_6 : vector<1x64xf32> to vector<2048x64xf32>
    %mul3A_7 = arith.mulf %get3A_3, %mul3A : vector<2048x64xf32>
    %get3A_8 = arith.constant 0 : index
    %get3A_9 = arith.constant 0 : index
    %get3A_10 = vector.load %arg6[%get3A_8, %get3A_9] : memref<1x64xf32, #tpu.memory_space<vmem>>, vector<1x64xf32>
    %add3A = vector.broadcast %get3A_10 : vector<1x64xf32> to vector<2048x64xf32>
    %add3A_11 = arith.addf %mul3A_7, %add3A : vector<2048x64xf32>
    %max3A = arith.constant 0.000000e+00 : f32
    %max3A_12 = vector.broadcast %max3A : f32 to vector<2048x64xf32>
    %max3A_13 = arith.maximumf %add3A_11, %max3A_12 : vector<2048x64xf32>
    %get3A_14 = arith.constant 0 : index
    %get3A_15 = arith.constant 0 : index
    %get3A_16 = vector.load %arg7[%get3A_14, %get3A_15] : memref<64x256xf32, #tpu.memory_space<vmem>>, vector<64x256xf32>
    %dot_general3A = arith.constant dense<0.000000e+00> : vector<2048x256xf32>
    %dot_general3A_17 = tpu.matmul %max3A_13, %get3A_16, %dot_general3A {dimension_numbers = #tpu.dot_dimension_numbers<[1], [0], [0], [1], [0, 0, 1, 1], [], []>, transpose_lhs_hint = false} : vector<2048x64xf32>, vector<64x256xf32>, vector<2048x256xf32> -> vector<2048x256xf32>
    %get3A_18 = arith.constant 0 : index
    %get3A_19 = arith.constant 0 : index
    %get3A_20 = vector.load %arg8[%get3A_18, %get3A_19] : memref<1x256xf32, #tpu.memory_space<vmem>>, vector<1x256xf32>
    %add3A_21 = vector.broadcast %get3A_20 : vector<1x256xf32> to vector<2048x256xf32>
    %add3A_22 = arith.addf %dot_general3A_17, %add3A_21 : vector<2048x256xf32>
    %reshape3A = vector.shape_cast %add3A_22 : vector<2048x256xf32> to vector<128x16x256xf32>
    %reduce_max3A = arith.constant dense<0xFF800000> : vector<128x256xf32>
    %reduce_max3A_23 = vector.multi_reduction <maximumf>, %reshape3A, %reduce_max3A [1] : vector<128x16x256xf32> to vector<128x256xf32>
    %broadcast_in_dim3A = vector.shape_cast %reduce_max3A_23 : vector<128x256xf32> to vector<128x1x256xf32>
    %sub3A = vector.broadcast %broadcast_in_dim3A : vector<128x1x256xf32> to vector<128x16x256xf32>
    %sub3A_24 = arith.subf %reshape3A, %sub3A : vector<128x16x256xf32>
    %exp3A = math.exp %sub3A_24 : vector<128x16x256xf32>
    %reduce_sum3A = arith.constant dense<0.000000e+00> : vector<128x256xf32>
    %reduce_sum3A_25 = vector.multi_reduction <add>, %exp3A, %reduce_sum3A [1] : vector<128x16x256xf32> to vector<128x256xf32>
    %broadcast_in_dim3A_26 = vector.shape_cast %reduce_sum3A_25 : vector<128x256xf32> to vector<128x1x256xf32>
    %div3A = vector.broadcast %broadcast_in_dim3A_26 : vector<128x1x256xf32> to vector<128x16x256xf32>
    %div3A_27 = arith.divf %exp3A, %div3A : vector<128x16x256xf32>
    %get3A_28 = arith.constant 0 : index
    %get3A_29 = arith.constant 0 : index
    %get3A_30 = arith.constant 0 : index
    %get3A_31 = vector.load %arg2[%get3A_28, %get3A_29, %get3A_30] : memref<1x2048x256xf32, #tpu.memory_space<vmem>>, vector<1x2048x256xf32>
    %get3A_32 = vector.shape_cast %get3A_31 : vector<1x2048x256xf32> to vector<2048x256xf32>
    %reshape3A_33 = vector.shape_cast %get3A_32 : vector<2048x256xf32> to vector<128x16x256xf32>
    %mul3A_34 = arith.mulf %reshape3A_33, %div3A_27 : vector<128x16x256xf32>
    %reduce_sum3A_35 = arith.constant dense<0.000000e+00> : vector<128x256xf32>
    %reduce_sum3A_36 = vector.multi_reduction <add>, %mul3A_34, %reduce_sum3A_35 [1] : vector<128x16x256xf32> to vector<128x256xf32>
    %get3A_37 = arith.constant 0 : index
    %get3A_38 = arith.constant 0 : index
    %get3A_39 = vector.load %arg9[%get3A_37, %get3A_38] : memref<256x256xf32, #tpu.memory_space<vmem>>, vector<256x256xf32>
    %dot_general3A_40 = arith.constant dense<0.000000e+00> : vector<128x256xf32>
    %dot_general3A_41 = tpu.matmul %reduce_sum3A_36, %get3A_39, %dot_general3A_40 {dimension_numbers = #tpu.dot_dimension_numbers<[1], [0], [0], [1], [0, 0, 1, 1], [], []>, transpose_lhs_hint = false} : vector<128x256xf32>, vector<256x256xf32>, vector<128x256xf32> -> vector<128x256xf32>
    %get3A_42 = arith.constant 0 : index
    %get3A_43 = arith.constant 0 : index
    %get3A_44 = vector.load %arg10[%get3A_42, %get3A_43] : memref<1x256xf32, #tpu.memory_space<vmem>>, vector<1x256xf32>
    %add3A_45 = vector.broadcast %get3A_44 : vector<1x256xf32> to vector<128x256xf32>
    %add3A_46 = arith.addf %dot_general3A_41, %add3A_45 : vector<128x256xf32>
    %get3A_47 = arith.constant 0 : index
    %get3A_48 = arith.constant 0 : index
    %get3A_49 = arith.constant 0 : index
    %get3A_50 = vector.load %arg4[%get3A_47, %get3A_48, %get3A_49] : memref<1x128x256xf32, #tpu.memory_space<vmem>>, vector<1x128x256xf32>
    %get3A_51 = vector.shape_cast %get3A_50 : vector<1x128x256xf32> to vector<128x256xf32>
    %add3A_52 = arith.addf %add3A_46, %get3A_51 : vector<128x256xf32>
    %swap3A = arith.constant 0 : index
    %swap3A_53 = arith.constant 0 : index
    %swap3A_54 = arith.constant 0 : index
    %swap3A_55 = vector.load %arg13[%swap3A, %swap3A_53, %swap3A_54] : memref<1x128x256xf32, #tpu.memory_space<vmem>>, vector<1x128x256xf32>
    %swap3A_56 = vector.shape_cast %swap3A_55 : vector<1x128x256xf32> to vector<128x256xf32>
    %swap3A_57 = vector.shape_cast %add3A_52 : vector<128x256xf32> to vector<1x128x256xf32>
    tpu.vector_store %arg13[%swap3A, %swap3A_53, %swap3A_54], %swap3A_57 {strides = array<i32>} : memref<1x128x256xf32, #tpu.memory_space<vmem>>, vector<1x128x256xf32>,
    %get3A_58 = arith.constant 0 : index
    %get3A_59 = arith.constant 0 : index
    %get3A_60 = vector.load %arg11[%get3A_58, %get3A_59] : memref<256x512xf32, #tpu.memory_space<vmem>>, vector<256x512xf32>
    %dot_general3A_61 = arith.constant dense<0.000000e+00> : vector<128x512xf32>
    %dot_general3A_62 = tpu.matmul %reduce_sum3A_36, %get3A_60, %dot_general3A_61 {dimension_numbers = #tpu.dot_dimension_numbers<[1], [0], [0], [1], [0, 0, 1, 1], [], []>, transpose_lhs_hint = false} : vector<128x256xf32>, vector<256x512xf32>, vector<128x512xf32> -> vector<128x512xf32>
    %get3A_63 = arith.constant 0 : index
    %get3A_64 = arith.constant 0 : index
    %get3A_65 = vector.load %arg12[%get3A_63, %get3A_64] : memref<1x512xf32, #tpu.memory_space<vmem>>, vector<1x512xf32>
    %add3A_66 = vector.broadcast %get3A_65 : vector<1x512xf32> to vector<128x512xf32>
    %add3A_67 = arith.addf %dot_general3A_62, %add3A_66 : vector<128x512xf32>
    %swap3A_68 = arith.constant 0 : index
    %swap3A_69 = arith.constant 0 : index
    %swap3A_70 = arith.constant 0 : index
    %swap3A_71 = vector.load %arg14[%swap3A_68, %swap3A_69, %swap3A_70] : memref<1x128x512xf32, #tpu.memory_space<vmem>>, vector<1x128x512xf32>
    %swap3A_72 = vector.shape_cast %swap3A_71 : vector<1x128x512xf32> to vector<128x512xf32>
    %swap3A_73 = vector.shape_cast %add3A_67 : vector<128x512xf32> to vector<1x128x512xf32>
    tpu.vector_store %arg14[%swap3A_68, %swap3A_69, %swap3A_70], %swap3A_73 {strides = array<i32>} : memref<1x128x512xf32, #tpu.memory_space<vmem>>, vector<1x128x512xf32>,
    return
  }
  func.func @transform_0(%arg0: i32, %arg1: i32) -> (i32, i32, i32) {
    %c0_i32 = arith.constant 0 : i32
    %c0_i32_0 = arith.constant 0 : i32
    return %arg0, %arg1, %c0_i32 : i32, i32, i32
  }
  func.func @transform_1(%arg0: i32, %arg1: i32) -> (i32, i32, i32) {
    %c0_i32 = arith.constant 0 : i32
    %c0_i32_0 = arith.constant 0 : i32
    return %arg0, %arg1, %c0_i32 : i32, i32, i32
  }
  func.func @transform_2(%arg0: i32, %arg1: i32) -> (i32, i32, i32) {
    %c0_i32 = arith.constant 0 : i32
    %c0_i32_0 = arith.constant 0 : i32
    return %arg0, %arg1, %c0_i32 : i32, i32, i32
  }
  func.func @transform_3(%arg0: i32, %arg1: i32) -> (i32, i32) {
    %c0_i32 = arith.constant 0 : i32
    %c0_i32_0 = arith.constant 0 : i32
    %c0_i32_1 = arith.constant 0 : i32
    return %c0_i32, %c0_i32_0 : i32, i32
  }
  func.func @transform_4(%arg0: i32, %arg1: i32) -> (i32, i32) {
    %c0_i32 = arith.constant 0 : i32
    %c0_i32_0 = arith.constant 0 : i32
    %c0_i32_1 = arith.constant 0 : i32
    return %c0_i32, %c0_i32_0 : i32, i32
  }
  func.func @transform_5(%arg0: i32, %arg1: i32) -> (i32, i32) {
    %c0_i32 = arith.constant 0 : i32
    %c0_i32_0 = arith.constant 0 : i32
    %c0_i32_1 = arith.constant 0 : i32
    return %c0_i32, %c0_i32_0 : i32, i32
  }
  func.func @transform_6(%arg0: i32, %arg1: i32) -> (i32, i32) {
    %c0_i32 = arith.constant 0 : i32
    %c0_i32_0 = arith.constant 0 : i32
    %c0_i32_1 = arith.constant 0 : i32
    return %c0_i32, %c0_i32_0 : i32, i32
  }
  func.func @transform_7(%arg0: i32, %arg1: i32) -> (i32, i32) {
    %c0_i32 = arith.constant 0 : i32
    %c0_i32_0 = arith.constant 0 : i32
    %c0_i32_1 = arith.constant 0 : i32
    return %c0_i32, %c0_i32_0 : i32, i32
  }
  func.func @transform_8(%arg0: i32, %arg1: i32) -> (i32, i32) {
    %c0_i32 = arith.constant 0 : i32
    %c0_i32_0 = arith.constant 0 : i32
    %c0_i32_1 = arith.constant 0 : i32
    return %c0_i32, %c0_i32_0 : i32, i32
  }
  func.func @transform_9(%arg0: i32, %arg1: i32) -> (i32, i32) {
    %c0_i32 = arith.constant 0 : i32
    %c0_i32_0 = arith.constant 0 : i32
    %c0_i32_1 = arith.constant 0 : i32
    return %c0_i32, %c0_i32_0 : i32, i32
  }
  func.func @transform_10(%arg0: i32, %arg1: i32) -> (i32, i32) {
    %c0_i32 = arith.constant 0 : i32
    %c0_i32_0 = arith.constant 0 : i32
    %c0_i32_1 = arith.constant 0 : i32
    return %c0_i32, %c0_i32_0 : i32, i32
  }
  func.func @transform_11(%arg0: i32, %arg1: i32) -> (i32, i32, i32) {
    %c0_i32 = arith.constant 0 : i32
    %c0_i32_0 = arith.constant 0 : i32
    return %arg0, %arg1, %c0_i32 : i32, i32, i32
  }
  func.func @transform_12(%arg0: i32, %arg1: i32) -> (i32, i32, i32) {
    %c0_i32 = arith.constant 0 : i32
    %c0_i32_0 = arith.constant 0 : i32
    return %arg0, %arg1, %c0_i32 : i32, i32, i32
  }
}

</mosaic_0001>

<sc_bundles>
// kernel: kernel.10.cloned.1.call-start
scs
__scs_entry_jumppad:
0x0: {  	(pc) =	sbr.rel $0x88, $3  }
0x1: {  	(tag) =	ssettag $0x0;
	lr =	simm.s32 $0x1  }
0x2: {  	[smem:$0x3F83] =	sst lr;
	_ =	strace $0xD0000000  }
0x3: {  	_ = 	snop  }
0x4: {  	_ = 	snop  }
0x5: {  	_ = 	snop  }
0x6: {  	_ = 	snop  }
0x7: {  	_ = 	snop  }
__scs_overlays_trampoline_lowered:
0x8: {  	[smem:$0x3F92] =	sst s0  }
0x9: {  	[smem:$0x3F93] =	sst s1  }
0xa: {  	[smem:$0x3F94] =	sst s2  }
0xb: {  	[smem:$0x3F95] =	sst s3  }
0xc: {  	[smem:$0x3F96] =	sst s4  }
0xd: {  	[smem:$0x3F97] =	sst s5  }
0xe: {  	[smem:$0x3F98] =	sst s6  }
0xf: {  	[smem:$0x3F99] =	sst s7  }
0x10: {  	[smem:$0x3F9A] =	sst s8  }
0x11: {  	[smem:$0x3F9B] =	sst s9;
	s0 =	simm.s32 @!p0 $0x0  }
0x12: {  	s1 =	sld [smem:$0x3F81];
	s0 =	simm.s32 @p0 $0x1  }
0x13: {  	[smem:$0x3F9C] =	sst s0;
	s0 =	simm.s32 @!p1 $0x0  }
0x14: {  	s2 =	sld [smem:$0x3F80];
	s0 =	simm.s32 @p1 $0x1  }
0x15: {  	[smem:$0x3F9D] =	sst s0;
	s0 =	simm.s32 @!p2 $0x0  }
0x16: {  	s3 =	sld [smem:$0x3FDB];
	s0 =	simm.s32 @p2 $0x1  }
0x17: {  	s4 =	simm.s32 $0x1BF5;
	[smem:$0x3F9F] =	sst s0  }
0x18: {  	s0 =	sld [smem:$0x3F82];
	_ =	swait.ge [sflag:s4], $0x0  }
0x19: {  	s7 =	sld [smem:$0x3F83]  }
0x1a: {  	s8 =	sadd.s32 $0xFFFFE003, lr  }
0x1b: {  	s9 =	sadd.s32 $0xFFFFFEF7, lr;
	s5 =	simm.s32 $0xFFFFFFFF;
	p2 =	slt.u32 s8, $0xFFFFF086  }
0x1c: {  	p1 =	slt.u32 s9, $0xF7A;
	s5 =	simm.s32 @!p2 $0x0  }
0x1d: {  	s5 =	simm.s32 @p1 $0x1;
	p0 =	seq.s32 s7, s2  }
0x1e: {  	s7 =	smul.u32 @!p0 $0xF7A, s2;
	p2 =	seq.s32 @!p0 s5, $0x0  }
0x1f: {  	s9 =	smul.u32 $0xF7A, s1;
	s8 =	simm.s32 @!p0 $0x1BF5;
	p2 =	por !p2, p0  }
0x20: {  	[sflag:s8] =	ssyncset.s32 @!p0 $0xFFFFF086;
	s6 =	sadd.s32 @!p0 s3, s7;
	s7 =	simm.s32 @!p0 $0x108  }
0x21: {  	s3 =	sadd.s32 s3, s9;
	s6 =	sadd.s32 @!p0 $0x88, s6;
	s7 =	simm.s32 @p2 $0x1082  }
0x22: {  	[simem:s7], [sflag:s8] =	dma.local @!p0 [hbm:s6], $0xF7A  }
0x23: {  	s9 =	sor.u32 $0xD0000000, s2;
	s6 =	simm.s32 $0x108;
	_ =	swait.ge @!p0 [sflag:s8], $0x0  }
0x24: {  	s3 =	sadd.s32 $0x88, s3;
	s6 =	simm.s32 @!p1 $0x1082;
	[sflag:s4] =	ssyncset.s32 $0xFFFFF086  }
0x25: {  	[simem:s6], [sflag:s4] =	dma.local [hbm:s3], $0xF7A  }
0x26: {  	[smem:$0x3F83] =	sst s1;
	(tag) =	ssettag s2;
	_ =	strace s9  }
0x27: {  	s1 =	sld [smem:$0x3F93]  }
0x28: {  	s2 =	sld [smem:$0x3F94]  }
0x29: {  	s4 =	sld [smem:$0x3F96]  }
0x2a: {  	p0 =	seq.s32 s5, $0x0;
	s5 =	sld [smem:$0x3F97]  }
0x2b: {  	s6 =	sld [smem:$0x3F98]  }
0x2c: {  	s7 =	sld [smem:$0x3F99]  }
0x2d: {  	s3 =	simm.s32 $0x108;
	s8 =	sld [smem:$0x3F9A]  }
0x2e: {  	s3 =	simm.s32 @!p0 $0x1082;
	s9 =	sld [smem:$0x3F9B]  }
0x2f: {  	lr =	sadd.s32 s0, s3;
	s0 =	sld [smem:$0x3F92]  }
0x30: {  	s3 =	sld [smem:$0x3F95]  }
0x31: {  	[smem:$0x3F9E] =	sst s10  }
0x32: {  	s10 =	sld [smem:$0x3F9C];
	_ =	sdelay $0x3  }
0x33: {  	p0 =	seq.s32 s10, $0x1;
	s10 =	sld [smem:$0x3F9E];
	_ =	sdelay $0x3  }
0x34: {  	[smem:$0x3F9E] =	sst s10  }
0x35: {  	s10 =	sld [smem:$0x3F9D];
	_ =	sdelay $0x3  }
0x36: {  	p1 =	seq.s32 s10, $0x1;
	s10 =	sld [smem:$0x3F9E];
	_ =	sdelay $0x3  }
0x37: {  	[smem:$0x3F9E] =	sst s10  }
0x38: {  	s10 =	sld [smem:$0x3F9F]  }
0x39: {  	_ = 	snop;
	(pc) =	sbr.ind lr, $3  }
0x3a: {  	_ = 	snop  }
0x3b: {  	_ = 	snop  }
0x3c: {  	p2 =	seq.s32 s10, $0x1;
	s10 =	sld [smem:$0x3F9E]  }
0x3d: {  	_ =	shalt  }
0x3e: {  	_ =	shalt  }
0x3f: {  	_ =	shalt  }
0x40: {  	_ =	shalt  }
0x41: {  	_ =	shalt  }
0x42: {  	_ =	shalt  }
0x43: {  	_ =	shalt  }
0x44: {  	_ =	shalt  }
0x45: {  	_ =	shalt  }
0x46: {  	_ =	shalt  }
0x47: {  	_ =	shalt  }
0x48: {  	_ =	shalt  }
0x49: {  	_ =	shalt  }
0x4a: {  	_ =	shalt  }
0x4b: {  	_ =	shalt  }
0x4c: {  	_ =	shalt  }
0x4d: {  	_ =	shalt  }
0x4e: {  	_ =	shalt  }
0x4f: {  	_ =	shalt  }
0x50: {  	_ =	shalt  }
0x51: {  	_ =	shalt  }
0x52: {  	_ =	shalt  }
0x53: {  	_ =	shalt  }
0x54: {  	_ =	shalt  }
0x55: {  	_ =	shalt  }
0x56: {  	_ =	shalt  }
0x57: {  	_ =	shalt  }
0x58: {  	_ =	shalt  }
0x59: {  	_ =	shalt  }
0x5a: {  	_ =	shalt  }
0x5b: {  	_ =	shalt  }
0x5c: {  	_ =	shalt  }
0x5d: {  	_ =	shalt  }
0x5e: {  	_ =	shalt  }
0x5f: {  	_ =	shalt  }
0x60: {  	_ =	shalt  }
0x61: {  	_ =	shalt  }
0x62: {  	_ =	shalt  }
0x63: {  	_ =	shalt  }
0x64: {  	_ =	shalt  }
0x65: {  	_ =	shalt  }
0x66: {  	_ =	shalt  }
0x67: {  	_ =	shalt  }
0x68: {  	_ =	shalt  }
0x69: {  	_ =	shalt  }
0x6a: {  	_ =	shalt  }
0x6b: {  	_ =	shalt  }
0x6c: {  	_ =	shalt  }
0x6d: {  	_ =	shalt  }
0x6e: {  	_ =	shalt  }
0x6f: {  	_ =	shalt  }
0x70: {  	_ =	shalt  }
0x71: {  	_ =	shalt  }
0x72: {  	_ =	shalt  }
0x73: {  	_ =	shalt  }
0x74: {  	_ =	shalt  }
0x75: {  	_ =	shalt  }
0x76: {  	_ =	shalt  }
0x77: {  	_ =	shalt  }
0x78: {  	_ =	shalt  }
0x79: {  	_ =	shalt  }
0x7a: {  	_ =	shalt  }
0x7b: {  	_ =	shalt  }
0x7c: {  	_ =	shalt  }
0x7d: {  	_ =	shalt  }
0x7e: {  	_ =	shalt  }
0x7f: {  	_ =	shalt  }
0x80: {  	_ =	shalt  }
0x81: {  	_ =	shalt  }
0x82: {  	_ =	shalt  }
0x83: {  	_ =	shalt  }
0x84: {  	_ =	shalt  }
0x85: {  	_ =	shalt  }
0x86: {  	_ =	shalt  }
0x87: {  	_ =	shalt  }
.Lfunc_end0:
.L_simem_size_0:
called_computation_lowered:
.L_overlay_start_0:
0x88: {  	s2 =	sld [smem:$0x3FD9]  }
0x89: {  	s3 =	sld [smem:$0x3FFE];
	_ =	sdelay $0x1  }
0x8a: {  	s1 =	srdreg.scid  }
0x8b: {  	s0 =	sand.u32 $0x1, s1  }
0x8c: {  	s14 =	sshll.u32 s0, $0xA;
	s2 =	sadd.s32 s3, s2  }
0x8d: {  	s2 =	sadd.s32 s2, s14  }
0x8e: {  	[smem:$0x3FAA] =	sst s2  }
0x8f: {  	_ = 	snop  }
0x90: {  	s2 =	sld [smem:$0x3FD0];
	_ =	sdelay $0x2  }
0x91: {  	s15 =	simm.s32 $0xA;
	s4 =	simm.s32 $0x10  }
0x92: {  	[smem:s4], [sflag:s15] =	dma.local [hbm:s2], $0x1  }
0x93: {  	_ =	swait.eq [sflag:s15], $0x1  }
0x94: {  	s16 =	sld [smem:$0x10];
	[sflag:s15] =	ssyncset.done $0x0  }
0x95: {  	s17 =	sld [smem:$0x12];
	[sflag:s15] =	ssyncadd.s32 $0xFFFFFFFF  }
0x96: {  	s18 =	sld [smem:$0x13];
	(tm) =	ssettm $0x1  }
0x97: {  	s5 =	sld [smem:$0x3FFB];
	_ =	sdelay $0x3  }
0x98: {  	_ =	strace s5  }
0x99: {  	s5 =	sld [smem:$0x3FFC];
	_ =	sdelay $0x3  }
0x9a: {  	_ =	strace s5  }
0x9b: {  	s5 =	sld [smem:$0x3FFD];
	_ =	sdelay $0x3  }
0x9c: {  	_ =	strace s5  }
0x9d: {  	_ =	strace $0x8FFFFFFF  }
0x9e: {  	s19 =	sld [smem:$0x3FDB];
	_ =	sdelay $0x1  }
0x9f: {  	s6 =	simm.s32 $_scs_section_size  }
0xa0: {  	s7 =	simm.s32 $_size__tile_overlayer_lowered;
	s8 =	simm.s32 $_tile_overlayer_lowered  }
0xa1: {  	s22 =	simm.s32 $0x1BFF;
	s21 =	sshll.u32 s8, $0x1;
	s5 =	sadd.s32 s6, s19  }
0xa2: {  	s9 =	simm.s32 $0x0;
	s20 =	sshll.u32 s7, $0x1;
	s7 =	sadd.s32 s21, s5  }
0xa3: {  	[timem:s9], [sflag:s22] =	dma.local [hbm:s7], s20  }
0xa4: {  	_ =	swait.ge [sflag:s22], s20  }
0xa5: {  	s6 =	ssub.s32 $0x0, s20;
	[sflag:s22] =	ssyncset.done $0x0  }
0xa6: {  	[sflag:s22] =	ssyncadd.s32 s6;
	_ =	sdelay $0x1  }
0xa7: {  	s23 =	simm.s32 $0x1B8B  }
0xa8: {  	_ =	swait.ge [sflag:s23], $0x1  }
0xa9: {  	[sflag:s23] =	ssyncset.done $0x0  }
0xaa: {  	s25 =	simm.s32 $0x1B8E;
	s24 =	sld [smem:$0x3FFE];
	[sflag:s23] =	ssyncadd.s32 $0xFFFFFFFF  }
0xab: {  	s26 =	simm.s32 $execute0_lowered;
	[smem:$0x3FD2] =	sst s25  }
0xac: {  	s7 =	sshll.u32 s26, $0x1;
	_ =	strace $0x80000046;
	[dreg:$0x1] =	wrdreg $0xFFFFFFFF  }
0xad: {  	s28 =	simm.s32 $_size_execute0_lowered;
	s5 =	sadd.s32 s5, s7;
	[dreg:$0x0] =	wrdreg $0x0  }
0xae: {  	s7 =	sshll.u32 s28, $0x1;
	[dreg:$0x2] =	wrdreg s5  }
0xaf: {  	[dreg:$0x3] =	wrdreg s7  }
0xb0: {  	[dreg:$0x4] =	wrdreg $0xC0  }
0xb1: {  	_ =	task [dreg:s9], $0x5FFFF  }
0xb2: {  	[dreg:$0x1] =	wrdreg $0xFFFFFFFF  }
0xb3: {  	[dreg:$0x0] =	wrdreg $0x60  }
0xb4: {  	[dreg:$0x2] =	wrdreg s24  }
0xb5: {  	[dreg:$0x3] =	wrdreg s16  }
0xb6: {  	[dreg:$0x4] =	wrdreg s18  }
0xb7: {  	[dreg:$0x5] =	wrdreg s17  }
0xb8: {  	[dreg:$0x6] =	wrdreg $0x9  }
0xb9: {  	_ =	task.clear_ibuf [dreg:s9], $0x7FFFF;
	_ =	strace $0x90000046  }
0xba: {  	s29 =	simm.s32 $0x9;
	_ =	strace $0x80000048  }
0xbb: {  	_ =	swait.ge [sflag:s29], $0x1  }
0xbc: {  	[sflag:s29] =	ssyncadd.s32 $0xFFFFFFFF  }
0xbd: {  	_ =	strace $0x90000048  }
0xbe: {  	_ =	sfence  }
0xbf: {  	s30 =	sld [smem:$0x0];
	_ =	sdelay $0x2  }
0xc0: {  	s31 =	sshll.u32 s1, $0xD;
	s1 =	sshrl.u32 s1, $0x2  }
0xc1: {  	s3 =	sand.u32 $0x4000, s31;
	s1 =	sadd.s32 s1, s30  }
0xc2: {  	s0 =	sor.u32 s3, s0;
	s1 =	sshll.u32 s1, $0x11  }
0xc3: {  	s0 =	sor.u32 s1, s0  }
0xc4: {  	s0 =	sadd.s32 $0x8F2B, s0  }
0xc5: {  	[sflag:s0] =	ssyncadd.remote.s32 $0x1  }
0xc6: {  	_ =	sfence.sel $0xFFFF  }
0xc7: {  	[dreg:$0x0] =	wrdreg $0xFFFFFFFF;
	(pc) =	sbr.abs _section_cstart, $3  }
0xc8: {  	[dreg:$0x1] =	wrdreg $0xFFFFFFFF  }
0xc9: {  	_ =	task.clear_ibuf [dreg:s9], $0x2FFFF;
	_ =	strace $0x9FFFFFFF  }
0xca: {  	(tm) =	ssettm $0x7FFFFFFF  }
0xcb: {  	_ =	shalt  }
tec
execute0_lowered:
.L_overlay_start_1:
0x0: {  	(tag) =	ssettag $0x1  }
0x1: {  	s6 =	rddreg [dreg:$0x0]  }
0x2: {  	s1 =	rddreg [dreg:$0x1]  }
0x3: {  	s5 =	rddreg [dreg:$0x2]  }
0x4: {  	s7 =	rddreg [dreg:$0x3]  }
0x5: {  	s0 =	rddreg [dreg:$0x4]  }
0x6: {  	s4 =	srdreg.scid;
	s2 =	stileid.u32  }
0x7: {  	s3 =	simm.s32 $0x0;
	s13 =	simm.s32 $0xC80;
	s14 =	simm.s32 $0x1480  }
0x8: {  	s15 =	simm.s32 $0x1880;
	s16 =	simm.s32 $0x2080;
	s17 =	simm.s32 $0x2480  }
0x9: {  	s18 =	simm.s32 $0x2C80;
	s19 =	simm.s32 $0x3080;
	s20 =	simm.s32 $0x3880  }
0xa: {  	s21 =	simm.s32 $0x3C80;
	s22 =	simm.s32 $0x4480;
	s23 =	simm.s32 $0x4880  }
0xb: {  	s24 =	simm.s32 $0x5080;
	s28 =	simm.s32 $0x40;
	s29 =	simm.s32 $0x6080  }
0xc: {  	s30 =	simm.s32 $0x1;
	s31 =	simm.s32 $0x2;
	s4 =	sand.u32 $0x1, s4  }
0xd: {  	s8 =	sshll.u32 s2, $0x1;
	[smem:$0x7FF] =	sst s3;
	s12 =	sshll.u32 s2, $0x8  }
0xe: {  	s8 =	sor.u32 s4, s8;
	s9 =	ssub.s32 $0x2, s4;
	_ =	strace $0x80000047  }
0xf: {  	s4 =	sadd.s32 $0x5A00, s6;
	s25 =	sand.u32 $0x800, s12;
	s12 =	simm.s32 $0x880  }
0x10: {  	s10 =	sshll.u32 s8, $0xA;
	s11 =	sshrl.u32 s9, $0x1;
	s26 =	sshll.u32 s8, $0x3  }
0x11: {  	s8 =	smul.u32 $0xC00, s8;
	v0 =	vmov s25;
	s25 =	simm.s32 $0x5480;
	s10 =	sadd.s32 s10, s6  }
0x12: {  	v3 =	vlaneseq.u32;
	s9 =	ssub.s32 s9, s11;
	s5 =	sadd.s32 s5, s26;
	s6 =	sadd.s32 $0x5B00, s6  }
0x13: {  	vm0 =	vmmov $0xffff;
	vm1 =	vmmov $0xff;
	v2 =	vshrl.u32 v3, $0x3;
	s11 =	simm.s32 $0x80;
	s26 =	simm.s32 $0x5C80;
	s7 =	sadd.s32 s7, s8  }
0x14: {  	v1 =	vand.u32 $0x7, v3;
	v3 =	vor.u32 $0x8, v3;
	v2 =	vmul.u32 $0x8, v2;
	s8 =	sadd.s32 $0x35A00, s10;
	s9 =	smax.u32 s9, $0x1;
	s10 =	simm.s32 $0x3  }
.LBB2_1:
0x15: {  	[tilespmem:s3], [sflag:$0x3] =	stream.linear.gather [hbm4b:s5+s3], $0x40, $0x38;
	[tilespmem:$0x8080] =	vst v63  }
0x16: {  	_ =	swait.ge [sflag:s10], $0x40  }
0x17: {  	[sflag:s10] =	ssyncset.done $0x0  }
0x18: {  	[sflag:s10] =	ssyncadd.s32 $0xFFFFFFC0  }
0x19: {  	v4 =	vld [tilespmem:$0x0];
	_ =	sdelay $0x4  }
0x1a: {  	v5 =	vadd.s32 v0, v4  }
0x1b: {  	v6 =	vshrl.u32 v5, $0x3  }
0x1c: {  	v6 =	vmul.u32 $0x18, v6  }
0x1d: {  	v7 =	vld [tilespmem:$0x10];
	v4 =	vand.u32 $0x7, v4  }
0x1e: {  	v8 =	vld [tilespmem:$0x20];
	v4 =	vor.u32 v4, v6  }
0x1f: {  	v63 =	vld [tilespmem:$0x30];
	v9 =	vperm.xlane v4, v1;
	_ =	sdelay $0x1  }
0x20: {  	v9 =	vadd.s32 v2, v9  }
0x21: {  	[tilespmem:$0x0] =	vst v5;
	v5 =	vadd.s32 v0, v7  }
0x22: {  	[tilespmem:$0x10] =	vst v5;
	v5 =	vadd.s32 v0, v8;
	v4 =	vperm.xlane v4, v3  }
0x23: {  	[tilespmem:$0x20] =	vst v5;
	v5 =	vadd.s32 v0, v63  }
0x24: {  	[tilespmem:$0x30] =	vst v5;
	v4 =	vadd.s32 v2, v4  }
0x25: {  	[tilespmem:s11], [sflag:$0x1] =	stream.indirect_vreg.gather [hbm4b:s4+s3], $0x80, v9, vm0, $0xb8;
	[tilespmem:$0x8080] =	vst v63  }
0x26: {  	_ = 	snop  }
0x27: {  	[tilespmem:s12], [sflag:$0x1] =	stream.indirect_vreg.gather [hbm4b:s6+s3], $0x80, v9, vm1, $0xb8;
	[tilespmem:$0x8080] =	vst v63  }
0x28: {  	_ = 	snop  }
0x29: {  	[tilespmem:s13], [sflag:$0x1] =	stream.indirect_vreg.gather [hbm4b:s4+s3], $0x80, v4, vm0, $0xb8;
	[tilespmem:$0x8080] =	vst v63  }
0x2a: {  	_ = 	snop  }
0x2b: {  	[tilespmem:s14], [sflag:$0x1] =	stream.indirect_vreg.gather [hbm4b:s6+s3], $0x80, v4, vm1, $0xb8;
	[tilespmem:$0x8080] =	vst v63  }
0x2c: {  	v4 =	vld [tilespmem:$0x10];
	_ =	sdelay $0x4  }
0x2d: {  	v5 =	vshrl.u32 v4, $0x3  }
0x2e: {  	v5 =	vmul.u32 $0x18, v5  }
0x2f: {  	v4 =	vand.u32 $0x7, v4  }
0x30: {  	v4 =	vor.u32 v4, v5  }
0x31: {  	v5 =	vperm.xlane v4, v1;
	_ =	sdelay $0x1  }
0x32: {  	v5 =	vadd.s32 v2, v5;
	_ =	sdelay $0x1  }
0x33: {  	v4 =	vperm.xlane v4, v3;
	_ =	sdelay $0x1  }
0x34: {  	v4 =	vadd.s32 v2, v4  }
0x35: {  	[tilespmem:s15], [sflag:$0x1] =	stream.indirect_vreg.gather [hbm4b:s4+s3], $0x80, v5, vm0, $0xb8;
	[tilespmem:$0x8080] =	vst v63  }
0x36: {  	_ = 	snop  }
0x37: {  	[tilespmem:s16], [sflag:$0x1] =	stream.indirect_vreg.gather [hbm4b:s6+s3], $0x80, v5, vm1, $0xb8;
	[tilespmem:$0x8080] =	vst v63  }
0x38: {  	_ = 	snop  }
0x39: {  	[tilespmem:s17], [sflag:$0x1] =	stream.indirect_vreg.gather [hbm4b:s4+s3], $0x80, v4, vm0, $0xb8;
	[tilespmem:$0x8080] =	vst v63  }
0x3a: {  	_ = 	snop  }
0x3b: {  	[tilespmem:s18], [sflag:$0x1] =	stream.indirect_vreg.gather [hbm4b:s6+s3], $0x80, v4, vm1, $0xb8;
	[tilespmem:$0x8080] =	vst v63  }
0x3c: {  	v4 =	vld [tilespmem:$0x20];
	_ =	sdelay $0x4  }
0x3d: {  	v5 =	vshrl.u32 v4, $0x3  }
0x3e: {  	v5 =	vmul.u32 $0x18, v5  }
0x3f: {  	v4 =	vand.u32 $0x7, v4  }
0x40: {  	v4 =	vor.u32 v4, v5  }
0x41: {  	v5 =	vperm.xlane v4, v1;
	_ =	sdelay $0x1  }
0x42: {  	v5 =	vadd.s32 v2, v5;
	_ =	sdelay $0x1  }
0x43: {  	v4 =	vperm.xlane v4, v3;
	_ =	sdelay $0x1  }
0x44: {  	v4 =	vadd.s32 v2, v4  }
0x45: {  	[tilespmem:s19], [sflag:$0x1] =	stream.indirect_vreg.gather [hbm4b:s4+s3], $0x80, v5, vm0, $0xb8;
	[tilespmem:$0x8080] =	vst v63  }
0x46: {  	_ = 	snop  }
0x47: {  	[tilespmem:s20], [sflag:$0x1] =	stream.indirect_vreg.gather [hbm4b:s6+s3], $0x80, v5, vm1, $0xb8;
	[tilespmem:$0x8080] =	vst v63  }
0x48: {  	_ = 	snop  }
0x49: {  	[tilespmem:s21], [sflag:$0x1] =	stream.indirect_vreg.gather [hbm4b:s4+s3], $0x80, v4, vm0, $0xb8;
	[tilespmem:$0x8080] =	vst v63  }
0x4a: {  	_ = 	snop  }
0x4b: {  	[tilespmem:s22], [sflag:$0x1] =	stream.indirect_vreg.gather [hbm4b:s6+s3], $0x80, v4, vm1, $0xb8;
	[tilespmem:$0x8080] =	vst v63  }
0x4c: {  	v4 =	vld [tilespmem:$0x30];
	_ =	sdelay $0x4  }
0x4d: {  	v5 =	vshrl.u32 v4, $0x3  }
0x4e: {  	v5 =	vmul.u32 $0x18, v5  }
0x4f: {  	v4 =	vand.u32 $0x7, v4  }
0x50: {  	v4 =	vor.u32 v4, v5  }
0x51: {  	v5 =	vperm.xlane v4, v1;
	_ =	sdelay $0x1  }
0x52: {  	v5 =	vadd.s32 v2, v5;
	_ =	sdelay $0x1  }
0x53: {  	v4 =	vperm.xlane v4, v3;
	_ =	sdelay $0x1  }
0x54: {  	v4 =	vadd.s32 v2, v4  }
0x55: {  	[tilespmem:s23], [sflag:$0x1] =	stream.indirect_vreg.gather [hbm4b:s4+s3], $0x80, v5, vm0, $0xb8;
	[tilespmem:$0x8080] =	vst v63  }
0x56: {  	_ = 	snop  }
0x57: {  	[tilespmem:s24], [sflag:$0x1] =	stream.indirect_vreg.gather [hbm4b:s6+s3], $0x80, v5, vm1, $0xb8;
	[tilespmem:$0x8080] =	vst v63  }
0x58: {  	_ = 	snop  }
0x59: {  	[tilespmem:s25], [sflag:$0x1] =	stream.indirect_vreg.gather [hbm4b:s4+s3], $0x80, v4, vm0, $0xb8;
	[tilespmem:$0x8080] =	vst v63  }
0x5a: {  	_ = 	snop  }
0x5b: {  	[tilespmem:s26], [sflag:$0x1] =	stream.indirect_vreg.gather [hbm4b:s6+s3], $0x80, v4, vm1, $0xb8;
	[tilespmem:$0x8080] =	vst v63  }
0x5c: {  	_ = 	snop  }
0x5d: {  	[tilespmem:s29], [sflag:$0x2] =	stream.indirect.gather [hbm4b:s1+s28], $0x80, s3, s28, $0xb8;
	[tilespmem:$0x8080] =	vst v63  }
0x5e: {  	_ =	swait.ge [sflag:s30], $0x6000  }
0x5f: {  	[sflag:s30] =	ssyncset.done $0x0  }
0x60: {  	[sflag:s30] =	ssyncadd.s32 $0xFFFFA000  }
0x61: {  	[hbm4b:s7+s3] =	stream.linear.scatter [tilespmem:s11], [sflag:$0x3], $0x6000, $0x38;
	[tilespmem:$0x8080] =	vst v63  }
0x62: {  	_ =	swait.ge [sflag:s10], $0x6000  }
0x63: {  	[sflag:s10] =	ssyncset.done $0x0  }
0x64: {  	[sflag:s10] =	ssyncadd.s32 $0xFFFFA000  }
0x65: {  	_ =	swait.ge [sflag:s31], $0x2000  }
0x66: {  	p0 =	sne.s32 s9, $0x1;
	[sflag:s31] =	ssyncset.done $0x0  }
.Ltmp0:
0x67: {  	[sflag:s31] =	ssyncadd.s32 $0xFFFFE000;
	(pc) =	sbr.rel @p0 .LBB2_1-.Ltmp0, $4  }
0x68: {  	[hbm4b:s8+s3] =	stream.linear.scatter [tilespmem:s29], [sflag:$0x3], $0x2000, $0x38;
	[tilespmem:$0x8080] =	vst v63  }
0x69: {  	_ =	swait.ge [sflag:s10], $0x2000  }
0x6a: {  	[sflag:s10] =	ssyncset.done $0x0  }
0x6b: {  	s9 =	sadd.s32 $0xFFFFFFFF, s9;
	[sflag:s10] =	ssyncadd.s32 $0xFFFFE000  }
0x6c: {  	_ =	sfence.sel $0x180000  }
0x6d: {  	[bflag:$0x0] =	sbarrier.arrive $0xFFFF  }
0x6e: {  	p0 =	sne.s32 s2, $0x0;
	_ =	strace $0x90000047  }
0x6f: {  	s0 =	sadd.s32 @!p0 $0x100000, s0;
	[bflag:$0x2] =	sbarrier.arrive $0xFFFF  }
0x70: {  	[sflag:s0] =	ssyncadd.tile.s32 @!p0 $0x1;
	_ =	shalt  }
.Lfunc_end2:
_tile_overlayer_lowered:
.L_overlay_start_2:
0x71: {  	(tag) =	ssettag $0x2  }
0x72: {  	s0 =	rddreg [dreg:$0x0];
	s2 =	stileid.u32  }
0x73: {  	s1 =	rddreg [dreg:$0x1];
	p0 =	sne.s32 s2, $0x0  }
0x74: {  	s3 =	rddreg [dreg:$0x2];
	[bflag:$0x3] =	sbarrier.arrive $0xFFFF;
	s2 =	simm.s32 @!p0 $0x1C03  }
0x75: {  	[timem:s3], [sflag:s2] =	dma.local @!p0 [hbm:s0], s1  }
0x76: {  	s0 =	simm.s32 @!p0 $0x3  }
0x77: {  	_ =	swait.ge @!p0 [sflag:s0], s1  }
0x78: {  	s1 =	ssub.s32 @!p0 $0x0, s1;
	[sflag:s0] =	ssyncset.done @!p0 $0x0  }
0x79: {  	[sflag:s0] =	ssyncadd.s32 @!p0 s1  }
0x7a: {  	[bflag:$0x3] =	sbarrier.arrive $0xFFFF  }
0x7b: {  	_ =	shalt  }

// kernel: kernel.13.cloned.1.call-start
scs
__scs_entry_jumppad:
0x0: {  	(pc) =	sbr.rel $0x88, $3  }
0x1: {  	(tag) =	ssettag $0x0;
	lr =	simm.s32 $0x1  }
0x2: {  	[smem:$0x3F83] =	sst lr;
	_ =	strace $0xD0000000  }
0x3: {  	_ = 	snop  }
0x4: {  	_ = 	snop  }
0x5: {  	_ = 	snop  }
0x6: {  	_ = 	snop  }
0x7: {  	_ = 	snop  }
__scs_overlays_trampoline_lowered:
0x8: {  	[smem:$0x3F92] =	sst s0  }
0x9: {  	[smem:$0x3F93] =	sst s1  }
0xa: {  	[smem:$0x3F94] =	sst s2  }
0xb: {  	[smem:$0x3F95] =	sst s3  }
0xc: {  	[smem:$0x3F96] =	sst s4  }
0xd: {  	[smem:$0x3F97] =	sst s5  }
0xe: {  	[smem:$0x3F98] =	sst s6  }
0xf: {  	[smem:$0x3F99] =	sst s7  }
0x10: {  	[smem:$0x3F9A] =	sst s8  }
0x11: {  	[smem:$0x3F9B] =	sst s9;
	s0 =	simm.s32 @!p0 $0x0  }
0x12: {  	s1 =	sld [smem:$0x3F81];
	s0 =	simm.s32 @p0 $0x1  }
0x13: {  	[smem:$0x3F9C] =	sst s0;
	s0 =	simm.s32 @!p1 $0x0  }
0x14: {  	s2 =	sld [smem:$0x3F80];
	s0 =	simm.s32 @p1 $0x1  }
0x15: {  	[smem:$0x3F9D] =	sst s0;
	s0 =	simm.s32 @!p2 $0x0  }
0x16: {  	s3 =	sld [smem:$0x3FDB];
	s0 =	simm.s32 @p2 $0x1  }
0x17: {  	s4 =	simm.s32 $0x1BF5;
	[smem:$0x3F9F] =	sst s0  }
0x18: {  	s0 =	sld [smem:$0x3F82];
	_ =	swait.ge [sflag:s4], $0x0  }
0x19: {  	s7 =	sld [smem:$0x3F83]  }
0x1a: {  	s8 =	sadd.s32 $0xFFFFE003, lr  }
0x1b: {  	s9 =	sadd.s32 $0xFFFFFEF7, lr;
	s5 =	simm.s32 $0xFFFFFFFF;
	p2 =	slt.u32 s8, $0xFFFFF086  }
0x1c: {  	p1 =	slt.u32 s9, $0xF7A;
	s5 =	simm.s32 @!p2 $0x0  }
0x1d: {  	s5 =	simm.s32 @p1 $0x1;
	p0 =	seq.s32 s7, s2  }
0x1e: {  	s7 =	smul.u32 @!p0 $0xF7A, s2;
	p2 =	seq.s32 @!p0 s5, $0x0  }
0x1f: {  	s9 =	smul.u32 $0xF7A, s1;
	s8 =	simm.s32 @!p0 $0x1BF5;
	p2 =	por !p2, p0  }
0x20: {  	[sflag:s8] =	ssyncset.s32 @!p0 $0xFFFFF086;
	s6 =	sadd.s32 @!p0 s3, s7;
	s7 =	simm.s32 @!p0 $0x108  }
0x21: {  	s3 =	sadd.s32 s3, s9;
	s6 =	sadd.s32 @!p0 $0x88, s6;
	s7 =	simm.s32 @p2 $0x1082  }
0x22: {  	[simem:s7], [sflag:s8] =	dma.local @!p0 [hbm:s6], $0xF7A  }
0x23: {  	s9 =	sor.u32 $0xD0000000, s2;
	s6 =	simm.s32 $0x108;
	_ =	swait.ge @!p0 [sflag:s8], $0x0  }
0x24: {  	s3 =	sadd.s32 $0x88, s3;
	s6 =	simm.s32 @!p1 $0x1082;
	[sflag:s4] =	ssyncset.s32 $0xFFFFF086  }
0x25: {  	[simem:s6], [sflag:s4] =	dma.local [hbm:s3], $0xF7A  }
0x26: {  	[smem:$0x3F83] =	sst s1;
	(tag) =	ssettag s2;
	_ =	strace s9  }
0x27: {  	s1 =	sld [smem:$0x3F93]  }
0x28: {  	s2 =	sld [smem:$0x3F94]  }
0x29: {  	s4 =	sld [smem:$0x3F96]  }
0x2a: {  	p0 =	seq.s32 s5, $0x0;
	s5 =	sld [smem:$0x3F97]  }
0x2b: {  	s6 =	sld [smem:$0x3F98]  }
0x2c: {  	s7 =	sld [smem:$0x3F99]  }
0x2d: {  	s3 =	simm.s32 $0x108;
	s8 =	sld [smem:$0x3F9A]  }
0x2e: {  	s3 =	simm.s32 @!p0 $0x1082;
	s9 =	sld [smem:$0x3F9B]  }
0x2f: {  	lr =	sadd.s32 s0, s3;
	s0 =	sld [smem:$0x3F92]  }
0x30: {  	s3 =	sld [smem:$0x3F95]  }
0x31: {  	[smem:$0x3F9E] =	sst s10  }
0x32: {  	s10 =	sld [smem:$0x3F9C];
	_ =	sdelay $0x3  }
0x33: {  	p0 =	seq.s32 s10, $0x1;
	s10 =	sld [smem:$0x3F9E];
	_ =	sdelay $0x3  }
0x34: {  	[smem:$0x3F9E] =	sst s10  }
0x35: {  	s10 =	sld [smem:$0x3F9D];
	_ =	sdelay $0x3  }
0x36: {  	p1 =	seq.s32 s10, $0x1;
	s10 =	sld [smem:$0x3F9E];
	_ =	sdelay $0x3  }
0x37: {  	[smem:$0x3F9E] =	sst s10  }
0x38: {  	s10 =	sld [smem:$0x3F9F]  }
0x39: {  	_ = 	snop;
	(pc) =	sbr.ind lr, $3  }
0x3a: {  	_ = 	snop  }
0x3b: {  	_ = 	snop  }
0x3c: {  	p2 =	seq.s32 s10, $0x1;
	s10 =	sld [smem:$0x3F9E]  }
0x3d: {  	_ =	shalt  }
0x3e: {  	_ =	shalt  }
0x3f: {  	_ =	shalt  }
0x40: {  	_ =	shalt  }
0x41: {  	_ =	shalt  }
0x42: {  	_ =	shalt  }
0x43: {  	_ =	shalt  }
0x44: {  	_ =	shalt  }
0x45: {  	_ =	shalt  }
0x46: {  	_ =	shalt  }
0x47: {  	_ =	shalt  }
0x48: {  	_ =	shalt  }
0x49: {  	_ =	shalt  }
0x4a: {  	_ =	shalt  }
0x4b: {  	_ =	shalt  }
0x4c: {  	_ =	shalt  }
0x4d: {  	_ =	shalt  }
0x4e: {  	_ =	shalt  }
0x4f: {  	_ =	shalt  }
0x50: {  	_ =	shalt  }
0x51: {  	_ =	shalt  }
0x52: {  	_ =	shalt  }
0x53: {  	_ =	shalt  }
0x54: {  	_ =	shalt  }
0x55: {  	_ =	shalt  }
0x56: {  	_ =	shalt  }
0x57: {  	_ =	shalt  }
0x58: {  	_ =	shalt  }
0x59: {  	_ =	shalt  }
0x5a: {  	_ =	shalt  }
0x5b: {  	_ =	shalt  }
0x5c: {  	_ =	shalt  }
0x5d: {  	_ =	shalt  }
0x5e: {  	_ =	shalt  }
0x5f: {  	_ =	shalt  }
0x60: {  	_ =	shalt  }
0x61: {  	_ =	shalt  }
0x62: {  	_ =	shalt  }
0x63: {  	_ =	shalt  }
0x64: {  	_ =	shalt  }
0x65: {  	_ =	shalt  }
0x66: {  	_ =	shalt  }
0x67: {  	_ =	shalt  }
0x68: {  	_ =	shalt  }
0x69: {  	_ =	shalt  }
0x6a: {  	_ =	shalt  }
0x6b: {  	_ =	shalt  }
0x6c: {  	_ =	shalt  }
0x6d: {  	_ =	shalt  }
0x6e: {  	_ =	shalt  }
0x6f: {  	_ =	shalt  }
0x70: {  	_ =	shalt  }
0x71: {  	_ =	shalt  }
0x72: {  	_ =	shalt  }
0x73: {  	_ =	shalt  }
0x74: {  	_ =	shalt  }
0x75: {  	_ =	shalt  }
0x76: {  	_ =	shalt  }
0x77: {  	_ =	shalt  }
0x78: {  	_ =	shalt  }
0x79: {  	_ =	shalt  }
0x7a: {  	_ =	shalt  }
0x7b: {  	_ =	shalt  }
0x7c: {  	_ =	shalt  }
0x7d: {  	_ =	shalt  }
0x7e: {  	_ =	shalt  }
0x7f: {  	_ =	shalt  }
0x80: {  	_ =	shalt  }
0x81: {  	_ =	shalt  }
0x82: {  	_ =	shalt  }
0x83: {  	_ =	shalt  }
0x84: {  	_ =	shalt  }
0x85: {  	_ =	shalt  }
0x86: {  	_ =	shalt  }
0x87: {  	_ =	shalt  }
.Lfunc_end0:
.L_simem_size_0:
called_computation.1_lowered:
.L_overlay_start_0:
0x88: {  	s2 =	sld [smem:$0x3FD9]  }
0x89: {  	s3 =	sld [smem:$0x3FFE];
	_ =	sdelay $0x1  }
0x8a: {  	s1 =	srdreg.scid  }
0x8b: {  	s0 =	sand.u32 $0x1, s1  }
0x8c: {  	s14 =	sshll.u32 s0, $0xA;
	s2 =	sadd.s32 s3, s2  }
0x8d: {  	s2 =	sadd.s32 s2, s14  }
0x8e: {  	[smem:$0x3FAA] =	sst s2  }
0x8f: {  	_ = 	snop  }
0x90: {  	s2 =	sld [smem:$0x3FD0];
	_ =	sdelay $0x2  }
0x91: {  	s15 =	simm.s32 $0xA;
	s4 =	simm.s32 $0x10  }
0x92: {  	[smem:s4], [sflag:s15] =	dma.local [hbm:s2], $0x1  }
0x93: {  	_ =	swait.eq [sflag:s15], $0x1  }
0x94: {  	[sflag:s15] =	ssyncset.done $0x0  }
0x95: {  	s16 =	sld [smem:$0x10];
	[sflag:s15] =	ssyncadd.s32 $0xFFFFFFFF  }
0x96: {  	s17 =	sld [smem:$0x12];
	(tm) =	ssettm $0x1  }
0x97: {  	s18 =	sld [smem:$0x3FFB];
	_ =	sdelay $0x3  }
0x98: {  	_ =	strace s18  }
0x99: {  	s4 =	sld [smem:$0x3FFC];
	_ =	sdelay $0x3  }
0x9a: {  	_ =	strace s4  }
0x9b: {  	s4 =	sld [smem:$0x3FFD];
	_ =	sdelay $0x3  }
0x9c: {  	_ =	strace s4  }
0x9d: {  	_ =	strace $0x8FFFFFFF  }
0x9e: {  	s19 =	sld [smem:$0x3FDB];
	_ =	sdelay $0x1  }
0x9f: {  	s5 =	simm.s32 $_scs_section_size  }
0xa0: {  	s6 =	simm.s32 $_size__tile_overlayer_lowered;
	s7 =	simm.s32 $_tile_overlayer_lowered  }
0xa1: {  	s22 =	simm.s32 $0x1BFF;
	s21 =	sshll.u32 s7, $0x1;
	s4 =	sadd.s32 s5, s19  }
0xa2: {  	s8 =	simm.s32 $0x0;
	s20 =	sshll.u32 s6, $0x1;
	s6 =	sadd.s32 s21, s4  }
0xa3: {  	[timem:s8], [sflag:s22] =	dma.local [hbm:s6], s20  }
0xa4: {  	_ =	swait.ge [sflag:s22], s20  }
0xa5: {  	s5 =	ssub.s32 $0x0, s20;
	[sflag:s22] =	ssyncset.done $0x0  }
0xa6: {  	[sflag:s22] =	ssyncadd.s32 s5;
	_ =	sdelay $0x1  }
0xa7: {  	s23 =	simm.s32 $0x1B8B  }
0xa8: {  	_ =	swait.ge [sflag:s23], $0x1  }
0xa9: {  	[sflag:s23] =	ssyncset.done $0x0  }
0xaa: {  	s25 =	simm.s32 $0x1B8E;
	s24 =	sld [smem:$0x3FFE];
	[sflag:s23] =	ssyncadd.s32 $0xFFFFFFFF  }
0xab: {  	s26 =	simm.s32 $execute0_lowered;
	[smem:$0x3FD2] =	sst s25  }
0xac: {  	s6 =	sshll.u32 s26, $0x1;
	_ =	strace $0x80000049;
	[dreg:$0x1] =	wrdreg $0xFFFFFFFF  }
0xad: {  	s28 =	simm.s32 $_size_execute0_lowered;
	s4 =	sadd.s32 s4, s6;
	[dreg:$0x0] =	wrdreg $0x0  }
0xae: {  	s6 =	sshll.u32 s28, $0x1;
	[dreg:$0x2] =	wrdreg s4  }
0xaf: {  	[dreg:$0x3] =	wrdreg s6  }
0xb0: {  	[dreg:$0x4] =	wrdreg $0xC0  }
0xb1: {  	_ =	task [dreg:s8], $0x5FFFF  }
0xb2: {  	[dreg:$0x1] =	wrdreg $0xFFFFFFFF  }
0xb3: {  	[dreg:$0x0] =	wrdreg $0x60  }
0xb4: {  	[dreg:$0x2] =	wrdreg s17  }
0xb5: {  	[dreg:$0x3] =	wrdreg s16  }
0xb6: {  	[dreg:$0x4] =	wrdreg s24  }
0xb7: {  	[dreg:$0x5] =	wrdreg $0x9  }
0xb8: {  	_ =	task.clear_ibuf [dreg:s8], $0x6FFFF;
	_ =	strace $0x90000049  }
0xb9: {  	s29 =	simm.s32 $0x9;
	_ =	strace $0x8000004B  }
0xba: {  	_ =	swait.ge [sflag:s29], $0x1  }
0xbb: {  	[sflag:s29] =	ssyncadd.s32 $0xFFFFFFFF  }
0xbc: {  	_ =	strace $0x9000004B  }
0xbd: {  	_ =	sfence  }
0xbe: {  	s30 =	sld [smem:$0x0];
	_ =	sdelay $0x2  }
0xbf: {  	s31 =	sshll.u32 s1, $0xD;
	s1 =	sshrl.u32 s1, $0x2  }
0xc0: {  	s3 =	sand.u32 $0x4000, s31;
	s1 =	sadd.s32 s1, s30  }
0xc1: {  	s0 =	sor.u32 s3, s0;
	s1 =	sshll.u32 s1, $0x11  }
0xc2: {  	s0 =	sor.u32 s1, s0  }
0xc3: {  	s0 =	sadd.s32 $0x8F2B, s0  }
0xc4: {  	[sflag:s0] =	ssyncadd.remote.s32 $0x1  }
0xc5: {  	_ =	sfence.sel $0xFFFF  }
0xc6: {  	[dreg:$0x0] =	wrdreg $0xFFFFFFFF;
	(pc) =	sbr.abs _section_cstart, $3  }
0xc7: {  	[dreg:$0x1] =	wrdreg $0xFFFFFFFF  }
0xc8: {  	_ =	task.clear_ibuf [dreg:s8], $0x2FFFF;
	_ =	strace $0x9FFFFFFF  }
0xc9: {  	(tm) =	ssettm $0x7FFFFFFF  }
tec
execute0_lowered:
.L_overlay_start_1:
0x0: {  	(tag) =	ssettag $0x1  }
0x1: {  	s1 =	rddreg [dreg:$0x0]  }
0x2: {  	s0 =	rddreg [dreg:$0x1]  }
0x3: {  	s2 =	rddreg [dreg:$0x2]  }
0x4: {  	s3 =	simm.s32 $0x0;
	s4 =	srdreg.scid;
	s9 =	stileid.u32  }
0x5: {  	[smem:$0x7FF] =	sst s3;
	s4 =	sand.u32 $0x1, s4;
	s5 =	sshll.u32 s9, $0x1  }
0x6: {  	s2 =	sadd.s32 $0x5A00, s2;
	_ =	strace $0x8000004A;
	s5 =	sor.u32 s4, s5  }
0x7: {  	s4 =	ssub.s32 $0x2, s4;
	s6 =	smul.u32 $0xC000, s5;
	s8 =	sshll.u32 s5, $0x7  }
0x8: {  	s7 =	sshrl.u32 s4, $0x1;
	s5 =	smul.u32 $0x60000, s5;
	s0 =	sadd.s32 s0, s8  }
0x9: {  	s4 =	ssub.s32 s4, s7;
	[dreg:$0x4] =	wrdreg s0;
	s21 =	sadd.s32 s2, s6  }
0xa: {  	s15 =	simm.s32 $0x3;
	s29 =	smax.u32 s4, $0x1;
	[dreg:$0x5] =	wrdreg s21  }
0xb: {  	s5 =	sshrl.u32 s5, $0x3;
	s22 =	sadd.s32 $0x1800, s21;
	[dreg:$0xd] =	wrdreg s29  }
0xc: {  	s2 =	sadd.s32 s2, s5;
	s23 =	sadd.s32 $0x3000, s21;
	[dreg:$0x6] =	wrdreg s22  }
0xd: {  	s30 =	simm.s32 $0x1;
	[dreg:$0x7] =	wrdreg s23;
	s24 =	sadd.s32 $0x4800, s2  }
0xe: {  	s31 =	simm.s32 $0x2;
	s25 =	sadd.s32 $0x6000, s2;
	[dreg:$0x8] =	wrdreg s24  }
0xf: {  	s20 =	sshll.u32 s9, $0x7;
	s26 =	sadd.s32 $0x7800, s2;
	[dreg:$0x9] =	wrdreg s25  }
0x10: {  	v3 =	vlaneseq.u32;
	vm0 =	vmmov $0xffff;
	s0 =	sand.u32 $0x400, s20;
	s28 =	sadd.s32 $0x9000, s2;
	[dreg:$0xa] =	wrdreg s26  }
0x11: {  	vm1 =	vmmov $0xff;
	v2 =	vshrl.u32 v3, $0x3;
	v1 =	vand.u32 $0x7, v3;
	s6 =	sadd.s32 $0x100, s1;
	s2 =	sadd.s32 $0xA800, s2;
	[dreg:$0xb] =	wrdreg s28  }
0x12: {  	v3 =	vor.u32 $0x8, v3;
	v2 =	vmul.u32 $0x8, v2;
	v0 =	vmov s0;
	s0 =	simm.s32 $0x0;
	s5 =	simm.s32 $0x400;
	[dreg:$0xc] =	wrdreg s2  }
.LBB2_1:
0x13: {  	s2 =	rddreg [dreg:$0x4]  }
0x14: {  	[tilespmem:s3], [sflag:$0x3] =	stream.linear.gather [hbm4b:s2+s3], $0x400, $0x38;
	[tilespmem:$0x18400] =	vst v63  }
0x15: {  	_ =	swait.ge [sflag:s15], $0x400  }
0x16: {  	[sflag:s15] =	ssyncset.done $0x0  }
0x17: {  	s4 =	simm.s32 $0x40;
	s2 =	simm.s32 $0x0;
	[sflag:s15] =	ssyncadd.s32 $0xFFFFFC00  }
.LBB2_2:
0x18: {  	p0 =	sne.s32 s4, $0xFC0;
	v4 =	vld [tilespmem:s2+$0x0];
	_ =	sdelay $0x1  }
.Ltmp0:
0x19: {  	(pc) =	sbr.rel @p0 .LBB2_2-.Ltmp0, $3  }
0x1a: {  	_ =	sdelay $0x1  }
0x1b: {  	v4 =	vadd.s32 v0, v4  }
0x1c: {  	[tilespmem:s2+$0x0] =	vst v4;
	s2 =	sshra.s32 s4, $0x2;
	s4 =	sadd.s32 $0x40, s4  }
0x1d: {  	v4 =	vld [tilespmem:s2+$0x0];
	_ =	sdelay $0x4  }
0x1e: {  	v4 =	vadd.s32 v0, v4  }
0x1f: {  	[tilespmem:s2+$0x0] =	vst v4  }
0x20: {  	v4 =	vld [tilespmem:$0x0];
	_ =	sdelay $0x4  }
0x21: {  	v5 =	vshrl.u32 v4, $0x3  }
0x22: {  	v5 =	vmul.u32 $0x18, v5  }
0x23: {  	v4 =	vand.u32 $0x7, v4  }
0x24: {  	v4 =	vor.u32 v4, v5  }
0x25: {  	v5 =	vperm.xlane v4, v1;
	_ =	sdelay $0x1  }
0x26: {  	v5 =	vadd.s32 v2, v5;
	_ =	sdelay $0x1  }
0x27: {  	v4 =	vperm.xlane v4, v3;
	_ =	sdelay $0x1  }
0x28: {  	v4 =	vadd.s32 v2, v4  }
0x29: {  	[tilespmem:s5], [sflag:$0x1] =	stream.indirect_vreg.gather [hbm4b:s1+s3], $0x80, v5, vm0, $0xb8;
	[tilespmem:$0x18400] =	vst v63  }
0x2a: {  	s9 =	simm.s32 $0xC00  }
0x2b: {  	[tilespmem:s9], [sflag:$0x1] =	stream.indirect_vreg.gather [hbm4b:s6+s3], $0x80, v5, vm1, $0xb8;
	[tilespmem:$0x18400] =	vst v63  }
0x2c: {  	s10 =	simm.s32 $0x1000  }
0x2d: {  	[tilespmem:s10], [sflag:$0x1] =	stream.indirect_vreg.gather [hbm4b:s1+s3], $0x80, v4, vm0, $0xb8;
	[tilespmem:$0x18400] =	vst v63  }
0x2e: {  	s11 =	simm.s32 $0x1800  }
0x2f: {  	[tilespmem:s11], [sflag:$0x1] =	stream.indirect_vreg.gather [hbm4b:s6+s3], $0x80, v4, vm1, $0xb8;
	[tilespmem:$0x18400] =	vst v63  }
0x30: {  	v4 =	vld [tilespmem:$0x10];
	_ =	sdelay $0x4  }
0x31: {  	v5 =	vshrl.u32 v4, $0x3  }
0x32: {  	v5 =	vmul.u32 $0x18, v5  }
0x33: {  	v4 =	vand.u32 $0x7, v4  }
0x34: {  	v4 =	vor.u32 v4, v5  }
0x35: {  	v5 =	vperm.xlane v4, v1;
	_ =	sdelay $0x1  }
0x36: {  	v5 =	vadd.s32 v2, v5;
	_ =	sdelay $0x1  }
0x37: {  	v4 =	vperm.xlane v4, v3;
	_ =	sdelay $0x1  }
0x38: {  	s12 =	simm.s32 $0x1C00;
	v4 =	vadd.s32 v2, v4  }
0x39: {  	[tilespmem:s12], [sflag:$0x1] =	stream.indirect_vreg.gather [hbm4b:s1+s3], $0x80, v5, vm0, $0xb8;
	[tilespmem:$0x18400] =	vst v63  }
0x3a: {  	s13 =	simm.s32 $0x2400  }
0x3b: {  	[tilespmem:s13], [sflag:$0x1] =	stream.indirect_vreg.gather [hbm4b:s6+s3], $0x80, v5, vm1, $0xb8;
	[tilespmem:$0x18400] =	vst v63  }
0x3c: {  	s14 =	simm.s32 $0x2800  }
0x3d: {  	[tilespmem:s14], [sflag:$0x1] =	stream.indirect_vreg.gather [hbm4b:s1+s3], $0x80, v4, vm0, $0xb8;
	[tilespmem:$0x18400] =	vst v63  }
0x3e: {  	s16 =	simm.s32 $0x3000  }
0x3f: {  	[tilespmem:s16], [sflag:$0x1] =	stream.indirect_vreg.gather [hbm4b:s6+s3], $0x80, v4, vm1, $0xb8;
	[tilespmem:$0x18400] =	vst v63  }
0x40: {  	v4 =	vld [tilespmem:$0x20];
	_ =	sdelay $0x4  }
0x41: {  	v5 =	vshrl.u32 v4, $0x3  }
0x42: {  	v5 =	vmul.u32 $0x18, v5  }
0x43: {  	v4 =	vand.u32 $0x7, v4  }
0x44: {  	v4 =	vor.u32 v4, v5  }
0x45: {  	v5 =	vperm.xlane v4, v1;
	_ =	sdelay $0x1  }
0x46: {  	v5 =	vadd.s32 v2, v5;
	_ =	sdelay $0x1  }
0x47: {  	v4 =	vperm.xlane v4, v3;
	_ =	sdelay $0x1  }
0x48: {  	s17 =	simm.s32 $0x3400;
	v4 =	vadd.s32 v2, v4  }
0x49: {  	[tilespmem:s17], [sflag:$0x1] =	stream.indirect_vreg.gather [hbm4b:s1+s3], $0x80, v5, vm0, $0xb8;
	[tilespmem:$0x18400] =	vst v63  }
0x4a: {  	s18 =	simm.s32 $0x3C00  }
0x4b: {  	[tilespmem:s18], [sflag:$0x1] =	stream.indirect_vreg.gather [hbm4b:s6+s3], $0x80, v5, vm1, $0xb8;
	[tilespmem:$0x18400] =	vst v63  }
0x4c: {  	s19 =	simm.s32 $0x4000  }
0x4d: {  	[tilespmem:s19], [sflag:$0x1] =	stream.indirect_vreg.gather [hbm4b:s1+s3], $0x80, v4, vm0, $0xb8;
	[tilespmem:$0x18400] =	vst v63  }
0x4e: {  	s20 =	simm.s32 $0x4800  }
0x4f: {  	[tilespmem:s20], [sflag:$0x1] =	stream.indirect_vreg.gather [hbm4b:s6+s3], $0x80, v4, vm1, $0xb8;
	[tilespmem:$0x18400] =	vst v63  }
0x50: {  	v4 =	vld [tilespmem:$0x30];
	_ =	sdelay $0x4  }
0x51: {  	v5 =	vshrl.u32 v4, $0x3  }
0x52: {  	v5 =	vmul.u32 $0x18, v5  }
0x53: {  	v4 =	vand.u32 $0x7, v4  }
0x54: {  	v4 =	vor.u32 v4, v5  }
0x55: {  	v5 =	vperm.xlane v4, v1;
	_ =	sdelay $0x1  }
0x56: {  	v5 =	vadd.s32 v2, v5;
	_ =	sdelay $0x1  }
0x57: {  	v4 =	vperm.xlane v4, v3;
	_ =	sdelay $0x1  }
0x58: {  	s21 =	simm.s32 $0x4C00;
	v4 =	vadd.s32 v2, v4  }
0x59: {  	[tilespmem:s21], [sflag:$0x1] =	stream.indirect_vreg.gather [hbm4b:s1+s3], $0x80, v5, vm0, $0xb8;
	[tilespmem:$0x18400] =	vst v63  }
0x5a: {  	s22 =	simm.s32 $0x5400  }
0x5b: {  	[tilespmem:s22], [sflag:$0x1] =	stream.indirect_vreg.gather [hbm4b:s6+s3], $0x80, v5, vm1, $0xb8;
	[tilespmem:$0x18400] =	vst v63  }
0x5c: {  	s23 =	simm.s32 $0x5800  }
0x5d: {  	[tilespmem:s23], [sflag:$0x1] =	stream.indirect_vreg.gather [hbm4b:s1+s3], $0x80, v4, vm0, $0xb8;
	[tilespmem:$0x18400] =	vst v63  }
0x5e: {  	s24 =	simm.s32 $0x6000  }
0x5f: {  	[tilespmem:s24], [sflag:$0x1] =	stream.indirect_vreg.gather [hbm4b:s6+s3], $0x80, v4, vm1, $0xb8;
	[tilespmem:$0x18400] =	vst v63  }
0x60: {  	v4 =	vld [tilespmem:$0x40];
	_ =	sdelay $0x4  }
0x61: {  	v5 =	vshrl.u32 v4, $0x3  }
0x62: {  	v5 =	vmul.u32 $0x18, v5  }
0x63: {  	v4 =	vand.u32 $0x7, v4  }
0x64: {  	v4 =	vor.u32 v4, v5  }
0x65: {  	v5 =	vperm.xlane v4, v1;
	_ =	sdelay $0x1  }
0x66: {  	v5 =	vadd.s32 v2, v5;
	_ =	sdelay $0x1  }
0x67: {  	v4 =	vperm.xlane v4, v3;
	_ =	sdelay $0x1  }
0x68: {  	s25 =	simm.s32 $0x6400;
	v4 =	vadd.s32 v2, v4  }
0x69: {  	[tilespmem:s25], [sflag:$0x1] =	stream.indirect_vreg.gather [hbm4b:s1+s3], $0x80, v5, vm0, $0xb8;
	[tilespmem:$0x18400] =	vst v63  }
0x6a: {  	s26 =	simm.s32 $0x6C00  }
0x6b: {  	[tilespmem:s26], [sflag:$0x1] =	stream.indirect_vreg.gather [hbm4b:s6+s3], $0x80, v5, vm1, $0xb8;
	[tilespmem:$0x18400] =	vst v63  }
0x6c: {  	s28 =	simm.s32 $0x7000  }
0x6d: {  	[tilespmem:s28], [sflag:$0x1] =	stream.indirect_vreg.gather [hbm4b:s1+s3], $0x80, v4, vm0, $0xb8;
	[tilespmem:$0x18400] =	vst v63  }
0x6e: {  	s29 =	simm.s32 $0x7800  }
0x6f: {  	[tilespmem:s29], [sflag:$0x1] =	stream.indirect_vreg.gather [hbm4b:s6+s3], $0x80, v4, vm1, $0xb8;
	[tilespmem:$0x18400] =	vst v63  }
0x70: {  	v4 =	vld [tilespmem:$0x50];
	_ =	sdelay $0x4  }
0x71: {  	v5 =	vshrl.u32 v4, $0x3  }
0x72: {  	v5 =	vmul.u32 $0x18, v5  }
0x73: {  	v4 =	vand.u32 $0x7, v4  }
0x74: {  	v4 =	vor.u32 v4, v5  }
0x75: {  	v5 =	vperm.xlane v4, v1;
	_ =	sdelay $0x1  }
0x76: {  	v5 =	vadd.s32 v2, v5;
	_ =	sdelay $0x1  }
0x77: {  	v4 =	vperm.xlane v4, v3;
	_ =	sdelay $0x1  }
0x78: {  	s4 =	simm.s32 $0x7C00;
	v4 =	vadd.s32 v2, v4  }
0x79: {  	[tilespmem:s4], [sflag:$0x1] =	stream.indirect_vreg.gather [hbm4b:s1+s3], $0x80, v5, vm0, $0xb8;
	[tilespmem:$0x18400] =	vst v63  }
0x7a: {  	s12 =	simm.s32 $0x8400  }
0x7b: {  	[tilespmem:s12], [sflag:$0x1] =	stream.indirect_vreg.gather [hbm4b:s6+s3], $0x80, v5, vm1, $0xb8;
	[tilespmem:$0x18400] =	vst v63  }
0x7c: {  	s13 =	simm.s32 $0x8800  }
0x7d: {  	[tilespmem:s13], [sflag:$0x1] =	stream.indirect_vreg.gather [hbm4b:s1+s3], $0x80, v4, vm0, $0xb8;
	[tilespmem:$0x18400] =	vst v63  }
0x7e: {  	s14 =	simm.s32 $0x9000  }
0x7f: {  	[tilespmem:s14], [sflag:$0x1] =	stream.indirect_vreg.gather [hbm4b:s6+s3], $0x80, v4, vm1, $0xb8;
	[tilespmem:$0x18400] =	vst v63  }
0x80: {  	v4 =	vld [tilespmem:$0x60];
	_ =	sdelay $0x4  }
0x81: {  	v5 =	vshrl.u32 v4, $0x3  }
0x82: {  	v5 =	vmul.u32 $0x18, v5  }
0x83: {  	v4 =	vand.u32 $0x7, v4  }
0x84: {  	v4 =	vor.u32 v4, v5  }
0x85: {  	v5 =	vperm.xlane v4, v1;
	_ =	sdelay $0x1  }
0x86: {  	v5 =	vadd.s32 v2, v5;
	_ =	sdelay $0x1  }
0x87: {  	v4 =	vperm.xlane v4, v3;
	_ =	sdelay $0x1  }
0x88: {  	s24 =	simm.s32 $0x9400;
	v4 =	vadd.s32 v2, v4  }
0x89: {  	[tilespmem:s24], [sflag:$0x1] =	stream.indirect_vreg.gather [hbm4b:s1+s3], $0x80, v5, vm0, $0xb8;
	[tilespmem:$0x18400] =	vst v63  }
0x8a: {  	s25 =	simm.s32 $0x9C00  }
0x8b: {  	[tilespmem:s25], [sflag:$0x1] =	stream.indirect_vreg.gather [hbm4b:s6+s3], $0x80, v5, vm1, $0xb8;
	[tilespmem:$0x18400] =	vst v63  }
0x8c: {  	s26 =	simm.s32 $0xA000  }
0x8d: {  	[tilespmem:s26], [sflag:$0x1] =	stream.indirect_vreg.gather [hbm4b:s1+s3], $0x80, v4, vm0, $0xb8;
	[tilespmem:$0x18400] =	vst v63  }
0x8e: {  	s28 =	simm.s32 $0xA800  }
0x8f: {  	[tilespmem:s28], [sflag:$0x1] =	stream.indirect_vreg.gather [hbm4b:s6+s3], $0x80, v4, vm1, $0xb8;
	[tilespmem:$0x18400] =	vst v63  }
0x90: {  	v4 =	vld [tilespmem:$0x70];
	_ =	sdelay $0x4  }
0x91: {  	v5 =	vshrl.u32 v4, $0x3  }
0x92: {  	v5 =	vmul.u32 $0x18, v5  }
0x93: {  	v4 =	vand.u32 $0x7, v4  }
0x94: {  	v4 =	vor.u32 v4, v5  }
0x95: {  	v5 =	vperm.xlane v4, v1;
	_ =	sdelay $0x1  }
0x96: {  	v5 =	vadd.s32 v2, v5;
	_ =	sdelay $0x1  }
0x97: {  	v4 =	vperm.xlane v4, v3;
	_ =	sdelay $0x1  }
0x98: {  	s29 =	simm.s32 $0xAC00;
	v4 =	vadd.s32 v2, v4  }
0x99: {  	[tilespmem:s29], [sflag:$0x1] =	stream.indirect_vreg.gather [hbm4b:s1+s3], $0x80, v5, vm0, $0xb8;
	[tilespmem:$0x18400] =	vst v63  }
0x9a: {  	s4 =	simm.s32 $0xB400  }
0x9b: {  	[tilespmem:s4], [sflag:$0x1] =	stream.indirect_vreg.gather [hbm4b:s6+s3], $0x80, v5, vm1, $0xb8;
	[tilespmem:$0x18400] =	vst v63  }
0x9c: {  	s14 =	simm.s32 $0xB800  }
0x9d: {  	[tilespmem:s14], [sflag:$0x1] =	stream.indirect_vreg.gather [hbm4b:s1+s3], $0x80, v4, vm0, $0xb8;
	[tilespmem:$0x18400] =	vst v63  }
0x9e: {  	s4 =	simm.s32 $0xC000  }
0x9f: {  	[tilespmem:s4], [sflag:$0x1] =	stream.indirect_vreg.gather [hbm4b:s6+s3], $0x80, v4, vm1, $0xb8;
	[tilespmem:$0x18400] =	vst v63  }
0xa0: {  	v4 =	vld [tilespmem:$0x80];
	_ =	sdelay $0x4  }
0xa1: {  	v5 =	vshrl.u32 v4, $0x3  }
0xa2: {  	v5 =	vmul.u32 $0x18, v5  }
0xa3: {  	v4 =	vand.u32 $0x7, v4  }
0xa4: {  	v4 =	vor.u32 v4, v5  }
0xa5: {  	v5 =	vperm.xlane v4, v1;
	_ =	sdelay $0x1  }
0xa6: {  	v5 =	vadd.s32 v2, v5;
	_ =	sdelay $0x1  }
0xa7: {  	v4 =	vperm.xlane v4, v3;
	_ =	sdelay $0x1  }
0xa8: {  	s4 =	simm.s32 $0xC400;
	v4 =	vadd.s32 v2, v4  }
0xa9: {  	[tilespmem:s4], [sflag:$0x2] =	stream.indirect_vreg.gather [hbm4b:s1+s3], $0x80, v5, vm0, $0xb8;
	[tilespmem:$0x18400] =	vst v63  }
0xaa: {  	s2 =	simm.s32 $0xCC00  }
0xab: {  	[tilespmem:s2], [sflag:$0x2] =	stream.indirect_vreg.gather [hbm4b:s6+s3], $0x80, v5, vm1, $0xb8;
	[tilespmem:$0x18400] =	vst v63  }
0xac: {  	s2 =	simm.s32 $0xD000  }
0xad: {  	[tilespmem:s2], [sflag:$0x2] =	stream.indirect_vreg.gather [hbm4b:s1+s3], $0x80, v4, vm0, $0xb8;
	[tilespmem:$0x18400] =	vst v63  }
0xae: {  	s2 =	simm.s32 $0xD800  }
0xaf: {  	[tilespmem:s2], [sflag:$0x2] =	stream.indirect_vreg.gather [hbm4b:s6+s3], $0x80, v4, vm1, $0xb8;
	[tilespmem:$0x18400] =	vst v63  }
0xb0: {  	v4 =	vld [tilespmem:$0x90];
	_ =	sdelay $0x4  }
0xb1: {  	v5 =	vshrl.u32 v4, $0x3  }
0xb2: {  	v5 =	vmul.u32 $0x18, v5  }
0xb3: {  	v4 =	vand.u32 $0x7, v4  }
0xb4: {  	v4 =	vor.u32 v4, v5  }
0xb5: {  	v5 =	vperm.xlane v4, v1;
	_ =	sdelay $0x1  }
0xb6: {  	v5 =	vadd.s32 v2, v5;
	_ =	sdelay $0x1  }
0xb7: {  	v4 =	vperm.xlane v4, v3;
	_ =	sdelay $0x1  }
0xb8: {  	s2 =	simm.s32 $0xDC00;
	v4 =	vadd.s32 v2, v4  }
0xb9: {  	[tilespmem:s2], [sflag:$0x2] =	stream.indirect_vreg.gather [hbm4b:s1+s3], $0x80, v5, vm0, $0xb8;
	[tilespmem:$0x18400] =	vst v63  }
0xba: {  	s2 =	simm.s32 $0xE400  }
0xbb: {  	[tilespmem:s2], [sflag:$0x2] =	stream.indirect_vreg.gather [hbm4b:s6+s3], $0x80, v5, vm1, $0xb8;
	[tilespmem:$0x18400] =	vst v63  }
0xbc: {  	s2 =	simm.s32 $0xE800  }
0xbd: {  	[tilespmem:s2], [sflag:$0x2] =	stream.indirect_vreg.gather [hbm4b:s1+s3], $0x80, v4, vm0, $0xb8;
	[tilespmem:$0x18400] =	vst v63  }
0xbe: {  	s2 =	simm.s32 $0xF000  }
0xbf: {  	[tilespmem:s2], [sflag:$0x2] =	stream.indirect_vreg.gather [hbm4b:s6+s3], $0x80, v4, vm1, $0xb8;
	[tilespmem:$0x18400] =	vst v63  }
0xc0: {  	v4 =	vld [tilespmem:$0xA0];
	_ =	sdelay $0x4  }
0xc1: {  	v5 =	vshrl.u32 v4, $0x3  }
0xc2: {  	v5 =	vmul.u32 $0x18, v5  }
0xc3: {  	v4 =	vand.u32 $0x7, v4  }
0xc4: {  	v4 =	vor.u32 v4, v5  }
0xc5: {  	v5 =	vperm.xlane v4, v1;
	_ =	sdelay $0x1  }
0xc6: {  	v5 =	vadd.s32 v2, v5;
	_ =	sdelay $0x1  }
0xc7: {  	v4 =	vperm.xlane v4, v3;
	_ =	sdelay $0x1  }
0xc8: {  	s2 =	simm.s32 $0xF400;
	v4 =	vadd.s32 v2, v4  }
0xc9: {  	[tilespmem:s2], [sflag:$0x2] =	stream.indirect_vreg.gather [hbm4b:s1+s3], $0x80, v5, vm0, $0xb8;
	[tilespmem:$0x18400] =	vst v63  }
0xca: {  	s2 =	simm.s32 $0xFC00  }
0xcb: {  	[tilespmem:s2], [sflag:$0x2] =	stream.indirect_vreg.gather [hbm4b:s6+s3], $0x80, v5, vm1, $0xb8;
	[tilespmem:$0x18400] =	vst v63  }
0xcc: {  	s2 =	simm.s32 $0x10000  }
0xcd: {  	[tilespmem:s2], [sflag:$0x2] =	stream.indirect_vreg.gather [hbm4b:s1+s3], $0x80, v4, vm0, $0xb8;
	[tilespmem:$0x18400] =	vst v63  }
0xce: {  	s2 =	simm.s32 $0x10800  }
0xcf: {  	[tilespmem:s2], [sflag:$0x2] =	stream.indirect_vreg.gather [hbm4b:s6+s3], $0x80, v4, vm1, $0xb8;
	[tilespmem:$0x18400] =	vst v63  }
0xd0: {  	v4 =	vld [tilespmem:$0xB0];
	_ =	sdelay $0x4  }
0xd1: {  	v5 =	vshrl.u32 v4, $0x3  }
0xd2: {  	v5 =	vmul.u32 $0x18, v5  }
0xd3: {  	v4 =	vand.u32 $0x7, v4  }
0xd4: {  	v4 =	vor.u32 v4, v5  }
0xd5: {  	v5 =	vperm.xlane v4, v1;
	_ =	sdelay $0x1  }
0xd6: {  	v5 =	vadd.s32 v2, v5;
	_ =	sdelay $0x1  }
0xd7: {  	v4 =	vperm.xlane v4, v3;
	_ =	sdelay $0x1  }
0xd8: {  	s2 =	simm.s32 $0x10C00;
	v4 =	vadd.s32 v2, v4  }
0xd9: {  	[tilespmem:s2], [sflag:$0x2] =	stream.indirect_vreg.gather [hbm4b:s1+s3], $0x80, v5, vm0, $0xb8;
	[tilespmem:$0x18400] =	vst v63  }
0xda: {  	s2 =	simm.s32 $0x11400  }
0xdb: {  	[tilespmem:s2], [sflag:$0x2] =	stream.indirect_vreg.gather [hbm4b:s6+s3], $0x80, v5, vm1, $0xb8;
	[tilespmem:$0x18400] =	vst v63  }
0xdc: {  	s2 =	simm.s32 $0x11800  }
0xdd: {  	[tilespmem:s2], [sflag:$0x2] =	stream.indirect_vreg.gather [hbm4b:s1+s3], $0x80, v4, vm0, $0xb8;
	[tilespmem:$0x18400] =	vst v63  }
0xde: {  	s2 =	simm.s32 $0x12000  }
0xdf: {  	[tilespmem:s2], [sflag:$0x2] =	stream.indirect_vreg.gather [hbm4b:s6+s3], $0x80, v4, vm1, $0xb8;
	[tilespmem:$0x18400] =	vst v63  }
0xe0: {  	v4 =	vld [tilespmem:$0xC0];
	_ =	sdelay $0x4  }
0xe1: {  	v5 =	vshrl.u32 v4, $0x3  }
0xe2: {  	v5 =	vmul.u32 $0x18, v5  }
0xe3: {  	v4 =	vand.u32 $0x7, v4  }
0xe4: {  	v4 =	vor.u32 v4, v5  }
0xe5: {  	v5 =	vperm.xlane v4, v1;
	_ =	sdelay $0x1  }
0xe6: {  	v5 =	vadd.s32 v2, v5;
	_ =	sdelay $0x1  }
0xe7: {  	v4 =	vperm.xlane v4, v3;
	_ =	sdelay $0x1  }
0xe8: {  	s2 =	simm.s32 $0x12400;
	v4 =	vadd.s32 v2, v4  }
0xe9: {  	[tilespmem:s2], [sflag:$0x2] =	stream.indirect_vreg.gather [hbm4b:s1+s3], $0x80, v5, vm0, $0xb8;
	[tilespmem:$0x18400] =	vst v63  }
0xea: {  	s2 =	simm.s32 $0x12C00  }
0xeb: {  	[tilespmem:s2], [sflag:$0x2] =	stream.indirect_vreg.gather [hbm4b:s6+s3], $0x80, v5, vm1, $0xb8;
	[tilespmem:$0x18400] =	vst v63  }
0xec: {  	s2 =	simm.s32 $0x13000  }
0xed: {  	[tilespmem:s2], [sflag:$0x2] =	stream.indirect_vreg.gather [hbm4b:s1+s3], $0x80, v4, vm0, $0xb8;
	[tilespmem:$0x18400] =	vst v63  }
0xee: {  	s2 =	simm.s32 $0x13800  }
0xef: {  	[tilespmem:s2], [sflag:$0x2] =	stream.indirect_vreg.gather [hbm4b:s6+s3], $0x80, v4, vm1, $0xb8;
	[tilespmem:$0x18400] =	vst v63  }
0xf0: {  	v4 =	vld [tilespmem:$0xD0];
	_ =	sdelay $0x4  }
0xf1: {  	v5 =	vshrl.u32 v4, $0x3  }
0xf2: {  	v5 =	vmul.u32 $0x18, v5  }
0xf3: {  	v4 =	vand.u32 $0x7, v4  }
0xf4: {  	v4 =	vor.u32 v4, v5  }
0xf5: {  	v5 =	vperm.xlane v4, v1;
	_ =	sdelay $0x1  }
0xf6: {  	v5 =	vadd.s32 v2, v5;
	_ =	sdelay $0x1  }
0xf7: {  	v4 =	vperm.xlane v4, v3;
	_ =	sdelay $0x1  }
0xf8: {  	s2 =	simm.s32 $0x13C00;
	v4 =	vadd.s32 v2, v4  }
0xf9: {  	[tilespmem:s2], [sflag:$0x2] =	stream.indirect_vreg.gather [hbm4b:s1+s3], $0x80, v5, vm0, $0xb8;
	[tilespmem:$0x18400] =	vst v63  }
0xfa: {  	s2 =	simm.s32 $0x14400  }
0xfb: {  	[tilespmem:s2], [sflag:$0x2] =	stream.indirect_vreg.gather [hbm4b:s6+s3], $0x80, v5, vm1, $0xb8;
	[tilespmem:$0x18400] =	vst v63  }
0xfc: {  	s2 =	simm.s32 $0x14800  }
0xfd: {  	[tilespmem:s2], [sflag:$0x2] =	stream.indirect_vreg.gather [hbm4b:s1+s3], $0x80, v4, vm0, $0xb8;
	[tilespmem:$0x18400] =	vst v63  }
0xfe: {  	s2 =	simm.s32 $0x15000  }
0xff: {  	[tilespmem:s2], [sflag:$0x2] =	stream.indirect_vreg.gather [hbm4b:s6+s3], $0x80, v4, vm1, $0xb8;
	[tilespmem:$0x18400] =	vst v63  }
0x100: {  	v4 =	vld [tilespmem:$0xE0];
	_ =	sdelay $0x4  }
0x101: {  	v5 =	vshrl.u32 v4, $0x3  }
0x102: {  	v5 =	vmul.u32 $0x18, v5  }
0x103: {  	v4 =	vand.u32 $0x7, v4  }
0x104: {  	v4 =	vor.u32 v4, v5  }
0x105: {  	v5 =	vperm.xlane v4, v1;
	_ =	sdelay $0x1  }
0x106: {  	v5 =	vadd.s32 v2, v5;
	_ =	sdelay $0x1  }
0x107: {  	v4 =	vperm.xlane v4, v3;
	_ =	sdelay $0x1  }
0x108: {  	s2 =	simm.s32 $0x15400;
	v4 =	vadd.s32 v2, v4  }
0x109: {  	[tilespmem:s2], [sflag:$0x2] =	stream.indirect_vreg.gather [hbm4b:s1+s3], $0x80, v5, vm0, $0xb8;
	[tilespmem:$0x18400] =	vst v63  }
0x10a: {  	s2 =	simm.s32 $0x15C00  }
0x10b: {  	[tilespmem:s2], [sflag:$0x2] =	stream.indirect_vreg.gather [hbm4b:s6+s3], $0x80, v5, vm1, $0xb8;
	[tilespmem:$0x18400] =	vst v63  }
0x10c: {  	s2 =	simm.s32 $0x16000  }
0x10d: {  	[tilespmem:s2], [sflag:$0x2] =	stream.indirect_vreg.gather [hbm4b:s1+s3], $0x80, v4, vm0, $0xb8;
	[tilespmem:$0x18400] =	vst v63  }
0x10e: {  	s2 =	simm.s32 $0x16800  }
0x10f: {  	[tilespmem:s2], [sflag:$0x2] =	stream.indirect_vreg.gather [hbm4b:s6+s3], $0x80, v4, vm1, $0xb8;
	[tilespmem:$0x18400] =	vst v63  }
0x110: {  	v4 =	vld [tilespmem:$0xF0];
	_ =	sdelay $0x4  }
0x111: {  	v5 =	vshrl.u32 v4, $0x3  }
0x112: {  	v5 =	vmul.u32 $0x18, v5  }
0x113: {  	v4 =	vand.u32 $0x7, v4  }
0x114: {  	v4 =	vor.u32 v4, v5  }
0x115: {  	v5 =	vperm.xlane v4, v1;
	_ =	sdelay $0x1  }
0x116: {  	v5 =	vadd.s32 v2, v5;
	_ =	sdelay $0x1  }
0x117: {  	v4 =	vperm.xlane v4, v3;
	_ =	sdelay $0x1  }
0x118: {  	s2 =	simm.s32 $0x16C00;
	v4 =	vadd.s32 v2, v4  }
0x119: {  	[tilespmem:s2], [sflag:$0x2] =	stream.indirect_vreg.gather [hbm4b:s1+s3], $0x80, v5, vm0, $0xb8;
	[tilespmem:$0x18400] =	vst v63  }
0x11a: {  	s2 =	simm.s32 $0x17400  }
0x11b: {  	[tilespmem:s2], [sflag:$0x2] =	stream.indirect_vreg.gather [hbm4b:s6+s3], $0x80, v5, vm1, $0xb8;
	[tilespmem:$0x18400] =	vst v63  }
0x11c: {  	s2 =	simm.s32 $0x17800  }
0x11d: {  	[tilespmem:s2], [sflag:$0x2] =	stream.indirect_vreg.gather [hbm4b:s1+s3], $0x80, v4, vm0, $0xb8;
	[tilespmem:$0x18400] =	vst v63  }
0x11e: {  	s2 =	simm.s32 $0x18000  }
0x11f: {  	[tilespmem:s2], [sflag:$0x2] =	stream.indirect_vreg.gather [hbm4b:s6+s3], $0x80, v4, vm1, $0xb8;
	[tilespmem:$0x18400] =	vst v63  }
0x120: {  	_ =	swait.ge [sflag:s30], $0xC000  }
0x121: {  	[sflag:s30] =	ssyncset.done $0x0  }
0x122: {  	s2 =	rddreg [dreg:$0x5];
	[sflag:s30] =	ssyncadd.s32 $0xFFFF4000  }
0x123: {  	[hbm4b:s2+s3] =	stream.linear.scatter [tilespmem:s5], [sflag:$0x3], $0xC000, $0x38;
	[tilespmem:$0x18400] =	vst v63  }
0x124: {  	_ =	swait.ge [sflag:s15], $0xC000  }
0x125: {  	[sflag:s15] =	ssyncset.done $0x0  }
0x126: {  	[sflag:s15] =	ssyncadd.s32 $0xFFFF4000  }
0x127: {  	v4 =	vld [tilespmem:$0x100];
	_ =	sdelay $0x4  }
0x128: {  	v5 =	vshrl.u32 v4, $0x3  }
0x129: {  	v5 =	vmul.u32 $0x18, v5  }
0x12a: {  	v4 =	vand.u32 $0x7, v4  }
0x12b: {  	v4 =	vor.u32 v4, v5  }
0x12c: {  	v5 =	vperm.xlane v4, v1;
	_ =	sdelay $0x1  }
0x12d: {  	v5 =	vadd.s32 v2, v5;
	_ =	sdelay $0x1  }
0x12e: {  	v4 =	vperm.xlane v4, v3;
	_ =	sdelay $0x1  }
0x12f: {  	v4 =	vadd.s32 v2, v4  }
0x130: {  	[tilespmem:s5], [sflag:$0x1] =	stream.indirect_vreg.gather [hbm4b:s1+s3], $0x80, v5, vm0, $0xb8;
	[tilespmem:$0x18400] =	vst v63  }
0x131: {  	s2 =	simm.s32 $0xC00  }
0x132: {  	[tilespmem:s2], [sflag:$0x1] =	stream.indirect_vreg.gather [hbm4b:s6+s3], $0x80, v5, vm1, $0xb8;
	[tilespmem:$0x18400] =	vst v63  }
0x133: {  	s2 =	simm.s32 $0x1000  }
0x134: {  	[tilespmem:s2], [sflag:$0x1] =	stream.indirect_vreg.gather [hbm4b:s1+s3], $0x80, v4, vm0, $0xb8;
	[tilespmem:$0x18400] =	vst v63  }
0x135: {  	s7 =	simm.s32 $0x1800  }
0x136: {  	[tilespmem:s7], [sflag:$0x1] =	stream.indirect_vreg.gather [hbm4b:s6+s3], $0x80, v4, vm1, $0xb8;
	[tilespmem:$0x18400] =	vst v63  }
0x137: {  	v4 =	vld [tilespmem:$0x110];
	_ =	sdelay $0x4  }
0x138: {  	v5 =	vshrl.u32 v4, $0x3  }
0x139: {  	v5 =	vmul.u32 $0x18, v5  }
0x13a: {  	v4 =	vand.u32 $0x7, v4  }
0x13b: {  	v4 =	vor.u32 v4, v5  }
0x13c: {  	v5 =	vperm.xlane v4, v1;
	_ =	sdelay $0x1  }
0x13d: {  	v5 =	vadd.s32 v2, v5;
	_ =	sdelay $0x1  }
0x13e: {  	v4 =	vperm.xlane v4, v3;
	_ =	sdelay $0x1  }
0x13f: {  	s7 =	simm.s32 $0x1C00;
	v4 =	vadd.s32 v2, v4  }
0x140: {  	[tilespmem:s7], [sflag:$0x1] =	stream.indirect_vreg.gather [hbm4b:s1+s3], $0x80, v5, vm0, $0xb8;
	[tilespmem:$0x18400] =	vst v63  }
0x141: {  	s7 =	simm.s32 $0x2400  }
0x142: {  	[tilespmem:s7], [sflag:$0x1] =	stream.indirect_vreg.gather [hbm4b:s6+s3], $0x80, v5, vm1, $0xb8;
	[tilespmem:$0x18400] =	vst v63  }
0x143: {  	s7 =	simm.s32 $0x2800  }
0x144: {  	[tilespmem:s7], [sflag:$0x1] =	stream.indirect_vreg.gather [hbm4b:s1+s3], $0x80, v4, vm0, $0xb8;
	[tilespmem:$0x18400] =	vst v63  }
0x145: {  	s8 =	simm.s32 $0x3000  }
0x146: {  	[tilespmem:s8], [sflag:$0x1] =	stream.indirect_vreg.gather [hbm4b:s6+s3], $0x80, v4, vm1, $0xb8;
	[tilespmem:$0x18400] =	vst v63  }
0x147: {  	v4 =	vld [tilespmem:$0x120];
	_ =	sdelay $0x4  }
0x148: {  	v5 =	vshrl.u32 v4, $0x3  }
0x149: {  	v5 =	vmul.u32 $0x18, v5  }
0x14a: {  	v4 =	vand.u32 $0x7, v4  }
0x14b: {  	v4 =	vor.u32 v4, v5  }
0x14c: {  	v5 =	vperm.xlane v4, v1;
	_ =	sdelay $0x1  }
0x14d: {  	v5 =	vadd.s32 v2, v5;
	_ =	sdelay $0x1  }
0x14e: {  	v4 =	vperm.xlane v4, v3;
	_ =	sdelay $0x1  }
0x14f: {  	s8 =	simm.s32 $0x3400;
	v4 =	vadd.s32 v2, v4  }
0x150: {  	[tilespmem:s8], [sflag:$0x1] =	stream.indirect_vreg.gather [hbm4b:s1+s3], $0x80, v5, vm0, $0xb8;
	[tilespmem:$0x18400] =	vst v63  }
0x151: {  	s7 =	simm.s32 $0x3C00  }
0x152: {  	[tilespmem:s7], [sflag:$0x1] =	stream.indirect_vreg.gather [hbm4b:s6+s3], $0x80, v5, vm1, $0xb8;
	[tilespmem:$0x18400] =	vst v63  }
0x153: {  	s8 =	simm.s32 $0x4000  }
0x154: {  	[tilespmem:s8], [sflag:$0x1] =	stream.indirect_vreg.gather [hbm4b:s1+s3], $0x80, v4, vm0, $0xb8;
	[tilespmem:$0x18400] =	vst v63  }
0x155: {  	s9 =	simm.s32 $0x4800  }
0x156: {  	[tilespmem:s9], [sflag:$0x1] =	stream.indirect_vreg.gather [hbm4b:s6+s3], $0x80, v4, vm1, $0xb8;
	[tilespmem:$0x18400] =	vst v63  }
0x157: {  	v4 =	vld [tilespmem:$0x130];
	_ =	sdelay $0x4  }
0x158: {  	v5 =	vshrl.u32 v4, $0x3  }
0x159: {  	v5 =	vmul.u32 $0x18, v5  }
0x15a: {  	v4 =	vand.u32 $0x7, v4  }
0x15b: {  	v4 =	vor.u32 v4, v5  }
0x15c: {  	v5 =	vperm.xlane v4, v1;
	_ =	sdelay $0x1  }
0x15d: {  	v5 =	vadd.s32 v2, v5;
	_ =	sdelay $0x1  }
0x15e: {  	v4 =	vperm.xlane v4, v3;
	_ =	sdelay $0x1  }
0x15f: {  	s9 =	simm.s32 $0x4C00;
	v4 =	vadd.s32 v2, v4  }
0x160: {  	[tilespmem:s9], [sflag:$0x1] =	stream.indirect_vreg.gather [hbm4b:s1+s3], $0x80, v5, vm0, $0xb8;
	[tilespmem:$0x18400] =	vst v63  }
0x161: {  	s16 =	simm.s32 $0x5400  }
0x162: {  	[tilespmem:s16], [sflag:$0x1] =	stream.indirect_vreg.gather [hbm4b:s6+s3], $0x80, v5, vm1, $0xb8;
	[tilespmem:$0x18400] =	vst v63  }
0x163: {  	s17 =	simm.s32 $0x5800  }
0x164: {  	[tilespmem:s17], [sflag:$0x1] =	stream.indirect_vreg.gather [hbm4b:s1+s3], $0x80, v4, vm0, $0xb8;
	[tilespmem:$0x18400] =	vst v63  }
0x165: {  	s10 =	simm.s32 $0x6000  }
0x166: {  	[tilespmem:s10], [sflag:$0x1] =	stream.indirect_vreg.gather [hbm4b:s6+s3], $0x80, v4, vm1, $0xb8;
	[tilespmem:$0x18400] =	vst v63  }
0x167: {  	v4 =	vld [tilespmem:$0x140];
	_ =	sdelay $0x4  }
0x168: {  	v5 =	vshrl.u32 v4, $0x3  }
0x169: {  	v5 =	vmul.u32 $0x18, v5  }
0x16a: {  	v4 =	vand.u32 $0x7, v4  }
0x16b: {  	v4 =	vor.u32 v4, v5  }
0x16c: {  	v5 =	vperm.xlane v4, v1;
	_ =	sdelay $0x1  }
0x16d: {  	v5 =	vadd.s32 v2, v5;
	_ =	sdelay $0x1  }
0x16e: {  	v4 =	vperm.xlane v4, v3;
	_ =	sdelay $0x1  }
0x16f: {  	s18 =	simm.s32 $0x6400;
	v4 =	vadd.s32 v2, v4  }
0x170: {  	[tilespmem:s18], [sflag:$0x1] =	stream.indirect_vreg.gather [hbm4b:s1+s3], $0x80, v5, vm0, $0xb8;
	[tilespmem:$0x18400] =	vst v63  }
0x171: {  	s19 =	simm.s32 $0x6C00  }
0x172: {  	[tilespmem:s19], [sflag:$0x1] =	stream.indirect_vreg.gather [hbm4b:s6+s3], $0x80, v5, vm1, $0xb8;
	[tilespmem:$0x18400] =	vst v63  }
0x173: {  	s20 =	simm.s32 $0x7000  }
0x174: {  	[tilespmem:s20], [sflag:$0x1] =	stream.indirect_vreg.gather [hbm4b:s1+s3], $0x80, v4, vm0, $0xb8;
	[tilespmem:$0x18400] =	vst v63  }
0x175: {  	s11 =	simm.s32 $0x7800  }
0x176: {  	[tilespmem:s11], [sflag:$0x1] =	stream.indirect_vreg.gather [hbm4b:s6+s3], $0x80, v4, vm1, $0xb8;
	[tilespmem:$0x18400] =	vst v63  }
0x177: {  	v4 =	vld [tilespmem:$0x150];
	_ =	sdelay $0x4  }
0x178: {  	v5 =	vshrl.u32 v4, $0x3  }
0x179: {  	v5 =	vmul.u32 $0x18, v5  }
0x17a: {  	v4 =	vand.u32 $0x7, v4  }
0x17b: {  	v4 =	vor.u32 v4, v5  }
0x17c: {  	v5 =	vperm.xlane v4, v1;
	_ =	sdelay $0x1  }
0x17d: {  	v5 =	vadd.s32 v2, v5;
	_ =	sdelay $0x1  }
0x17e: {  	v4 =	vperm.xlane v4, v3;
	_ =	sdelay $0x1  }
0x17f: {  	s21 =	simm.s32 $0x7C00;
	v4 =	vadd.s32 v2, v4  }
0x180: {  	[tilespmem:s21], [sflag:$0x1] =	stream.indirect_vreg.gather [hbm4b:s1+s3], $0x80, v5, vm0, $0xb8;
	[tilespmem:$0x18400] =	vst v63  }
0x181: {  	s22 =	simm.s32 $0x8400  }
0x182: {  	[tilespmem:s22], [sflag:$0x1] =	stream.indirect_vreg.gather [hbm4b:s6+s3], $0x80, v5, vm1, $0xb8;
	[tilespmem:$0x18400] =	vst v63  }
0x183: {  	s23 =	simm.s32 $0x8800  }
0x184: {  	[tilespmem:s23], [sflag:$0x1] =	stream.indirect_vreg.gather [hbm4b:s1+s3], $0x80, v4, vm0, $0xb8;
	[tilespmem:$0x18400] =	vst v63  }
0x185: {  	s12 =	simm.s32 $0x9000  }
0x186: {  	[tilespmem:s12], [sflag:$0x1] =	stream.indirect_vreg.gather [hbm4b:s6+s3], $0x80, v4, vm1, $0xb8;
	[tilespmem:$0x18400] =	vst v63  }
0x187: {  	v4 =	vld [tilespmem:$0x160];
	_ =	sdelay $0x4  }
0x188: {  	v5 =	vshrl.u32 v4, $0x3  }
0x189: {  	v5 =	vmul.u32 $0x18, v5  }
0x18a: {  	v4 =	vand.u32 $0x7, v4  }
0x18b: {  	v4 =	vor.u32 v4, v5  }
0x18c: {  	v5 =	vperm.xlane v4, v1;
	_ =	sdelay $0x1  }
0x18d: {  	v5 =	vadd.s32 v2, v5;
	_ =	sdelay $0x1  }
0x18e: {  	v4 =	vperm.xlane v4, v3;
	_ =	sdelay $0x1  }
0x18f: {  	s24 =	simm.s32 $0x9400;
	v4 =	vadd.s32 v2, v4  }
0x190: {  	[tilespmem:s24], [sflag:$0x1] =	stream.indirect_vreg.gather [hbm4b:s1+s3], $0x80, v5, vm0, $0xb8;
	[tilespmem:$0x18400] =	vst v63  }
0x191: {  	s25 =	simm.s32 $0x9C00  }
0x192: {  	[tilespmem:s25], [sflag:$0x1] =	stream.indirect_vreg.gather [hbm4b:s6+s3], $0x80, v5, vm1, $0xb8;
	[tilespmem:$0x18400] =	vst v63  }
0x193: {  	s26 =	simm.s32 $0xA000  }
0x194: {  	[tilespmem:s26], [sflag:$0x1] =	stream.indirect_vreg.gather [hbm4b:s1+s3], $0x80, v4, vm0, $0xb8;
	[tilespmem:$0x18400] =	vst v63  }
0x195: {  	s13 =	simm.s32 $0xA800  }
0x196: {  	[tilespmem:s13], [sflag:$0x1] =	stream.indirect_vreg.gather [hbm4b:s6+s3], $0x80, v4, vm1, $0xb8;
	[tilespmem:$0x18400] =	vst v63  }
0x197: {  	v4 =	vld [tilespmem:$0x170];
	_ =	sdelay $0x4  }
0x198: {  	v5 =	vshrl.u32 v4, $0x3  }
0x199: {  	v5 =	vmul.u32 $0x18, v5  }
0x19a: {  	v4 =	vand.u32 $0x7, v4  }
0x19b: {  	v4 =	vor.u32 v4, v5  }
0x19c: {  	v5 =	vperm.xlane v4, v1;
	_ =	sdelay $0x1  }
0x19d: {  	v5 =	vadd.s32 v2, v5;
	_ =	sdelay $0x1  }
0x19e: {  	v4 =	vperm.xlane v4, v3;
	_ =	sdelay $0x1  }
0x19f: {  	s28 =	simm.s32 $0xAC00;
	v4 =	vadd.s32 v2, v4  }
0x1a0: {  	[tilespmem:s28], [sflag:$0x1] =	stream.indirect_vreg.gather [hbm4b:s1+s3], $0x80, v5, vm0, $0xb8;
	[tilespmem:$0x18400] =	vst v63  }
0x1a1: {  	s29 =	simm.s32 $0xB400  }
0x1a2: {  	[tilespmem:s29], [sflag:$0x1] =	stream.indirect_vreg.gather [hbm4b:s6+s3], $0x80, v5, vm1, $0xb8;
	[tilespmem:$0x18400] =	vst v63  }
0x1a3: {  	s7 =	simm.s32 $0xB800  }
0x1a4: {  	[tilespmem:s7], [sflag:$0x1] =	stream.indirect_vreg.gather [hbm4b:s1+s3], $0x80, v4, vm0, $0xb8;
	[tilespmem:$0x18400] =	vst v63  }
0x1a5: {  	s14 =	simm.s32 $0xC000  }
0x1a6: {  	[tilespmem:s14], [sflag:$0x1] =	stream.indirect_vreg.gather [hbm4b:s6+s3], $0x80, v4, vm1, $0xb8;
	[tilespmem:$0x18400] =	vst v63  }
0x1a7: {  	_ =	swait.ge [sflag:s31], $0xC000  }
0x1a8: {  	[sflag:s31] =	ssyncset.done $0x0  }
0x1a9: {  	s8 =	rddreg [dreg:$0x6];
	[sflag:s31] =	ssyncadd.s32 $0xFFFF4000  }
0x1aa: {  	[hbm4b:s8+s3] =	stream.linear.scatter [tilespmem:s4], [sflag:$0x3], $0xC000, $0x38;
	[tilespmem:$0x18400] =	vst v63  }
0x1ab: {  	_ =	swait.ge [sflag:s15], $0xC000  }
0x1ac: {  	[sflag:s15] =	ssyncset.done $0x0  }
0x1ad: {  	[sflag:s15] =	ssyncadd.s32 $0xFFFF4000  }
0x1ae: {  	v4 =	vld [tilespmem:$0x180];
	_ =	sdelay $0x4  }
0x1af: {  	v5 =	vshrl.u32 v4, $0x3  }
0x1b0: {  	v5 =	vmul.u32 $0x18, v5  }
0x1b1: {  	v4 =	vand.u32 $0x7, v4  }
0x1b2: {  	v4 =	vor.u32 v4, v5  }
0x1b3: {  	v5 =	vperm.xlane v4, v1;
	_ =	sdelay $0x1  }
0x1b4: {  	v5 =	vadd.s32 v2, v5;
	_ =	sdelay $0x1  }
0x1b5: {  	v4 =	vperm.xlane v4, v3;
	_ =	sdelay $0x1  }
0x1b6: {  	v4 =	vadd.s32 v2, v4  }
0x1b7: {  	[tilespmem:s4], [sflag:$0x2] =	stream.indirect_vreg.gather [hbm4b:s1+s3], $0x80, v5, vm0, $0xb8;
	[tilespmem:$0x18400] =	vst v63  }
0x1b8: {  	s9 =	simm.s32 $0xCC00  }
0x1b9: {  	[tilespmem:s9], [sflag:$0x2] =	stream.indirect_vreg.gather [hbm4b:s6+s3], $0x80, v5, vm1, $0xb8;
	[tilespmem:$0x18400] =	vst v63  }
0x1ba: {  	s10 =	simm.s32 $0xD000  }
0x1bb: {  	[tilespmem:s10], [sflag:$0x2] =	stream.indirect_vreg.gather [hbm4b:s1+s3], $0x80, v4, vm0, $0xb8;
	[tilespmem:$0x18400] =	vst v63  }
0x1bc: {  	s11 =	simm.s32 $0xD800  }
0x1bd: {  	[tilespmem:s11], [sflag:$0x2] =	stream.indirect_vreg.gather [hbm4b:s6+s3], $0x80, v4, vm1, $0xb8;
	[tilespmem:$0x18400] =	vst v63  }
0x1be: {  	v4 =	vld [tilespmem:$0x190];
	_ =	sdelay $0x4  }
0x1bf: {  	v5 =	vshrl.u32 v4, $0x3  }
0x1c0: {  	v5 =	vmul.u32 $0x18, v5  }
0x1c1: {  	v4 =	vand.u32 $0x7, v4  }
0x1c2: {  	v4 =	vor.u32 v4, v5  }
0x1c3: {  	v5 =	vperm.xlane v4, v1;
	_ =	sdelay $0x1  }
0x1c4: {  	v5 =	vadd.s32 v2, v5;
	_ =	sdelay $0x1  }
0x1c5: {  	v4 =	vperm.xlane v4, v3;
	_ =	sdelay $0x1  }
0x1c6: {  	s12 =	simm.s32 $0xDC00;
	v4 =	vadd.s32 v2, v4  }
0x1c7: {  	[tilespmem:s12], [sflag:$0x2] =	stream.indirect_vreg.gather [hbm4b:s1+s3], $0x80, v5, vm0, $0xb8;
	[tilespmem:$0x18400] =	vst v63  }
0x1c8: {  	s13 =	simm.s32 $0xE400  }
0x1c9: {  	[tilespmem:s13], [sflag:$0x2] =	stream.indirect_vreg.gather [hbm4b:s6+s3], $0x80, v5, vm1, $0xb8;
	[tilespmem:$0x18400] =	vst v63  }
0x1ca: {  	s14 =	simm.s32 $0xE800  }
0x1cb: {  	[tilespmem:s14], [sflag:$0x2] =	stream.indirect_vreg.gather [hbm4b:s1+s3], $0x80, v4, vm0, $0xb8;
	[tilespmem:$0x18400] =	vst v63  }
0x1cc: {  	s16 =	simm.s32 $0xF000  }
0x1cd: {  	[tilespmem:s16], [sflag:$0x2] =	stream.indirect_vreg.gather [hbm4b:s6+s3], $0x80, v4, vm1, $0xb8;
	[tilespmem:$0x18400] =	vst v63  }
0x1ce: {  	v4 =	vld [tilespmem:$0x1A0];
	_ =	sdelay $0x4  }
0x1cf: {  	v5 =	vshrl.u32 v4, $0x3  }
0x1d0: {  	v5 =	vmul.u32 $0x18, v5  }
0x1d1: {  	v4 =	vand.u32 $0x7, v4  }
0x1d2: {  	v4 =	vor.u32 v4, v5  }
0x1d3: {  	v5 =	vperm.xlane v4, v1;
	_ =	sdelay $0x1  }
0x1d4: {  	v5 =	vadd.s32 v2, v5;
	_ =	sdelay $0x1  }
0x1d5: {  	v4 =	vperm.xlane v4, v3;
	_ =	sdelay $0x1  }
0x1d6: {  	s17 =	simm.s32 $0xF400;
	v4 =	vadd.s32 v2, v4  }
0x1d7: {  	[tilespmem:s17], [sflag:$0x2] =	stream.indirect_vreg.gather [hbm4b:s1+s3], $0x80, v5, vm0, $0xb8;
	[tilespmem:$0x18400] =	vst v63  }
0x1d8: {  	s18 =	simm.s32 $0xFC00  }
0x1d9: {  	[tilespmem:s18], [sflag:$0x2] =	stream.indirect_vreg.gather [hbm4b:s6+s3], $0x80, v5, vm1, $0xb8;
	[tilespmem:$0x18400] =	vst v63  }
0x1da: {  	s19 =	simm.s32 $0x10000  }
0x1db: {  	[tilespmem:s19], [sflag:$0x2] =	stream.indirect_vreg.gather [hbm4b:s1+s3], $0x80, v4, vm0, $0xb8;
	[tilespmem:$0x18400] =	vst v63  }
0x1dc: {  	s20 =	simm.s32 $0x10800  }
0x1dd: {  	[tilespmem:s20], [sflag:$0x2] =	stream.indirect_vreg.gather [hbm4b:s6+s3], $0x80, v4, vm1, $0xb8;
	[tilespmem:$0x18400] =	vst v63  }
0x1de: {  	v4 =	vld [tilespmem:$0x1B0];
	_ =	sdelay $0x4  }
0x1df: {  	v5 =	vshrl.u32 v4, $0x3  }
0x1e0: {  	v5 =	vmul.u32 $0x18, v5  }
0x1e1: {  	v4 =	vand.u32 $0x7, v4  }
0x1e2: {  	v4 =	vor.u32 v4, v5  }
0x1e3: {  	v5 =	vperm.xlane v4, v1;
	_ =	sdelay $0x1  }
0x1e4: {  	v5 =	vadd.s32 v2, v5;
	_ =	sdelay $0x1  }
0x1e5: {  	v4 =	vperm.xlane v4, v3;
	_ =	sdelay $0x1  }
0x1e6: {  	s21 =	simm.s32 $0x10C00;
	v4 =	vadd.s32 v2, v4  }
0x1e7: {  	[tilespmem:s21], [sflag:$0x2] =	stream.indirect_vreg.gather [hbm4b:s1+s3], $0x80, v5, vm0, $0xb8;
	[tilespmem:$0x18400] =	vst v63  }
0x1e8: {  	s22 =	simm.s32 $0x11400  }
0x1e9: {  	[tilespmem:s22], [sflag:$0x2] =	stream.indirect_vreg.gather [hbm4b:s6+s3], $0x80, v5, vm1, $0xb8;
	[tilespmem:$0x18400] =	vst v63  }
0x1ea: {  	s23 =	simm.s32 $0x11800  }
0x1eb: {  	[tilespmem:s23], [sflag:$0x2] =	stream.indirect_vreg.gather [hbm4b:s1+s3], $0x80, v4, vm0, $0xb8;
	[tilespmem:$0x18400] =	vst v63  }
0x1ec: {  	s24 =	simm.s32 $0x12000  }
0x1ed: {  	[tilespmem:s24], [sflag:$0x2] =	stream.indirect_vreg.gather [hbm4b:s6+s3], $0x80, v4, vm1, $0xb8;
	[tilespmem:$0x18400] =	vst v63  }
0x1ee: {  	v4 =	vld [tilespmem:$0x1C0];
	_ =	sdelay $0x4  }
0x1ef: {  	v5 =	vshrl.u32 v4, $0x3  }
0x1f0: {  	v5 =	vmul.u32 $0x18, v5  }
0x1f1: {  	v4 =	vand.u32 $0x7, v4  }
0x1f2: {  	v4 =	vor.u32 v4, v5  }
0x1f3: {  	v5 =	vperm.xlane v4, v1;
	_ =	sdelay $0x1  }
0x1f4: {  	v5 =	vadd.s32 v2, v5;
	_ =	sdelay $0x1  }
0x1f5: {  	v4 =	vperm.xlane v4, v3;
	_ =	sdelay $0x1  }
0x1f6: {  	s25 =	simm.s32 $0x12400;
	v4 =	vadd.s32 v2, v4  }
0x1f7: {  	[tilespmem:s25], [sflag:$0x2] =	stream.indirect_vreg.gather [hbm4b:s1+s3], $0x80, v5, vm0, $0xb8;
	[tilespmem:$0x18400] =	vst v63  }
0x1f8: {  	s26 =	simm.s32 $0x12C00  }
0x1f9: {  	[tilespmem:s26], [sflag:$0x2] =	stream.indirect_vreg.gather [hbm4b:s6+s3], $0x80, v5, vm1, $0xb8;
	[tilespmem:$0x18400] =	vst v63  }
0x1fa: {  	s28 =	simm.s32 $0x13000  }
0x1fb: {  	[tilespmem:s28], [sflag:$0x2] =	stream.indirect_vreg.gather [hbm4b:s1+s3], $0x80, v4, vm0, $0xb8;
	[tilespmem:$0x18400] =	vst v63  }
0x1fc: {  	s29 =	simm.s32 $0x13800  }
0x1fd: {  	[tilespmem:s29], [sflag:$0x2] =	stream.indirect_vreg.gather [hbm4b:s6+s3], $0x80, v4, vm1, $0xb8;
	[tilespmem:$0x18400] =	vst v63  }
0x1fe: {  	v4 =	vld [tilespmem:$0x1D0];
	_ =	sdelay $0x4  }
0x1ff: {  	v5 =	vshrl.u32 v4, $0x3  }
0x200: {  	v5 =	vmul.u32 $0x18, v5  }
0x201: {  	v4 =	vand.u32 $0x7, v4  }
0x202: {  	v4 =	vor.u32 v4, v5  }
0x203: {  	v5 =	vperm.xlane v4, v1;
	_ =	sdelay $0x1  }
0x204: {  	v5 =	vadd.s32 v2, v5;
	_ =	sdelay $0x1  }
0x205: {  	v4 =	vperm.xlane v4, v3;
	_ =	sdelay $0x1  }
0x206: {  	s21 =	simm.s32 $0x13C00;
	v4 =	vadd.s32 v2, v4  }
0x207: {  	[tilespmem:s21], [sflag:$0x2] =	stream.indirect_vreg.gather [hbm4b:s1+s3], $0x80, v5, vm0, $0xb8;
	[tilespmem:$0x18400] =	vst v63  }
0x208: {  	s22 =	simm.s32 $0x14400  }
0x209: {  	[tilespmem:s22], [sflag:$0x2] =	stream.indirect_vreg.gather [hbm4b:s6+s3], $0x80, v5, vm1, $0xb8;
	[tilespmem:$0x18400] =	vst v63  }
0x20a: {  	s23 =	simm.s32 $0x14800  }
0x20b: {  	[tilespmem:s23], [sflag:$0x2] =	stream.indirect_vreg.gather [hbm4b:s1+s3], $0x80, v4, vm0, $0xb8;
	[tilespmem:$0x18400] =	vst v63  }
0x20c: {  	s24 =	simm.s32 $0x15000  }
0x20d: {  	[tilespmem:s24], [sflag:$0x2] =	stream.indirect_vreg.gather [hbm4b:s6+s3], $0x80, v4, vm1, $0xb8;
	[tilespmem:$0x18400] =	vst v63  }
0x20e: {  	v4 =	vld [tilespmem:$0x1E0];
	_ =	sdelay $0x4  }
0x20f: {  	v5 =	vshrl.u32 v4, $0x3  }
0x210: {  	v5 =	vmul.u32 $0x18, v5  }
0x211: {  	v4 =	vand.u32 $0x7, v4  }
0x212: {  	v4 =	vor.u32 v4, v5  }
0x213: {  	v5 =	vperm.xlane v4, v1;
	_ =	sdelay $0x1  }
0x214: {  	v5 =	vadd.s32 v2, v5;
	_ =	sdelay $0x1  }
0x215: {  	v4 =	vperm.xlane v4, v3;
	_ =	sdelay $0x1  }
0x216: {  	s25 =	simm.s32 $0x15400;
	v4 =	vadd.s32 v2, v4  }
0x217: {  	[tilespmem:s25], [sflag:$0x2] =	stream.indirect_vreg.gather [hbm4b:s1+s3], $0x80, v5, vm0, $0xb8;
	[tilespmem:$0x18400] =	vst v63  }
0x218: {  	s26 =	simm.s32 $0x15C00  }
0x219: {  	[tilespmem:s26], [sflag:$0x2] =	stream.indirect_vreg.gather [hbm4b:s6+s3], $0x80, v5, vm1, $0xb8;
	[tilespmem:$0x18400] =	vst v63  }
0x21a: {  	s28 =	simm.s32 $0x16000  }
0x21b: {  	[tilespmem:s28], [sflag:$0x2] =	stream.indirect_vreg.gather [hbm4b:s1+s3], $0x80, v4, vm0, $0xb8;
	[tilespmem:$0x18400] =	vst v63  }
0x21c: {  	s29 =	simm.s32 $0x16800  }
0x21d: {  	[tilespmem:s29], [sflag:$0x2] =	stream.indirect_vreg.gather [hbm4b:s6+s3], $0x80, v4, vm1, $0xb8;
	[tilespmem:$0x18400] =	vst v63  }
0x21e: {  	v4 =	vld [tilespmem:$0x1F0];
	_ =	sdelay $0x4  }
0x21f: {  	v5 =	vshrl.u32 v4, $0x3  }
0x220: {  	v5 =	vmul.u32 $0x18, v5  }
0x221: {  	v4 =	vand.u32 $0x7, v4  }
0x222: {  	v4 =	vor.u32 v4, v5  }
0x223: {  	v5 =	vperm.xlane v4, v1;
	_ =	sdelay $0x1  }
0x224: {  	v5 =	vadd.s32 v2, v5;
	_ =	sdelay $0x1  }
0x225: {  	v4 =	vperm.xlane v4, v3;
	_ =	sdelay $0x1  }
0x226: {  	s28 =	simm.s32 $0x16C00;
	v4 =	vadd.s32 v2, v4  }
0x227: {  	[tilespmem:s28], [sflag:$0x2] =	stream.indirect_vreg.gather [hbm4b:s1+s3], $0x80, v5, vm0, $0xb8;
	[tilespmem:$0x18400] =	vst v63  }
0x228: {  	s29 =	simm.s32 $0x17400  }
0x229: {  	[tilespmem:s29], [sflag:$0x2] =	stream.indirect_vreg.gather [hbm4b:s6+s3], $0x80, v5, vm1, $0xb8;
	[tilespmem:$0x18400] =	vst v63  }
0x22a: {  	s2 =	simm.s32 $0x17800  }
0x22b: {  	[tilespmem:s2], [sflag:$0x2] =	stream.indirect_vreg.gather [hbm4b:s1+s3], $0x80, v4, vm0, $0xb8;
	[tilespmem:$0x18400] =	vst v63  }
0x22c: {  	s2 =	simm.s32 $0x18000  }
0x22d: {  	[tilespmem:s2], [sflag:$0x2] =	stream.indirect_vreg.gather [hbm4b:s6+s3], $0x80, v4, vm1, $0xb8;
	[tilespmem:$0x18400] =	vst v63  }
0x22e: {  	_ =	swait.ge [sflag:s30], $0xC000  }
0x22f: {  	[sflag:s30] =	ssyncset.done $0x0  }
0x230: {  	s2 =	rddreg [dreg:$0x7];
	[sflag:s30] =	ssyncadd.s32 $0xFFFF4000  }
0x231: {  	[hbm4b:s2+s3] =	stream.linear.scatter [tilespmem:s5], [sflag:$0x3], $0xC000, $0x38;
	[tilespmem:$0x18400] =	vst v63  }
0x232: {  	_ =	swait.ge [sflag:s15], $0xC000  }
0x233: {  	[sflag:s15] =	ssyncset.done $0x0  }
0x234: {  	[sflag:s15] =	ssyncadd.s32 $0xFFFF4000  }
0x235: {  	v4 =	vld [tilespmem:$0x200];
	_ =	sdelay $0x4  }
0x236: {  	v5 =	vshrl.u32 v4, $0x3  }
0x237: {  	v5 =	vmul.u32 $0x18, v5  }
0x238: {  	v4 =	vand.u32 $0x7, v4  }
0x239: {  	v4 =	vor.u32 v4, v5  }
0x23a: {  	v5 =	vperm.xlane v4, v1;
	_ =	sdelay $0x1  }
0x23b: {  	v5 =	vadd.s32 v2, v5;
	_ =	sdelay $0x1  }
0x23c: {  	v4 =	vperm.xlane v4, v3;
	_ =	sdelay $0x1  }
0x23d: {  	v4 =	vadd.s32 v2, v4  }
0x23e: {  	[tilespmem:s5], [sflag:$0x1] =	stream.indirect_vreg.gather [hbm4b:s1+s3], $0x80, v5, vm0, $0xb8;
	[tilespmem:$0x18400] =	vst v63  }
0x23f: {  	s2 =	simm.s32 $0xC00  }
0x240: {  	[tilespmem:s2], [sflag:$0x1] =	stream.indirect_vreg.gather [hbm4b:s6+s3], $0x80, v5, vm1, $0xb8;
	[tilespmem:$0x18400] =	vst v63  }
0x241: {  	s2 =	simm.s32 $0x1000  }
0x242: {  	[tilespmem:s2], [sflag:$0x1] =	stream.indirect_vreg.gather [hbm4b:s1+s3], $0x80, v4, vm0, $0xb8;
	[tilespmem:$0x18400] =	vst v63  }
0x243: {  	s2 =	simm.s32 $0x1800  }
0x244: {  	[tilespmem:s2], [sflag:$0x1] =	stream.indirect_vreg.gather [hbm4b:s6+s3], $0x80, v4, vm1, $0xb8;
	[tilespmem:$0x18400] =	vst v63  }
0x245: {  	v4 =	vld [tilespmem:$0x210];
	_ =	sdelay $0x4  }
0x246: {  	v5 =	vshrl.u32 v4, $0x3  }
0x247: {  	v5 =	vmul.u32 $0x18, v5  }
0x248: {  	v4 =	vand.u32 $0x7, v4  }
0x249: {  	v4 =	vor.u32 v4, v5  }
0x24a: {  	v5 =	vperm.xlane v4, v1;
	_ =	sdelay $0x1  }
0x24b: {  	v5 =	vadd.s32 v2, v5;
	_ =	sdelay $0x1  }
0x24c: {  	v4 =	vperm.xlane v4, v3;
	_ =	sdelay $0x1  }
0x24d: {  	s2 =	simm.s32 $0x1C00;
	v4 =	vadd.s32 v2, v4  }
0x24e: {  	[tilespmem:s2], [sflag:$0x1] =	stream.indirect_vreg.gather [hbm4b:s1+s3], $0x80, v5, vm0, $0xb8;
	[tilespmem:$0x18400] =	vst v63  }
0x24f: {  	s2 =	simm.s32 $0x2400  }
0x250: {  	[tilespmem:s2], [sflag:$0x1] =	stream.indirect_vreg.gather [hbm4b:s6+s3], $0x80, v5, vm1, $0xb8;
	[tilespmem:$0x18400] =	vst v63  }
0x251: {  	s2 =	simm.s32 $0x2800  }
0x252: {  	[tilespmem:s2], [sflag:$0x1] =	stream.indirect_vreg.gather [hbm4b:s1+s3], $0x80, v4, vm0, $0xb8;
	[tilespmem:$0x18400] =	vst v63  }
0x253: {  	s2 =	simm.s32 $0x3000  }
0x254: {  	[tilespmem:s2], [sflag:$0x1] =	stream.indirect_vreg.gather [hbm4b:s6+s3], $0x80, v4, vm1, $0xb8;
	[tilespmem:$0x18400] =	vst v63  }
0x255: {  	v4 =	vld [tilespmem:$0x220];
	_ =	sdelay $0x4  }
0x256: {  	v5 =	vshrl.u32 v4, $0x3  }
0x257: {  	v5 =	vmul.u32 $0x18, v5  }
0x258: {  	v4 =	vand.u32 $0x7, v4  }
0x259: {  	v4 =	vor.u32 v4, v5  }
0x25a: {  	v5 =	vperm.xlane v4, v1;
	_ =	sdelay $0x1  }
0x25b: {  	v5 =	vadd.s32 v2, v5;
	_ =	sdelay $0x1  }
0x25c: {  	v4 =	vperm.xlane v4, v3;
	_ =	sdelay $0x1  }
0x25d: {  	s2 =	simm.s32 $0x3400;
	v4 =	vadd.s32 v2, v4  }
0x25e: {  	[tilespmem:s2], [sflag:$0x1] =	stream.indirect_vreg.gather [hbm4b:s1+s3], $0x80, v5, vm0, $0xb8;
	[tilespmem:$0x18400] =	vst v63  }
0x25f: {  	s2 =	simm.s32 $0x3C00  }
0x260: {  	[tilespmem:s2], [sflag:$0x1] =	stream.indirect_vreg.gather [hbm4b:s6+s3], $0x80, v5, vm1, $0xb8;
	[tilespmem:$0x18400] =	vst v63  }
0x261: {  	s2 =	simm.s32 $0x4000  }
0x262: {  	[tilespmem:s2], [sflag:$0x1] =	stream.indirect_vreg.gather [hbm4b:s1+s3], $0x80, v4, vm0, $0xb8;
	[tilespmem:$0x18400] =	vst v63  }
0x263: {  	s2 =	simm.s32 $0x4800  }
0x264: {  	[tilespmem:s2], [sflag:$0x1] =	stream.indirect_vreg.gather [hbm4b:s6+s3], $0x80, v4, vm1, $0xb8;
	[tilespmem:$0x18400] =	vst v63  }
0x265: {  	v4 =	vld [tilespmem:$0x230];
	_ =	sdelay $0x4  }
0x266: {  	v5 =	vshrl.u32 v4, $0x3  }
0x267: {  	v5 =	vmul.u32 $0x18, v5  }
0x268: {  	v4 =	vand.u32 $0x7, v4  }
0x269: {  	v4 =	vor.u32 v4, v5  }
0x26a: {  	v5 =	vperm.xlane v4, v1;
	_ =	sdelay $0x1  }
0x26b: {  	v5 =	vadd.s32 v2, v5;
	_ =	sdelay $0x1  }
0x26c: {  	v4 =	vperm.xlane v4, v3;
	_ =	sdelay $0x1  }
0x26d: {  	s2 =	simm.s32 $0x4C00;
	v4 =	vadd.s32 v2, v4  }
0x26e: {  	[tilespmem:s2], [sflag:$0x1] =	stream.indirect_vreg.gather [hbm4b:s1+s3], $0x80, v5, vm0, $0xb8;
	[tilespmem:$0x18400] =	vst v63  }
0x26f: {  	s2 =	simm.s32 $0x5400  }
0x270: {  	[tilespmem:s2], [sflag:$0x1] =	stream.indirect_vreg.gather [hbm4b:s6+s3], $0x80, v5, vm1, $0xb8;
	[tilespmem:$0x18400] =	vst v63  }
0x271: {  	s2 =	simm.s32 $0x5800  }
0x272: {  	[tilespmem:s2], [sflag:$0x1] =	stream.indirect_vreg.gather [hbm4b:s1+s3], $0x80, v4, vm0, $0xb8;
	[tilespmem:$0x18400] =	vst v63  }
0x273: {  	s2 =	simm.s32 $0x6000  }
0x274: {  	[tilespmem:s2], [sflag:$0x1] =	stream.indirect_vreg.gather [hbm4b:s6+s3], $0x80, v4, vm1, $0xb8;
	[tilespmem:$0x18400] =	vst v63  }
0x275: {  	v4 =	vld [tilespmem:$0x240];
	_ =	sdelay $0x4  }
0x276: {  	v5 =	vshrl.u32 v4, $0x3  }
0x277: {  	v5 =	vmul.u32 $0x18, v5  }
0x278: {  	v4 =	vand.u32 $0x7, v4  }
0x279: {  	v4 =	vor.u32 v4, v5  }
0x27a: {  	v5 =	vperm.xlane v4, v1;
	_ =	sdelay $0x1  }
0x27b: {  	v5 =	vadd.s32 v2, v5;
	_ =	sdelay $0x1  }
0x27c: {  	v4 =	vperm.xlane v4, v3;
	_ =	sdelay $0x1  }
0x27d: {  	s2 =	simm.s32 $0x6400;
	v4 =	vadd.s32 v2, v4  }
0x27e: {  	[tilespmem:s2], [sflag:$0x1] =	stream.indirect_vreg.gather [hbm4b:s1+s3], $0x80, v5, vm0, $0xb8;
	[tilespmem:$0x18400] =	vst v63  }
0x27f: {  	s2 =	simm.s32 $0x6C00  }
0x280: {  	[tilespmem:s2], [sflag:$0x1] =	stream.indirect_vreg.gather [hbm4b:s6+s3], $0x80, v5, vm1, $0xb8;
	[tilespmem:$0x18400] =	vst v63  }
0x281: {  	s2 =	simm.s32 $0x7000  }
0x282: {  	[tilespmem:s2], [sflag:$0x1] =	stream.indirect_vreg.gather [hbm4b:s1+s3], $0x80, v4, vm0, $0xb8;
	[tilespmem:$0x18400] =	vst v63  }
0x283: {  	s2 =	simm.s32 $0x7800  }
0x284: {  	[tilespmem:s2], [sflag:$0x1] =	stream.indirect_vreg.gather [hbm4b:s6+s3], $0x80, v4, vm1, $0xb8;
	[tilespmem:$0x18400] =	vst v63  }
0x285: {  	v4 =	vld [tilespmem:$0x250];
	_ =	sdelay $0x4  }
0x286: {  	v5 =	vshrl.u32 v4, $0x3  }
0x287: {  	v5 =	vmul.u32 $0x18, v5  }
0x288: {  	v4 =	vand.u32 $0x7, v4  }
0x289: {  	v4 =	vor.u32 v4, v5  }
0x28a: {  	v5 =	vperm.xlane v4, v1;
	_ =	sdelay $0x1  }
0x28b: {  	v5 =	vadd.s32 v2, v5;
	_ =	sdelay $0x1  }
0x28c: {  	v4 =	vperm.xlane v4, v3;
	_ =	sdelay $0x1  }
0x28d: {  	s2 =	simm.s32 $0x7C00;
	v4 =	vadd.s32 v2, v4  }
0x28e: {  	[tilespmem:s2], [sflag:$0x1] =	stream.indirect_vreg.gather [hbm4b:s1+s3], $0x80, v5, vm0, $0xb8;
	[tilespmem:$0x18400] =	vst v63  }
0x28f: {  	s2 =	simm.s32 $0x8400  }
0x290: {  	[tilespmem:s2], [sflag:$0x1] =	stream.indirect_vreg.gather [hbm4b:s6+s3], $0x80, v5, vm1, $0xb8;
	[tilespmem:$0x18400] =	vst v63  }
0x291: {  	s2 =	simm.s32 $0x8800  }
0x292: {  	[tilespmem:s2], [sflag:$0x1] =	stream.indirect_vreg.gather [hbm4b:s1+s3], $0x80, v4, vm0, $0xb8;
	[tilespmem:$0x18400] =	vst v63  }
0x293: {  	s2 =	simm.s32 $0x9000  }
0x294: {  	[tilespmem:s2], [sflag:$0x1] =	stream.indirect_vreg.gather [hbm4b:s6+s3], $0x80, v4, vm1, $0xb8;
	[tilespmem:$0x18400] =	vst v63  }
0x295: {  	v4 =	vld [tilespmem:$0x260];
	_ =	sdelay $0x4  }
0x296: {  	v5 =	vshrl.u32 v4, $0x3  }
0x297: {  	v5 =	vmul.u32 $0x18, v5  }
0x298: {  	v4 =	vand.u32 $0x7, v4  }
0x299: {  	v4 =	vor.u32 v4, v5  }
0x29a: {  	v5 =	vperm.xlane v4, v1;
	_ =	sdelay $0x1  }
0x29b: {  	v5 =	vadd.s32 v2, v5;
	_ =	sdelay $0x1  }
0x29c: {  	v4 =	vperm.xlane v4, v3;
	_ =	sdelay $0x1  }
0x29d: {  	s2 =	simm.s32 $0x9400;
	v4 =	vadd.s32 v2, v4  }
0x29e: {  	[tilespmem:s2], [sflag:$0x1] =	stream.indirect_vreg.gather [hbm4b:s1+s3], $0x80, v5, vm0, $0xb8;
	[tilespmem:$0x18400] =	vst v63  }
0x29f: {  	s2 =	simm.s32 $0x9C00  }
0x2a0: {  	[tilespmem:s2], [sflag:$0x1] =	stream.indirect_vreg.gather [hbm4b:s6+s3], $0x80, v5, vm1, $0xb8;
	[tilespmem:$0x18400] =	vst v63  }
0x2a1: {  	s2 =	simm.s32 $0xA000  }
0x2a2: {  	[tilespmem:s2], [sflag:$0x1] =	stream.indirect_vreg.gather [hbm4b:s1+s3], $0x80, v4, vm0, $0xb8;
	[tilespmem:$0x18400] =	vst v63  }
0x2a3: {  	s2 =	simm.s32 $0xA800  }
0x2a4: {  	[tilespmem:s2], [sflag:$0x1] =	stream.indirect_vreg.gather [hbm4b:s6+s3], $0x80, v4, vm1, $0xb8;
	[tilespmem:$0x18400] =	vst v63  }
0x2a5: {  	v4 =	vld [tilespmem:$0x270];
	_ =	sdelay $0x4  }
0x2a6: {  	v5 =	vshrl.u32 v4, $0x3  }
0x2a7: {  	v5 =	vmul.u32 $0x18, v5  }
0x2a8: {  	v4 =	vand.u32 $0x7, v4  }
0x2a9: {  	v4 =	vor.u32 v4, v5  }
0x2aa: {  	v5 =	vperm.xlane v4, v1;
	_ =	sdelay $0x1  }
0x2ab: {  	v5 =	vadd.s32 v2, v5;
	_ =	sdelay $0x1  }
0x2ac: {  	v4 =	vperm.xlane v4, v3;
	_ =	sdelay $0x1  }
0x2ad: {  	s2 =	simm.s32 $0xAC00;
	v4 =	vadd.s32 v2, v4  }
0x2ae: {  	[tilespmem:s2], [sflag:$0x1] =	stream.indirect_vreg.gather [hbm4b:s1+s3], $0x80, v5, vm0, $0xb8;
	[tilespmem:$0x18400] =	vst v63  }
0x2af: {  	s2 =	simm.s32 $0xB400  }
0x2b0: {  	[tilespmem:s2], [sflag:$0x1] =	stream.indirect_vreg.gather [hbm4b:s6+s3], $0x80, v5, vm1, $0xb8;
	[tilespmem:$0x18400] =	vst v63  }
0x2b1: {  	s2 =	simm.s32 $0xB800  }
0x2b2: {  	[tilespmem:s2], [sflag:$0x1] =	stream.indirect_vreg.gather [hbm4b:s1+s3], $0x80, v4, vm0, $0xb8;
	[tilespmem:$0x18400] =	vst v63  }
0x2b3: {  	s2 =	simm.s32 $0xC000  }
0x2b4: {  	[tilespmem:s2], [sflag:$0x1] =	stream.indirect_vreg.gather [hbm4b:s6+s3], $0x80, v4, vm1, $0xb8;
	[tilespmem:$0x18400] =	vst v63  }
0x2b5: {  	_ =	swait.ge [sflag:s31], $0xC000  }
0x2b6: {  	[sflag:s31] =	ssyncset.done $0x0  }
0x2b7: {  	s2 =	rddreg [dreg:$0x8];
	[sflag:s31] =	ssyncadd.s32 $0xFFFF4000  }
0x2b8: {  	[hbm4b:s2+s3] =	stream.linear.scatter [tilespmem:s4], [sflag:$0x3], $0xC000, $0x38;
	[tilespmem:$0x18400] =	vst v63  }
0x2b9: {  	_ =	swait.ge [sflag:s15], $0xC000  }
0x2ba: {  	[sflag:s15] =	ssyncset.done $0x0  }
0x2bb: {  	[sflag:s15] =	ssyncadd.s32 $0xFFFF4000  }
0x2bc: {  	v4 =	vld [tilespmem:$0x280];
	_ =	sdelay $0x4  }
0x2bd: {  	v5 =	vshrl.u32 v4, $0x3  }
0x2be: {  	v5 =	vmul.u32 $0x18, v5  }
0x2bf: {  	v4 =	vand.u32 $0x7, v4  }
0x2c0: {  	v4 =	vor.u32 v4, v5  }
0x2c1: {  	v5 =	vperm.xlane v4, v1;
	_ =	sdelay $0x1  }
0x2c2: {  	v5 =	vadd.s32 v2, v5;
	_ =	sdelay $0x1  }
0x2c3: {  	v4 =	vperm.xlane v4, v3;
	_ =	sdelay $0x1  }
0x2c4: {  	v4 =	vadd.s32 v2, v4  }
0x2c5: {  	[tilespmem:s4], [sflag:$0x2] =	stream.indirect_vreg.gather [hbm4b:s1+s3], $0x80, v5, vm0, $0xb8;
	[tilespmem:$0x18400] =	vst v63  }
0x2c6: {  	s7 =	simm.s32 $0xCC00  }
0x2c7: {  	[tilespmem:s7], [sflag:$0x2] =	stream.indirect_vreg.gather [hbm4b:s6+s3], $0x80, v5, vm1, $0xb8;
	[tilespmem:$0x18400] =	vst v63  }
0x2c8: {  	s8 =	simm.s32 $0xD000  }
0x2c9: {  	[tilespmem:s8], [sflag:$0x2] =	stream.indirect_vreg.gather [hbm4b:s1+s3], $0x80, v4, vm0, $0xb8;
	[tilespmem:$0x18400] =	vst v63  }
0x2ca: {  	s2 =	simm.s32 $0xD800  }
0x2cb: {  	[tilespmem:s2], [sflag:$0x2] =	stream.indirect_vreg.gather [hbm4b:s6+s3], $0x80, v4, vm1, $0xb8;
	[tilespmem:$0x18400] =	vst v63  }
0x2cc: {  	v4 =	vld [tilespmem:$0x290];
	_ =	sdelay $0x4  }
0x2cd: {  	v5 =	vshrl.u32 v4, $0x3  }
0x2ce: {  	v5 =	vmul.u32 $0x18, v5  }
0x2cf: {  	v4 =	vand.u32 $0x7, v4  }
0x2d0: {  	v4 =	vor.u32 v4, v5  }
0x2d1: {  	v5 =	vperm.xlane v4, v1;
	_ =	sdelay $0x1  }
0x2d2: {  	v5 =	vadd.s32 v2, v5;
	_ =	sdelay $0x1  }
0x2d3: {  	v4 =	vperm.xlane v4, v3;
	_ =	sdelay $0x1  }
0x2d4: {  	s2 =	simm.s32 $0xDC00;
	v4 =	vadd.s32 v2, v4  }
0x2d5: {  	[tilespmem:s2], [sflag:$0x2] =	stream.indirect_vreg.gather [hbm4b:s1+s3], $0x80, v5, vm0, $0xb8;
	[tilespmem:$0x18400] =	vst v63  }
0x2d6: {  	s9 =	simm.s32 $0xE400  }
0x2d7: {  	[tilespmem:s9], [sflag:$0x2] =	stream.indirect_vreg.gather [hbm4b:s6+s3], $0x80, v5, vm1, $0xb8;
	[tilespmem:$0x18400] =	vst v63  }
0x2d8: {  	s10 =	simm.s32 $0xE800  }
0x2d9: {  	[tilespmem:s10], [sflag:$0x2] =	stream.indirect_vreg.gather [hbm4b:s1+s3], $0x80, v4, vm0, $0xb8;
	[tilespmem:$0x18400] =	vst v63  }
0x2da: {  	s2 =	simm.s32 $0xF000  }
0x2db: {  	[tilespmem:s2], [sflag:$0x2] =	stream.indirect_vreg.gather [hbm4b:s6+s3], $0x80, v4, vm1, $0xb8;
	[tilespmem:$0x18400] =	vst v63  }
0x2dc: {  	v4 =	vld [tilespmem:$0x2A0];
	_ =	sdelay $0x4  }
0x2dd: {  	v5 =	vshrl.u32 v4, $0x3  }
0x2de: {  	v5 =	vmul.u32 $0x18, v5  }
0x2df: {  	v4 =	vand.u32 $0x7, v4  }
0x2e0: {  	v4 =	vor.u32 v4, v5  }
0x2e1: {  	v5 =	vperm.xlane v4, v1;
	_ =	sdelay $0x1  }
0x2e2: {  	v5 =	vadd.s32 v2, v5;
	_ =	sdelay $0x1  }
0x2e3: {  	v4 =	vperm.xlane v4, v3;
	_ =	sdelay $0x1  }
0x2e4: {  	s11 =	simm.s32 $0xF400;
	v4 =	vadd.s32 v2, v4  }
0x2e5: {  	[tilespmem:s11], [sflag:$0x2] =	stream.indirect_vreg.gather [hbm4b:s1+s3], $0x80, v5, vm0, $0xb8;
	[tilespmem:$0x18400] =	vst v63  }
0x2e6: {  	s12 =	simm.s32 $0xFC00  }
0x2e7: {  	[tilespmem:s12], [sflag:$0x2] =	stream.indirect_vreg.gather [hbm4b:s6+s3], $0x80, v5, vm1, $0xb8;
	[tilespmem:$0x18400] =	vst v63  }
0x2e8: {  	s13 =	simm.s32 $0x10000  }
0x2e9: {  	[tilespmem:s13], [sflag:$0x2] =	stream.indirect_vreg.gather [hbm4b:s1+s3], $0x80, v4, vm0, $0xb8;
	[tilespmem:$0x18400] =	vst v63  }
0x2ea: {  	s2 =	simm.s32 $0x10800  }
0x2eb: {  	[tilespmem:s2], [sflag:$0x2] =	stream.indirect_vreg.gather [hbm4b:s6+s3], $0x80, v4, vm1, $0xb8;
	[tilespmem:$0x18400] =	vst v63  }
0x2ec: {  	v4 =	vld [tilespmem:$0x2B0];
	_ =	sdelay $0x4  }
0x2ed: {  	v5 =	vshrl.u32 v4, $0x3  }
0x2ee: {  	v5 =	vmul.u32 $0x18, v5  }
0x2ef: {  	v4 =	vand.u32 $0x7, v4  }
0x2f0: {  	v4 =	vor.u32 v4, v5  }
0x2f1: {  	v5 =	vperm.xlane v4, v1;
	_ =	sdelay $0x1  }
0x2f2: {  	v5 =	vadd.s32 v2, v5;
	_ =	sdelay $0x1  }
0x2f3: {  	v4 =	vperm.xlane v4, v3;
	_ =	sdelay $0x1  }
0x2f4: {  	s14 =	simm.s32 $0x10C00;
	v4 =	vadd.s32 v2, v4  }
0x2f5: {  	[tilespmem:s14], [sflag:$0x2] =	stream.indirect_vreg.gather [hbm4b:s1+s3], $0x80, v5, vm0, $0xb8;
	[tilespmem:$0x18400] =	vst v63  }
0x2f6: {  	s16 =	simm.s32 $0x11400  }
0x2f7: {  	[tilespmem:s16], [sflag:$0x2] =	stream.indirect_vreg.gather [hbm4b:s6+s3], $0x80, v5, vm1, $0xb8;
	[tilespmem:$0x18400] =	vst v63  }
0x2f8: {  	s17 =	simm.s32 $0x11800  }
0x2f9: {  	[tilespmem:s17], [sflag:$0x2] =	stream.indirect_vreg.gather [hbm4b:s1+s3], $0x80, v4, vm0, $0xb8;
	[tilespmem:$0x18400] =	vst v63  }
0x2fa: {  	s2 =	simm.s32 $0x12000  }
0x2fb: {  	[tilespmem:s2], [sflag:$0x2] =	stream.indirect_vreg.gather [hbm4b:s6+s3], $0x80, v4, vm1, $0xb8;
	[tilespmem:$0x18400] =	vst v63  }
0x2fc: {  	v4 =	vld [tilespmem:$0x2C0];
	_ =	sdelay $0x4  }
0x2fd: {  	v5 =	vshrl.u32 v4, $0x3  }
0x2fe: {  	v5 =	vmul.u32 $0x18, v5  }
0x2ff: {  	v4 =	vand.u32 $0x7, v4  }
0x300: {  	v4 =	vor.u32 v4, v5  }
0x301: {  	v5 =	vperm.xlane v4, v1;
	_ =	sdelay $0x1  }
0x302: {  	v5 =	vadd.s32 v2, v5;
	_ =	sdelay $0x1  }
0x303: {  	v4 =	vperm.xlane v4, v3;
	_ =	sdelay $0x1  }
0x304: {  	s18 =	simm.s32 $0x12400;
	v4 =	vadd.s32 v2, v4  }
0x305: {  	[tilespmem:s18], [sflag:$0x2] =	stream.indirect_vreg.gather [hbm4b:s1+s3], $0x80, v5, vm0, $0xb8;
	[tilespmem:$0x18400] =	vst v63  }
0x306: {  	s19 =	simm.s32 $0x12C00  }
0x307: {  	[tilespmem:s19], [sflag:$0x2] =	stream.indirect_vreg.gather [hbm4b:s6+s3], $0x80, v5, vm1, $0xb8;
	[tilespmem:$0x18400] =	vst v63  }
0x308: {  	s20 =	simm.s32 $0x13000  }
0x309: {  	[tilespmem:s20], [sflag:$0x2] =	stream.indirect_vreg.gather [hbm4b:s1+s3], $0x80, v4, vm0, $0xb8;
	[tilespmem:$0x18400] =	vst v63  }
0x30a: {  	s2 =	simm.s32 $0x13800  }
0x30b: {  	[tilespmem:s2], [sflag:$0x2] =	stream.indirect_vreg.gather [hbm4b:s6+s3], $0x80, v4, vm1, $0xb8;
	[tilespmem:$0x18400] =	vst v63  }
0x30c: {  	v4 =	vld [tilespmem:$0x2D0];
	_ =	sdelay $0x4  }
0x30d: {  	v5 =	vshrl.u32 v4, $0x3  }
0x30e: {  	v5 =	vmul.u32 $0x18, v5  }
0x30f: {  	v4 =	vand.u32 $0x7, v4  }
0x310: {  	v4 =	vor.u32 v4, v5  }
0x311: {  	v5 =	vperm.xlane v4, v1;
	_ =	sdelay $0x1  }
0x312: {  	v5 =	vadd.s32 v2, v5;
	_ =	sdelay $0x1  }
0x313: {  	v4 =	vperm.xlane v4, v3;
	_ =	sdelay $0x1  }
0x314: {  	s21 =	simm.s32 $0x13C00;
	v4 =	vadd.s32 v2, v4  }
0x315: {  	[tilespmem:s21], [sflag:$0x2] =	stream.indirect_vreg.gather [hbm4b:s1+s3], $0x80, v5, vm0, $0xb8;
	[tilespmem:$0x18400] =	vst v63  }
0x316: {  	s22 =	simm.s32 $0x14400  }
0x317: {  	[tilespmem:s22], [sflag:$0x2] =	stream.indirect_vreg.gather [hbm4b:s6+s3], $0x80, v5, vm1, $0xb8;
	[tilespmem:$0x18400] =	vst v63  }
0x318: {  	s23 =	simm.s32 $0x14800  }
0x319: {  	[tilespmem:s23], [sflag:$0x2] =	stream.indirect_vreg.gather [hbm4b:s1+s3], $0x80, v4, vm0, $0xb8;
	[tilespmem:$0x18400] =	vst v63  }
0x31a: {  	s2 =	simm.s32 $0x15000  }
0x31b: {  	[tilespmem:s2], [sflag:$0x2] =	stream.indirect_vreg.gather [hbm4b:s6+s3], $0x80, v4, vm1, $0xb8;
	[tilespmem:$0x18400] =	vst v63  }
0x31c: {  	v4 =	vld [tilespmem:$0x2E0];
	_ =	sdelay $0x4  }
0x31d: {  	v5 =	vshrl.u32 v4, $0x3  }
0x31e: {  	v5 =	vmul.u32 $0x18, v5  }
0x31f: {  	v4 =	vand.u32 $0x7, v4  }
0x320: {  	v4 =	vor.u32 v4, v5  }
0x321: {  	v5 =	vperm.xlane v4, v1;
	_ =	sdelay $0x1  }
0x322: {  	v5 =	vadd.s32 v2, v5;
	_ =	sdelay $0x1  }
0x323: {  	v4 =	vperm.xlane v4, v3;
	_ =	sdelay $0x1  }
0x324: {  	s24 =	simm.s32 $0x15400;
	v4 =	vadd.s32 v2, v4  }
0x325: {  	[tilespmem:s24], [sflag:$0x2] =	stream.indirect_vreg.gather [hbm4b:s1+s3], $0x80, v5, vm0, $0xb8;
	[tilespmem:$0x18400] =	vst v63  }
0x326: {  	s25 =	simm.s32 $0x15C00  }
0x327: {  	[tilespmem:s25], [sflag:$0x2] =	stream.indirect_vreg.gather [hbm4b:s6+s3], $0x80, v5, vm1, $0xb8;
	[tilespmem:$0x18400] =	vst v63  }
0x328: {  	s26 =	simm.s32 $0x16000  }
0x329: {  	[tilespmem:s26], [sflag:$0x2] =	stream.indirect_vreg.gather [hbm4b:s1+s3], $0x80, v4, vm0, $0xb8;
	[tilespmem:$0x18400] =	vst v63  }
0x32a: {  	s2 =	simm.s32 $0x16800  }
0x32b: {  	[tilespmem:s2], [sflag:$0x2] =	stream.indirect_vreg.gather [hbm4b:s6+s3], $0x80, v4, vm1, $0xb8;
	[tilespmem:$0x18400] =	vst v63  }
0x32c: {  	v4 =	vld [tilespmem:$0x2F0];
	_ =	sdelay $0x4  }
0x32d: {  	v5 =	vshrl.u32 v4, $0x3  }
0x32e: {  	v5 =	vmul.u32 $0x18, v5  }
0x32f: {  	v4 =	vand.u32 $0x7, v4  }
0x330: {  	v4 =	vor.u32 v4, v5  }
0x331: {  	v5 =	vperm.xlane v4, v1;
	_ =	sdelay $0x1  }
0x332: {  	v5 =	vadd.s32 v2, v5;
	_ =	sdelay $0x1  }
0x333: {  	v4 =	vperm.xlane v4, v3;
	_ =	sdelay $0x1  }
0x334: {  	s28 =	simm.s32 $0x16C00;
	v4 =	vadd.s32 v2, v4  }
0x335: {  	[tilespmem:s28], [sflag:$0x2] =	stream.indirect_vreg.gather [hbm4b:s1+s3], $0x80, v5, vm0, $0xb8;
	[tilespmem:$0x18400] =	vst v63  }
0x336: {  	s29 =	simm.s32 $0x17400  }
0x337: {  	[tilespmem:s29], [sflag:$0x2] =	stream.indirect_vreg.gather [hbm4b:s6+s3], $0x80, v5, vm1, $0xb8;
	[tilespmem:$0x18400] =	vst v63  }
0x338: {  	s2 =	simm.s32 $0x17800  }
0x339: {  	[tilespmem:s2], [sflag:$0x2] =	stream.indirect_vreg.gather [hbm4b:s1+s3], $0x80, v4, vm0, $0xb8;
	[tilespmem:$0x18400] =	vst v63  }
0x33a: {  	s2 =	simm.s32 $0x18000  }
0x33b: {  	[tilespmem:s2], [sflag:$0x2] =	stream.indirect_vreg.gather [hbm4b:s6+s3], $0x80, v4, vm1, $0xb8;
	[tilespmem:$0x18400] =	vst v63  }
0x33c: {  	_ =	swait.ge [sflag:s30], $0xC000  }
0x33d: {  	[sflag:s30] =	ssyncset.done $0x0  }
0x33e: {  	s2 =	rddreg [dreg:$0x9];
	[sflag:s30] =	ssyncadd.s32 $0xFFFF4000  }
0x33f: {  	[hbm4b:s2+s3] =	stream.linear.scatter [tilespmem:s5], [sflag:$0x3], $0xC000, $0x38;
	[tilespmem:$0x18400] =	vst v63  }
0x340: {  	_ =	swait.ge [sflag:s15], $0xC000  }
0x341: {  	[sflag:s15] =	ssyncset.done $0x0  }
0x342: {  	[sflag:s15] =	ssyncadd.s32 $0xFFFF4000  }
0x343: {  	v4 =	vld [tilespmem:$0x300];
	_ =	sdelay $0x4  }
0x344: {  	v5 =	vshrl.u32 v4, $0x3  }
0x345: {  	v5 =	vmul.u32 $0x18, v5  }
0x346: {  	v4 =	vand.u32 $0x7, v4  }
0x347: {  	v4 =	vor.u32 v4, v5  }
0x348: {  	v5 =	vperm.xlane v4, v1;
	_ =	sdelay $0x1  }
0x349: {  	v5 =	vadd.s32 v2, v5;
	_ =	sdelay $0x1  }
0x34a: {  	v4 =	vperm.xlane v4, v3;
	_ =	sdelay $0x1  }
0x34b: {  	v4 =	vadd.s32 v2, v4  }
0x34c: {  	[tilespmem:s5], [sflag:$0x1] =	stream.indirect_vreg.gather [hbm4b:s1+s3], $0x80, v5, vm0, $0xb8;
	[tilespmem:$0x18400] =	vst v63  }
0x34d: {  	s2 =	simm.s32 $0xC00  }
0x34e: {  	[tilespmem:s2], [sflag:$0x1] =	stream.indirect_vreg.gather [hbm4b:s6+s3], $0x80, v5, vm1, $0xb8;
	[tilespmem:$0x18400] =	vst v63  }
0x34f: {  	s2 =	simm.s32 $0x1000  }
0x350: {  	[tilespmem:s2], [sflag:$0x1] =	stream.indirect_vreg.gather [hbm4b:s1+s3], $0x80, v4, vm0, $0xb8;
	[tilespmem:$0x18400] =	vst v63  }
0x351: {  	s2 =	simm.s32 $0x1800  }
0x352: {  	[tilespmem:s2], [sflag:$0x1] =	stream.indirect_vreg.gather [hbm4b:s6+s3], $0x80, v4, vm1, $0xb8;
	[tilespmem:$0x18400] =	vst v63  }
0x353: {  	v4 =	vld [tilespmem:$0x310];
	_ =	sdelay $0x4  }
0x354: {  	v5 =	vshrl.u32 v4, $0x3  }
0x355: {  	v5 =	vmul.u32 $0x18, v5  }
0x356: {  	v4 =	vand.u32 $0x7, v4  }
0x357: {  	v4 =	vor.u32 v4, v5  }
0x358: {  	v5 =	vperm.xlane v4, v1;
	_ =	sdelay $0x1  }
0x359: {  	v5 =	vadd.s32 v2, v5;
	_ =	sdelay $0x1  }
0x35a: {  	v4 =	vperm.xlane v4, v3;
	_ =	sdelay $0x1  }
0x35b: {  	s2 =	simm.s32 $0x1C00;
	v4 =	vadd.s32 v2, v4  }
0x35c: {  	[tilespmem:s2], [sflag:$0x1] =	stream.indirect_vreg.gather [hbm4b:s1+s3], $0x80, v5, vm0, $0xb8;
	[tilespmem:$0x18400] =	vst v63  }
0x35d: {  	s2 =	simm.s32 $0x2400  }
0x35e: {  	[tilespmem:s2], [sflag:$0x1] =	stream.indirect_vreg.gather [hbm4b:s6+s3], $0x80, v5, vm1, $0xb8;
	[tilespmem:$0x18400] =	vst v63  }
0x35f: {  	s2 =	simm.s32 $0x2800  }
0x360: {  	[tilespmem:s2], [sflag:$0x1] =	stream.indirect_vreg.gather [hbm4b:s1+s3], $0x80, v4, vm0, $0xb8;
	[tilespmem:$0x18400] =	vst v63  }
0x361: {  	s2 =	simm.s32 $0x3000  }
0x362: {  	[tilespmem:s2], [sflag:$0x1] =	stream.indirect_vreg.gather [hbm4b:s6+s3], $0x80, v4, vm1, $0xb8;
	[tilespmem:$0x18400] =	vst v63  }
0x363: {  	v4 =	vld [tilespmem:$0x320];
	_ =	sdelay $0x4  }
0x364: {  	v5 =	vshrl.u32 v4, $0x3  }
0x365: {  	v5 =	vmul.u32 $0x18, v5  }
0x366: {  	v4 =	vand.u32 $0x7, v4  }
0x367: {  	v4 =	vor.u32 v4, v5  }
0x368: {  	v5 =	vperm.xlane v4, v1;
	_ =	sdelay $0x1  }
0x369: {  	v5 =	vadd.s32 v2, v5;
	_ =	sdelay $0x1  }
0x36a: {  	v4 =	vperm.xlane v4, v3;
	_ =	sdelay $0x1  }
0x36b: {  	s2 =	simm.s32 $0x3400;
	v4 =	vadd.s32 v2, v4  }
0x36c: {  	[tilespmem:s2], [sflag:$0x1] =	stream.indirect_vreg.gather [hbm4b:s1+s3], $0x80, v5, vm0, $0xb8;
	[tilespmem:$0x18400] =	vst v63  }
0x36d: {  	s2 =	simm.s32 $0x3C00  }
0x36e: {  	[tilespmem:s2], [sflag:$0x1] =	stream.indirect_vreg.gather [hbm4b:s6+s3], $0x80, v5, vm1, $0xb8;
	[tilespmem:$0x18400] =	vst v63  }
0x36f: {  	s2 =	simm.s32 $0x4000  }
0x370: {  	[tilespmem:s2], [sflag:$0x1] =	stream.indirect_vreg.gather [hbm4b:s1+s3], $0x80, v4, vm0, $0xb8;
	[tilespmem:$0x18400] =	vst v63  }
0x371: {  	s2 =	simm.s32 $0x4800  }
0x372: {  	[tilespmem:s2], [sflag:$0x1] =	stream.indirect_vreg.gather [hbm4b:s6+s3], $0x80, v4, vm1, $0xb8;
	[tilespmem:$0x18400] =	vst v63  }
0x373: {  	v4 =	vld [tilespmem:$0x330];
	_ =	sdelay $0x4  }
0x374: {  	v5 =	vshrl.u32 v4, $0x3  }
0x375: {  	v5 =	vmul.u32 $0x18, v5  }
0x376: {  	v4 =	vand.u32 $0x7, v4  }
0x377: {  	v4 =	vor.u32 v4, v5  }
0x378: {  	v5 =	vperm.xlane v4, v1;
	_ =	sdelay $0x1  }
0x379: {  	v5 =	vadd.s32 v2, v5;
	_ =	sdelay $0x1  }
0x37a: {  	v4 =	vperm.xlane v4, v3;
	_ =	sdelay $0x1  }
0x37b: {  	s2 =	simm.s32 $0x4C00;
	v4 =	vadd.s32 v2, v4  }
0x37c: {  	[tilespmem:s2], [sflag:$0x1] =	stream.indirect_vreg.gather [hbm4b:s1+s3], $0x80, v5, vm0, $0xb8;
	[tilespmem:$0x18400] =	vst v63  }
0x37d: {  	s2 =	simm.s32 $0x5400  }
0x37e: {  	[tilespmem:s2], [sflag:$0x1] =	stream.indirect_vreg.gather [hbm4b:s6+s3], $0x80, v5, vm1, $0xb8;
	[tilespmem:$0x18400] =	vst v63  }
0x37f: {  	s2 =	simm.s32 $0x5800  }
0x380: {  	[tilespmem:s2], [sflag:$0x1] =	stream.indirect_vreg.gather [hbm4b:s1+s3], $0x80, v4, vm0, $0xb8;
	[tilespmem:$0x18400] =	vst v63  }
0x381: {  	s2 =	simm.s32 $0x6000  }
0x382: {  	[tilespmem:s2], [sflag:$0x1] =	stream.indirect_vreg.gather [hbm4b:s6+s3], $0x80, v4, vm1, $0xb8;
	[tilespmem:$0x18400] =	vst v63  }
0x383: {  	v4 =	vld [tilespmem:$0x340];
	_ =	sdelay $0x4  }
0x384: {  	v5 =	vshrl.u32 v4, $0x3  }
0x385: {  	v5 =	vmul.u32 $0x18, v5  }
0x386: {  	v4 =	vand.u32 $0x7, v4  }
0x387: {  	v4 =	vor.u32 v4, v5  }
0x388: {  	v5 =	vperm.xlane v4, v1;
	_ =	sdelay $0x1  }
0x389: {  	v5 =	vadd.s32 v2, v5;
	_ =	sdelay $0x1  }
0x38a: {  	v4 =	vperm.xlane v4, v3;
	_ =	sdelay $0x1  }
0x38b: {  	s2 =	simm.s32 $0x6400;
	v4 =	vadd.s32 v2, v4  }
0x38c: {  	[tilespmem:s2], [sflag:$0x1] =	stream.indirect_vreg.gather [hbm4b:s1+s3], $0x80, v5, vm0, $0xb8;
	[tilespmem:$0x18400] =	vst v63  }
0x38d: {  	s2 =	simm.s32 $0x6C00  }
0x38e: {  	[tilespmem:s2], [sflag:$0x1] =	stream.indirect_vreg.gather [hbm4b:s6+s3], $0x80, v5, vm1, $0xb8;
	[tilespmem:$0x18400] =	vst v63  }
0x38f: {  	s2 =	simm.s32 $0x7000  }
0x390: {  	[tilespmem:s2], [sflag:$0x1] =	stream.indirect_vreg.gather [hbm4b:s1+s3], $0x80, v4, vm0, $0xb8;
	[tilespmem:$0x18400] =	vst v63  }
0x391: {  	s2 =	simm.s32 $0x7800  }
0x392: {  	[tilespmem:s2], [sflag:$0x1] =	stream.indirect_vreg.gather [hbm4b:s6+s3], $0x80, v4, vm1, $0xb8;
	[tilespmem:$0x18400] =	vst v63  }
0x393: {  	v4 =	vld [tilespmem:$0x350];
	_ =	sdelay $0x4  }
0x394: {  	v5 =	vshrl.u32 v4, $0x3  }
0x395: {  	v5 =	vmul.u32 $0x18, v5  }
0x396: {  	v4 =	vand.u32 $0x7, v4  }
0x397: {  	v4 =	vor.u32 v4, v5  }
0x398: {  	v5 =	vperm.xlane v4, v1;
	_ =	sdelay $0x1  }
0x399: {  	v5 =	vadd.s32 v2, v5;
	_ =	sdelay $0x1  }
0x39a: {  	v4 =	vperm.xlane v4, v3;
	_ =	sdelay $0x1  }
0x39b: {  	s2 =	simm.s32 $0x7C00;
	v4 =	vadd.s32 v2, v4  }
0x39c: {  	[tilespmem:s2], [sflag:$0x1] =	stream.indirect_vreg.gather [hbm4b:s1+s3], $0x80, v5, vm0, $0xb8;
	[tilespmem:$0x18400] =	vst v63  }
0x39d: {  	s2 =	simm.s32 $0x8400  }
0x39e: {  	[tilespmem:s2], [sflag:$0x1] =	stream.indirect_vreg.gather [hbm4b:s6+s3], $0x80, v5, vm1, $0xb8;
	[tilespmem:$0x18400] =	vst v63  }
0x39f: {  	s2 =	simm.s32 $0x8800  }
0x3a0: {  	[tilespmem:s2], [sflag:$0x1] =	stream.indirect_vreg.gather [hbm4b:s1+s3], $0x80, v4, vm0, $0xb8;
	[tilespmem:$0x18400] =	vst v63  }
0x3a1: {  	s2 =	simm.s32 $0x9000  }
0x3a2: {  	[tilespmem:s2], [sflag:$0x1] =	stream.indirect_vreg.gather [hbm4b:s6+s3], $0x80, v4, vm1, $0xb8;
	[tilespmem:$0x18400] =	vst v63  }
0x3a3: {  	v4 =	vld [tilespmem:$0x360];
	_ =	sdelay $0x4  }
0x3a4: {  	v5 =	vshrl.u32 v4, $0x3  }
0x3a5: {  	v5 =	vmul.u32 $0x18, v5  }
0x3a6: {  	v4 =	vand.u32 $0x7, v4  }
0x3a7: {  	v4 =	vor.u32 v4, v5  }
0x3a8: {  	v5 =	vperm.xlane v4, v1;
	_ =	sdelay $0x1  }
0x3a9: {  	v5 =	vadd.s32 v2, v5;
	_ =	sdelay $0x1  }
0x3aa: {  	v4 =	vperm.xlane v4, v3;
	_ =	sdelay $0x1  }
0x3ab: {  	s2 =	simm.s32 $0x9400;
	v4 =	vadd.s32 v2, v4  }
0x3ac: {  	[tilespmem:s2], [sflag:$0x1] =	stream.indirect_vreg.gather [hbm4b:s1+s3], $0x80, v5, vm0, $0xb8;
	[tilespmem:$0x18400] =	vst v63  }
0x3ad: {  	s2 =	simm.s32 $0x9C00  }
0x3ae: {  	[tilespmem:s2], [sflag:$0x1] =	stream.indirect_vreg.gather [hbm4b:s6+s3], $0x80, v5, vm1, $0xb8;
	[tilespmem:$0x18400] =	vst v63  }
0x3af: {  	s2 =	simm.s32 $0xA000  }
0x3b0: {  	[tilespmem:s2], [sflag:$0x1] =	stream.indirect_vreg.gather [hbm4b:s1+s3], $0x80, v4, vm0, $0xb8;
	[tilespmem:$0x18400] =	vst v63  }
0x3b1: {  	s2 =	simm.s32 $0xA800  }
0x3b2: {  	[tilespmem:s2], [sflag:$0x1] =	stream.indirect_vreg.gather [hbm4b:s6+s3], $0x80, v4, vm1, $0xb8;
	[tilespmem:$0x18400] =	vst v63  }
0x3b3: {  	v4 =	vld [tilespmem:$0x370];
	_ =	sdelay $0x4  }
0x3b4: {  	v5 =	vshrl.u32 v4, $0x3  }
0x3b5: {  	v5 =	vmul.u32 $0x18, v5  }
0x3b6: {  	v4 =	vand.u32 $0x7, v4  }
0x3b7: {  	v4 =	vor.u32 v4, v5  }
0x3b8: {  	v5 =	vperm.xlane v4, v1;
	_ =	sdelay $0x1  }
0x3b9: {  	v5 =	vadd.s32 v2, v5;
	_ =	sdelay $0x1  }
0x3ba: {  	v4 =	vperm.xlane v4, v3;
	_ =	sdelay $0x1  }
0x3bb: {  	s2 =	simm.s32 $0xAC00;
	v4 =	vadd.s32 v2, v4  }
0x3bc: {  	[tilespmem:s2], [sflag:$0x1] =	stream.indirect_vreg.gather [hbm4b:s1+s3], $0x80, v5, vm0, $0xb8;
	[tilespmem:$0x18400] =	vst v63  }
0x3bd: {  	s2 =	simm.s32 $0xB400  }
0x3be: {  	[tilespmem:s2], [sflag:$0x1] =	stream.indirect_vreg.gather [hbm4b:s6+s3], $0x80, v5, vm1, $0xb8;
	[tilespmem:$0x18400] =	vst v63  }
0x3bf: {  	s2 =	simm.s32 $0xB800  }
0x3c0: {  	[tilespmem:s2], [sflag:$0x1] =	stream.indirect_vreg.gather [hbm4b:s1+s3], $0x80, v4, vm0, $0xb8;
	[tilespmem:$0x18400] =	vst v63  }
0x3c1: {  	s2 =	simm.s32 $0xC000  }
0x3c2: {  	[tilespmem:s2], [sflag:$0x1] =	stream.indirect_vreg.gather [hbm4b:s6+s3], $0x80, v4, vm1, $0xb8;
	[tilespmem:$0x18400] =	vst v63  }
0x3c3: {  	_ =	swait.ge [sflag:s31], $0xC000  }
0x3c4: {  	[sflag:s31] =	ssyncset.done $0x0  }
0x3c5: {  	s2 =	rddreg [dreg:$0xa];
	[sflag:s31] =	ssyncadd.s32 $0xFFFF4000  }
0x3c6: {  	[hbm4b:s2+s3] =	stream.linear.scatter [tilespmem:s4], [sflag:$0x3], $0xC000, $0x38;
	[tilespmem:$0x18400] =	vst v63  }
0x3c7: {  	_ =	swait.ge [sflag:s15], $0xC000  }
0x3c8: {  	[sflag:s15] =	ssyncset.done $0x0  }
0x3c9: {  	[sflag:s15] =	ssyncadd.s32 $0xFFFF4000  }
0x3ca: {  	v4 =	vld [tilespmem:$0x380];
	_ =	sdelay $0x4  }
0x3cb: {  	v5 =	vshrl.u32 v4, $0x3  }
0x3cc: {  	v5 =	vmul.u32 $0x18, v5  }
0x3cd: {  	v4 =	vand.u32 $0x7, v4  }
0x3ce: {  	v4 =	vor.u32 v4, v5  }
0x3cf: {  	v5 =	vperm.xlane v4, v1;
	_ =	sdelay $0x1  }
0x3d0: {  	v5 =	vadd.s32 v2, v5;
	_ =	sdelay $0x1  }
0x3d1: {  	v4 =	vperm.xlane v4, v3;
	_ =	sdelay $0x1  }
0x3d2: {  	v4 =	vadd.s32 v2, v4  }
0x3d3: {  	[tilespmem:s4], [sflag:$0x2] =	stream.indirect_vreg.gather [hbm4b:s1+s3], $0x80, v5, vm0, $0xb8;
	[tilespmem:$0x18400] =	vst v63  }
0x3d4: {  	s7 =	simm.s32 $0xCC00  }
0x3d5: {  	[tilespmem:s7], [sflag:$0x2] =	stream.indirect_vreg.gather [hbm4b:s6+s3], $0x80, v5, vm1, $0xb8;
	[tilespmem:$0x18400] =	vst v63  }
0x3d6: {  	s8 =	simm.s32 $0xD000  }
0x3d7: {  	[tilespmem:s8], [sflag:$0x2] =	stream.indirect_vreg.gather [hbm4b:s1+s3], $0x80, v4, vm0, $0xb8;
	[tilespmem:$0x18400] =	vst v63  }
0x3d8: {  	s7 =	simm.s32 $0xD800  }
0x3d9: {  	[tilespmem:s7], [sflag:$0x2] =	stream.indirect_vreg.gather [hbm4b:s6+s3], $0x80, v4, vm1, $0xb8;
	[tilespmem:$0x18400] =	vst v63  }
0x3da: {  	v4 =	vld [tilespmem:$0x390];
	_ =	sdelay $0x4  }
0x3db: {  	v5 =	vshrl.u32 v4, $0x3  }
0x3dc: {  	v5 =	vmul.u32 $0x18, v5  }
0x3dd: {  	v4 =	vand.u32 $0x7, v4  }
0x3de: {  	v4 =	vor.u32 v4, v5  }
0x3df: {  	v5 =	vperm.xlane v4, v1;
	_ =	sdelay $0x1  }
0x3e0: {  	v5 =	vadd.s32 v2, v5;
	_ =	sdelay $0x1  }
0x3e1: {  	v4 =	vperm.xlane v4, v3;
	_ =	sdelay $0x1  }
0x3e2: {  	s8 =	simm.s32 $0xDC00;
	v4 =	vadd.s32 v2, v4  }
0x3e3: {  	[tilespmem:s8], [sflag:$0x2] =	stream.indirect_vreg.gather [hbm4b:s1+s3], $0x80, v5, vm0, $0xb8;
	[tilespmem:$0x18400] =	vst v63  }
0x3e4: {  	s9 =	simm.s32 $0xE400  }
0x3e5: {  	[tilespmem:s9], [sflag:$0x2] =	stream.indirect_vreg.gather [hbm4b:s6+s3], $0x80, v5, vm1, $0xb8;
	[tilespmem:$0x18400] =	vst v63  }
0x3e6: {  	s10 =	simm.s32 $0xE800  }
0x3e7: {  	[tilespmem:s10], [sflag:$0x2] =	stream.indirect_vreg.gather [hbm4b:s1+s3], $0x80, v4, vm0, $0xb8;
	[tilespmem:$0x18400] =	vst v63  }
0x3e8: {  	s10 =	simm.s32 $0xF000  }
0x3e9: {  	[tilespmem:s10], [sflag:$0x2] =	stream.indirect_vreg.gather [hbm4b:s6+s3], $0x80, v4, vm1, $0xb8;
	[tilespmem:$0x18400] =	vst v63  }
0x3ea: {  	v4 =	vld [tilespmem:$0x3A0];
	_ =	sdelay $0x4  }
0x3eb: {  	v5 =	vshrl.u32 v4, $0x3  }
0x3ec: {  	v5 =	vmul.u32 $0x18, v5  }
0x3ed: {  	v4 =	vand.u32 $0x7, v4  }
0x3ee: {  	v4 =	vor.u32 v4, v5  }
0x3ef: {  	v5 =	vperm.xlane v4, v1;
	_ =	sdelay $0x1  }
0x3f0: {  	v5 =	vadd.s32 v2, v5;
	_ =	sdelay $0x1  }
0x3f1: {  	v4 =	vperm.xlane v4, v3;
	_ =	sdelay $0x1  }
0x3f2: {  	s11 =	simm.s32 $0xF400;
	v4 =	vadd.s32 v2, v4  }
0x3f3: {  	[tilespmem:s11], [sflag:$0x2] =	stream.indirect_vreg.gather [hbm4b:s1+s3], $0x80, v5, vm0, $0xb8;
	[tilespmem:$0x18400] =	vst v63  }
0x3f4: {  	s12 =	simm.s32 $0xFC00  }
0x3f5: {  	[tilespmem:s12], [sflag:$0x2] =	stream.indirect_vreg.gather [hbm4b:s6+s3], $0x80, v5, vm1, $0xb8;
	[tilespmem:$0x18400] =	vst v63  }
0x3f6: {  	s13 =	simm.s32 $0x10000  }
0x3f7: {  	[tilespmem:s13], [sflag:$0x2] =	stream.indirect_vreg.gather [hbm4b:s1+s3], $0x80, v4, vm0, $0xb8;
	[tilespmem:$0x18400] =	vst v63  }
0x3f8: {  	s13 =	simm.s32 $0x10800  }
0x3f9: {  	[tilespmem:s13], [sflag:$0x2] =	stream.indirect_vreg.gather [hbm4b:s6+s3], $0x80, v4, vm1, $0xb8;
	[tilespmem:$0x18400] =	vst v63  }
0x3fa: {  	v4 =	vld [tilespmem:$0x3B0];
	_ =	sdelay $0x4  }
0x3fb: {  	v5 =	vshrl.u32 v4, $0x3  }
0x3fc: {  	v5 =	vmul.u32 $0x18, v5  }
0x3fd: {  	v4 =	vand.u32 $0x7, v4  }
0x3fe: {  	v4 =	vor.u32 v4, v5  }
0x3ff: {  	v5 =	vperm.xlane v4, v1;
	_ =	sdelay $0x1  }
0x400: {  	v5 =	vadd.s32 v2, v5;
	_ =	sdelay $0x1  }
0x401: {  	v4 =	vperm.xlane v4, v3;
	_ =	sdelay $0x1  }
0x402: {  	s14 =	simm.s32 $0x10C00;
	v4 =	vadd.s32 v2, v4  }
0x403: {  	[tilespmem:s14], [sflag:$0x2] =	stream.indirect_vreg.gather [hbm4b:s1+s3], $0x80, v5, vm0, $0xb8;
	[tilespmem:$0x18400] =	vst v63  }
0x404: {  	s16 =	simm.s32 $0x11400  }
0x405: {  	[tilespmem:s16], [sflag:$0x2] =	stream.indirect_vreg.gather [hbm4b:s6+s3], $0x80, v5, vm1, $0xb8;
	[tilespmem:$0x18400] =	vst v63  }
0x406: {  	s17 =	simm.s32 $0x11800  }
0x407: {  	[tilespmem:s17], [sflag:$0x2] =	stream.indirect_vreg.gather [hbm4b:s1+s3], $0x80, v4, vm0, $0xb8;
	[tilespmem:$0x18400] =	vst v63  }
0x408: {  	s17 =	simm.s32 $0x12000  }
0x409: {  	[tilespmem:s17], [sflag:$0x2] =	stream.indirect_vreg.gather [hbm4b:s6+s3], $0x80, v4, vm1, $0xb8;
	[tilespmem:$0x18400] =	vst v63  }
0x40a: {  	v4 =	vld [tilespmem:$0x3C0];
	_ =	sdelay $0x4  }
0x40b: {  	v5 =	vshrl.u32 v4, $0x3  }
0x40c: {  	v5 =	vmul.u32 $0x18, v5  }
0x40d: {  	v4 =	vand.u32 $0x7, v4  }
0x40e: {  	v4 =	vor.u32 v4, v5  }
0x40f: {  	v5 =	vperm.xlane v4, v1;
	_ =	sdelay $0x1  }
0x410: {  	v5 =	vadd.s32 v2, v5;
	_ =	sdelay $0x1  }
0x411: {  	v4 =	vperm.xlane v4, v3;
	_ =	sdelay $0x1  }
0x412: {  	s18 =	simm.s32 $0x12400;
	v4 =	vadd.s32 v2, v4  }
0x413: {  	[tilespmem:s18], [sflag:$0x2] =	stream.indirect_vreg.gather [hbm4b:s1+s3], $0x80, v5, vm0, $0xb8;
	[tilespmem:$0x18400] =	vst v63  }
0x414: {  	s19 =	simm.s32 $0x12C00  }
0x415: {  	[tilespmem:s19], [sflag:$0x2] =	stream.indirect_vreg.gather [hbm4b:s6+s3], $0x80, v5, vm1, $0xb8;
	[tilespmem:$0x18400] =	vst v63  }
0x416: {  	s20 =	simm.s32 $0x13000  }
0x417: {  	[tilespmem:s20], [sflag:$0x2] =	stream.indirect_vreg.gather [hbm4b:s1+s3], $0x80, v4, vm0, $0xb8;
	[tilespmem:$0x18400] =	vst v63  }
0x418: {  	s20 =	simm.s32 $0x13800  }
0x419: {  	[tilespmem:s20], [sflag:$0x2] =	stream.indirect_vreg.gather [hbm4b:s6+s3], $0x80, v4, vm1, $0xb8;
	[tilespmem:$0x18400] =	vst v63  }
0x41a: {  	v4 =	vld [tilespmem:$0x3D0];
	_ =	sdelay $0x4  }
0x41b: {  	v5 =	vshrl.u32 v4, $0x3  }
0x41c: {  	v5 =	vmul.u32 $0x18, v5  }
0x41d: {  	v4 =	vand.u32 $0x7, v4  }
0x41e: {  	v4 =	vor.u32 v4, v5  }
0x41f: {  	v5 =	vperm.xlane v4, v1;
	_ =	sdelay $0x1  }
0x420: {  	v5 =	vadd.s32 v2, v5;
	_ =	sdelay $0x1  }
0x421: {  	v4 =	vperm.xlane v4, v3;
	_ =	sdelay $0x1  }
0x422: {  	s21 =	simm.s32 $0x13C00;
	v4 =	vadd.s32 v2, v4  }
0x423: {  	[tilespmem:s21], [sflag:$0x2] =	stream.indirect_vreg.gather [hbm4b:s1+s3], $0x80, v5, vm0, $0xb8;
	[tilespmem:$0x18400] =	vst v63  }
0x424: {  	s22 =	simm.s32 $0x14400  }
0x425: {  	[tilespmem:s22], [sflag:$0x2] =	stream.indirect_vreg.gather [hbm4b:s6+s3], $0x80, v5, vm1, $0xb8;
	[tilespmem:$0x18400] =	vst v63  }
0x426: {  	s23 =	simm.s32 $0x14800  }
0x427: {  	[tilespmem:s23], [sflag:$0x2] =	stream.indirect_vreg.gather [hbm4b:s1+s3], $0x80, v4, vm0, $0xb8;
	[tilespmem:$0x18400] =	vst v63  }
0x428: {  	s22 =	simm.s32 $0x15000  }
0x429: {  	[tilespmem:s22], [sflag:$0x2] =	stream.indirect_vreg.gather [hbm4b:s6+s3], $0x80, v4, vm1, $0xb8;
	[tilespmem:$0x18400] =	vst v63  }
0x42a: {  	v4 =	vld [tilespmem:$0x3E0];
	_ =	sdelay $0x4  }
0x42b: {  	v5 =	vshrl.u32 v4, $0x3  }
0x42c: {  	v5 =	vmul.u32 $0x18, v5  }
0x42d: {  	v4 =	vand.u32 $0x7, v4  }
0x42e: {  	v4 =	vor.u32 v4, v5  }
0x42f: {  	v5 =	vperm.xlane v4, v1;
	_ =	sdelay $0x1  }
0x430: {  	v5 =	vadd.s32 v2, v5;
	_ =	sdelay $0x1  }
0x431: {  	v4 =	vperm.xlane v4, v3;
	_ =	sdelay $0x1  }
0x432: {  	s24 =	simm.s32 $0x15400;
	v4 =	vadd.s32 v2, v4  }
0x433: {  	[tilespmem:s24], [sflag:$0x2] =	stream.indirect_vreg.gather [hbm4b:s1+s3], $0x80, v5, vm0, $0xb8;
	[tilespmem:$0x18400] =	vst v63  }
0x434: {  	s25 =	simm.s32 $0x15C00  }
0x435: {  	[tilespmem:s25], [sflag:$0x2] =	stream.indirect_vreg.gather [hbm4b:s6+s3], $0x80, v5, vm1, $0xb8;
	[tilespmem:$0x18400] =	vst v63  }
0x436: {  	s26 =	simm.s32 $0x16000  }
0x437: {  	[tilespmem:s26], [sflag:$0x2] =	stream.indirect_vreg.gather [hbm4b:s1+s3], $0x80, v4, vm0, $0xb8;
	[tilespmem:$0x18400] =	vst v63  }
0x438: {  	s23 =	simm.s32 $0x16800  }
0x439: {  	[tilespmem:s23], [sflag:$0x2] =	stream.indirect_vreg.gather [hbm4b:s6+s3], $0x80, v4, vm1, $0xb8;
	[tilespmem:$0x18400] =	vst v63  }
0x43a: {  	v4 =	vld [tilespmem:$0x3F0];
	_ =	sdelay $0x4  }
0x43b: {  	v5 =	vshrl.u32 v4, $0x3  }
0x43c: {  	v5 =	vmul.u32 $0x18, v5  }
0x43d: {  	v4 =	vand.u32 $0x7, v4  }
0x43e: {  	v4 =	vor.u32 v4, v5  }
0x43f: {  	v5 =	vperm.xlane v4, v1;
	_ =	sdelay $0x1  }
0x440: {  	v5 =	vadd.s32 v2, v5;
	_ =	sdelay $0x1  }
0x441: {  	v4 =	vperm.xlane v4, v3;
	_ =	sdelay $0x1  }
0x442: {  	s28 =	simm.s32 $0x16C00;
	v4 =	vadd.s32 v2, v4  }
0x443: {  	[tilespmem:s28], [sflag:$0x2] =	stream.indirect_vreg.gather [hbm4b:s1+s3], $0x80, v5, vm0, $0xb8;
	[tilespmem:$0x18400] =	vst v63  }
0x444: {  	s29 =	simm.s32 $0x17400  }
0x445: {  	[tilespmem:s29], [sflag:$0x2] =	stream.indirect_vreg.gather [hbm4b:s6+s3], $0x80, v5, vm1, $0xb8;
	[tilespmem:$0x18400] =	vst v63  }
0x446: {  	s24 =	simm.s32 $0x17800  }
0x447: {  	[tilespmem:s24], [sflag:$0x2] =	stream.indirect_vreg.gather [hbm4b:s1+s3], $0x80, v4, vm0, $0xb8;
	[tilespmem:$0x18400] =	vst v63  }
0x448: {  	s25 =	simm.s32 $0x18000  }
0x449: {  	[tilespmem:s25], [sflag:$0x2] =	stream.indirect_vreg.gather [hbm4b:s6+s3], $0x80, v4, vm1, $0xb8;
	[tilespmem:$0x18400] =	vst v63  }
0x44a: {  	_ =	swait.ge [sflag:s30], $0xC000  }
0x44b: {  	[sflag:s30] =	ssyncset.done $0x0  }
0x44c: {  	s26 =	rddreg [dreg:$0xb];
	[sflag:s30] =	ssyncadd.s32 $0xFFFF4000  }
0x44d: {  	[hbm4b:s26+s3] =	stream.linear.scatter [tilespmem:s5], [sflag:$0x3], $0xC000, $0x38;
	[tilespmem:$0x18400] =	vst v63  }
0x44e: {  	_ =	swait.ge [sflag:s15], $0xC000  }
0x44f: {  	[sflag:s15] =	ssyncset.done $0x0  }
0x450: {  	[sflag:s15] =	ssyncadd.s32 $0xFFFF4000  }
0x451: {  	_ =	swait.ge [sflag:s31], $0xC000  }
0x452: {  	[sflag:s31] =	ssyncset.done $0x0  }
0x453: {  	s28 =	rddreg [dreg:$0xc];
	[sflag:s31] =	ssyncadd.s32 $0xFFFF4000  }
0x454: {  	[hbm4b:s28+s3] =	stream.linear.scatter [tilespmem:s4], [sflag:$0x3], $0xC000, $0x38;
	[tilespmem:$0x18400] =	vst v63  }
0x455: {  	_ =	swait.ge [sflag:s15], $0xC000  }
0x456: {  	s0 =	sadd.s32 $0x1, s0;
	s29 =	rddreg [dreg:$0xd]  }
0x457: {  	p0 =	sne.s32 s0, s29  }
.Ltmp1:
0x458: {  	_ = 	snop;
	(pc) =	sbr.rel @p0 .LBB2_1-.Ltmp1, $3  }
0x459: {  	_ =	sdelay $0x1  }
0x45a: {  	[sflag:s15] =	ssyncset.done $0x0  }
0x45b: {  	[sflag:s15] =	ssyncadd.s32 $0xFFFF4000  }
0x45c: {  	_ =	sfence.sel $0x180000  }
0x45d: {  	[bflag:$0x0] =	sbarrier.arrive $0xFFFF  }
0x45e: {  	_ =	strace $0x9000004A  }
0x45f: {  	s0 =	stileid.u32;
	[bflag:$0x2] =	sbarrier.arrive $0xFFFF  }
0x460: {  	p0 =	sne.s32 s0, $0x0;
	s0 =	rddreg [dreg:$0x3]  }
0x461: {  	s0 =	sadd.s32 @!p0 $0x100000, s0  }
0x462: {  	[sflag:s0] =	ssyncadd.tile.s32 @!p0 $0x1;
	_ =	shalt  }
.Lfunc_end2:
_tile_overlayer_lowered:
.L_overlay_start_2:
0x463: {  	(tag) =	ssettag $0x2  }
0x464: {  	s0 =	rddreg [dreg:$0x0];
	s2 =	stileid.u32  }
0x465: {  	s1 =	rddreg [dreg:$0x1];
	p0 =	sne.s32 s2, $0x0  }
0x466: {  	s3 =	rddreg [dreg:$0x2];
	[bflag:$0x3] =	sbarrier.arrive $0xFFFF;
	s2 =	simm.s32 @!p0 $0x1C03  }
0x467: {  	[timem:s3], [sflag:s2] =	dma.local @!p0 [hbm:s0], s1  }
0x468: {  	s0 =	simm.s32 @!p0 $0x3  }
0x469: {  	_ =	swait.ge @!p0 [sflag:s0], s1  }
0x46a: {  	s1 =	ssub.s32 @!p0 $0x0, s1;
	[sflag:s0] =	ssyncset.done @!p0 $0x0  }
0x46b: {  	[sflag:s0] =	ssyncadd.s32 @!p0 s1  }
0x46c: {  	[bflag:$0x3] =	sbarrier.arrive $0xFFFF  }
0x46d: {  	_ =	shalt  }

</sc_bundles>
